<compile_context>
chip_gen: v7x
topology: tpu7x:2x2x1
jax: 0.10.2.dev20260603
libtpu: 0.0.44.dev20260713+nightly
codegen_flags: <defaults>
</compile_context>

<pallas_src>
import jax
import jax.numpy as jnp
from jax import lax
from jax.experimental import pallas as pl
from jax.experimental.pallas import tpu as pltpu
from jax.experimental.pallas import tpu_sc as plsc

N = 10000
E = 320000
D = 128
DE = 16

NC = 2
NS = 16
NW = NC * NS
EPT = E // NW
CH = 80
NCHK = EPT // CH
L = 16
NPT = N // NS

_MESH = plsc.VectorSubcoreMesh(
    core_axis_name="c", subcore_axis_name="s", num_cores=NC, num_subcores=NS)
_SC_PARAMS = pltpu.CompilerParams(
    needs_layout_passes=False, use_tc_tiling_on_sc=False)

f32 = jnp.float32
i32 = jnp.int32


def _att2(h, att_ref):
    return lax.dot_general(att_ref[...], h, (((0,), (1,)), ((), ())),
                           preferred_element_type=f32)


def _node_mm(x, w, att):
    def body(x_ref, w_ref, att_ref, h_ref, a_ref, m_ref):
        h = jnp.dot(x_ref[...], w_ref[...], preferred_element_type=f32)
        h_ref[...] = h
        a = _att2(h, att_ref)
        a_ref[...] = a
        m_ref[0, :] = jnp.max(a, axis=1)

    return pl.pallas_call(
        body,
        out_shape=[
            jax.ShapeDtypeStruct((N, D), f32),
            jax.ShapeDtypeStruct((2, N), f32),
            jax.ShapeDtypeStruct((1, 2), f32),
        ],
    )(x, w, att)


def _edge_mv(flr, bmat):
    B = 1000

    def body(fl_ref, b_ref, ae_ref, m_ref):
        i = pl.program_id(0)
        a = jnp.dot(fl_ref[...], b_ref[...], preferred_element_type=f32)
        ae_ref[...] = a
        cur = jnp.stack([jnp.max(a[:, 0:8]), jnp.max(a[:, 8:16])])

        @pl.when(i == 0)
        def _():
            m_ref[0, :] = cur

        @pl.when(i > 0)
        def _():
            m_ref[0, :] = jnp.maximum(m_ref[0, :], cur)

    return pl.pallas_call(
        body,
        grid=(E // 8 // B,),
        in_specs=[
            pl.BlockSpec((B, D), lambda i: (i, 0)),
            pl.BlockSpec((D, DE), lambda i: (0, 0)),
        ],
        out_specs=[
            pl.BlockSpec((B, DE), lambda i: (i, 0)),
            pl.BlockSpec((1, 2), lambda i: (0, 0)),
        ],
        out_shape=[
            jax.ShapeDtypeStruct((E // 8, DE), f32),
            jax.ShapeDtypeStruct((1, 2), f32),
        ],
    )(flr, bmat)


def _make_edge_scalar(first):
    out_type = [jax.ShapeDtypeStruct((NW, EPT), f32),
                jax.ShapeDtypeStruct((NW, N), f32),
                jax.ShapeDtypeStruct((NW, N), f32)]
    scratch = [
        pltpu.VMEM((N,), f32),
        pltpu.VMEM((N,), f32),
        pltpu.VMEM((EPT,), i32),
        pltpu.VMEM((EPT,), i32),
        pltpu.VMEM((EPT // 8, DE), f32),
        pltpu.VMEM((EPT,), f32),
        pltpu.VMEM((N,), f32),
        pltpu.VMEM((N,), f32),
        pltpu.VMEM((L,), f32),
    ]
    if first:
        out_type += [jax.ShapeDtypeStruct((NW, N), f32)]
        scratch += [pltpu.VMEM((N,), f32)]

    def body(asd_hbm, ei_hbm, ae_hbm, c_hbm, *rest):
        if first:
            (ex_hbm, es_hbm, sae_hbm, deg_hbm,
             asv, adv, srcv, dstv, aev, exv, esv, saev, cv, degv) = rest
        else:
            (ex_hbm, es_hbm, sae_hbm,
             asv, adv, srcv, dstv, aev, exv, esv, saev, cv) = rest
            degv = None
        wid = lax.axis_index("s") * NC + lax.axis_index("c")
        off = pl.multiple_of(wid * EPT, 8)
        pltpu.sync_copy(asd_hbm.at[0], asv)
        pltpu.sync_copy(asd_hbm.at[1], adv)
        pltpu.sync_copy(ei_hbm.at[0, pl.ds(off, EPT)], srcv)
        pltpu.sync_copy(ei_hbm.at[1, pl.ds(off, EPT)], dstv)
        pltpu.sync_copy(ae_hbm.at[pl.ds(wid * (EPT // 8), EPT // 8)], aev)
        pltpu.sync_copy(c_hbm, cv)

        zz = jnp.zeros((L,), f32)

        def zbody(i, _):
            esv[pl.ds(i * L, L)] = zz
            saev[pl.ds(i * L, L)] = zz
            if first:
                degv[pl.ds(i * L, L)] = zz
            return 0

        lax.fori_loop(0, N // L, zbody, 0)

        cvec = cv[...]
        ones = jnp.full((L,), 1.0, f32)
        lane = lax.iota(i32, L)
        rofs = lane // 8
        cofs = (lane % 8) + (0 if first else 8)

        def ebody(i, _):
            sl = pl.ds(i * L, L)
            s = srcv[sl]
            d = dstv[sl]
            ae = plsc.load_gather(aev, [2 * i + rofs, cofs])
            z = plsc.load_gather(asv, [s]) + plsc.load_gather(adv, [d]) + ae
            alpha = jnp.maximum(z, 0.2 * z)
            ex = jnp.exp(alpha - cvec)
            exv[sl] = ex
            plsc.addupdate_scatter(esv, [d], ex)
            plsc.addupdate_scatter(saev, [d], ae)
            if first:
                plsc.addupdate_scatter(degv, [d], ones)
            return 0

        lax.fori_loop(0, EPT // L, ebody, 0)

        pltpu.sync_copy(exv, ex_hbm.at[wid])
        pltpu.sync_copy(esv, es_hbm.at[wid])
        pltpu.sync_copy(saev, sae_hbm.at[wid])
        if first:
            pltpu.sync_copy(degv, deg_hbm.at[wid])

    return pl.kernel(body, out_type=out_type, mesh=_MESH, scratch_types=scratch,
                     compiler_params=_SC_PARAMS,
                     name="edge_scalar_l1" if first else "edge_scalar_l2")


_edge_scalar_l1 = _make_edge_scalar(True)
_edge_scalar_l2 = _make_edge_scalar(False)


def _row_pass_body(h_hbm, ei_hbm, ex_hbm, z_hbm, num_hbm,
                   srcv, dstv, rows0, rows1, exb0, exb1, acc,
                   rsem0, rsem1, esem0, esem1):
    cid = lax.axis_index("c")
    sid = lax.axis_index("s")
    wid = sid * NC + cid
    off = pl.multiple_of(wid * EPT, 8)
    pltpu.sync_copy(ei_hbm.at[0, pl.ds(off, EPT)], srcv)
    pltpu.sync_copy(ei_hbm.at[1, pl.ds(off, EPT)], dstv)
    pltpu.sync_copy(z_hbm, acc.at[pl.ds(sid * NPT, NPT)])
    plsc.subcore_barrier()

    rows = (rows0, rows1)
    exb = (exb0, exb1)
    rsem = (rsem0, rsem1)
    esem = (esem0, esem1)

    def start(c, b):
        pltpu.async_copy(h_hbm.at[srcv.at[pl.ds(c * CH, CH)]], rows[b], rsem[b])
        pltpu.async_copy(ex_hbm.at[wid, pl.ds(c * CH, CH)], exb[b], esem[b])

    def finish(c, b):
        pltpu.make_async_copy(h_hbm.at[pl.ds(0, CH)], rows[b], rsem[b]).wait()
        pltpu.make_async_copy(ex_hbm.at[0, pl.ds(0, CH)], exb[b], esem[b]).wait()

        def scale(e, _):
            eidx = jnp.full((L,), 0, i32) + e
            s = plsc.load_gather(exb[b], [eidx])
            for k in range(D // L):
                sl = pl.ds(k * L, L)
                rows[b][e, sl] = rows[b][e, sl] * s
            return 0

        lax.fori_loop(0, CH, scale, 0)
        pltpu.sync_copy(rows[b], acc.at[dstv.at[pl.ds(c * CH, CH)]], add=True)

    start(0, 0)

    def gbody(g, _):
        c0 = 2 * g
        start(c0 + 1, 1)
        finish(c0, 0)

        @pl.when(g < NCHK // 2 - 1)
        def _():
            start(c0 + 2, 0)

        finish(c0 + 1, 1)
        return 0

    lax.fori_loop(0, NCHK // 2, gbody, 0)
    start(NCHK - 1, 0)
    finish(NCHK - 1, 0)

    plsc.subcore_barrier()
    pltpu.sync_copy(acc.at[pl.ds(sid * NPT, NPT)],
                    num_hbm.at[cid, pl.ds(sid * NPT, NPT)])


_row_pass = pl.kernel(
    _row_pass_body,
    out_type=[jax.ShapeDtypeStruct((NC, N, D), f32)],
    mesh=_MESH,
    scratch_types=[
        pltpu.VMEM((EPT,), i32),
        pltpu.VMEM((EPT,), i32),
        pltpu.VMEM((CH, D), f32),
        pltpu.VMEM((CH, D), f32),
        pltpu.VMEM((CH,), f32),
        pltpu.VMEM((CH,), f32),
        pltpu.VMEM_SHARED((N, D), f32),
        pltpu.SemaphoreType.DMA,
        pltpu.SemaphoreType.DMA,
        pltpu.SemaphoreType.DMA,
        pltpu.SemaphoreType.DMA,
    ],
    compiler_params=_SC_PARAMS,
    name="row_pass",
)


def _combine_core(nump_ref, degp_ref, saep_ref, esp_ref, a_ref, h_ref, c_ref,
                  b_ref):
    deg = jnp.sum(degp_ref[...], axis=0)
    sae = jnp.sum(saep_ref[...], axis=0)
    es = jnp.sum(esp_ref[...], axis=0)
    z = a_ref[0, :] + a_ref[1, :] + sae / jnp.maximum(deg, 1.0)
    alpha = jnp.maximum(z, 0.2 * z)
    selfw = jnp.exp(alpha - c_ref[0, 0])
    denom = es + selfw
    num = nump_ref[0] + nump_ref[1] + selfw[:, None] * h_ref[...]
    return num / denom[:, None] + b_ref[...]


def _combine_mm(num_p, deg_p, sae_p, es_p, a, h, c, b, w, att):
    def body(nump_ref, degp_ref, saep_ref, esp_ref, a_ref, h_ref, c_ref,
             b_ref, w_ref, att_ref, h2_ref, a2_ref, m_ref):
        out = _combine_core(nump_ref, degp_ref, saep_ref, esp_ref, a_ref,
                            h_ref, c_ref, b_ref)
        h2 = jnp.dot(jax.nn.relu(out), w_ref[...], preferred_element_type=f32)
        h2_ref[...] = h2
        a2 = _att2(h2, att_ref)
        a2_ref[...] = a2
        m_ref[0, :] = jnp.max(a2, axis=1)

    return pl.pallas_call(
        body,
        out_shape=[
            jax.ShapeDtypeStruct((N, D), f32),
            jax.ShapeDtypeStruct((2, N), f32),
            jax.ShapeDtypeStruct((1, 2), f32),
        ],
    )(num_p, deg_p, sae_p, es_p, a, h, c, b, w, att)


def _combine_final(num_p, deg_p, sae_p, es_p, a, h, c, b):
    def body(nump_ref, degp_ref, saep_ref, esp_ref, a_ref, h_ref, c_ref,
             b_ref, out_ref):
        out_ref[...] = _combine_core(nump_ref, degp_ref, saep_ref, esp_ref,
                                     a_ref, h_ref, c_ref, b_ref)

    return pl.pallas_call(
        body,
        out_shape=jax.ShapeDtypeStruct((N, D), f32),
    )(num_p, deg_p, sae_p, es_p, a, h, c, b)


def kernel(x, edge_index, flepe, W1, att_src1, att_dst1, W_edge1, att_edge1, b1,
           W2, att_src2, att_dst2, W_edge2, att_edge2, b2):
    zeros = jnp.zeros((NPT, D), f32)

    eye8 = jnp.eye(8, dtype=f32)
    bmat = jnp.concatenate(
        [jnp.kron(eye8, (W_edge1 @ att_edge1)[:, None]),
         jnp.kron(eye8, (W_edge2 @ att_edge2)[:, None])], axis=1)
    ae, ae_m = _edge_mv(flepe.reshape(E // 8, D), bmat)
    ae_max = ae_m[0]

    h1, a1, m1 = _node_mm(x, W1, jnp.stack([att_src1, att_dst1], axis=1))
    c1 = jnp.maximum(m1[0, 0] + m1[0, 1] + ae_max[0], 0.0)
    ex1, es1_p, sae1_p, deg_p = _edge_scalar_l1(
        a1, edge_index, ae, jnp.full((L,), c1, f32))
    num1_p, = _row_pass(h1, edge_index, ex1, zeros)
    h2, a2, m2 = _combine_mm(num1_p, deg_p, sae1_p, es1_p, a1, h1,
                             c1.reshape(1, 1), b1[None, :], W2,
                             jnp.stack([att_src2, att_dst2], axis=1))

    c2 = jnp.maximum(m2[0, 0] + m2[0, 1] + ae_max[1], 0.0)
    ex2, es2_p, sae2_p = _edge_scalar_l2(
        a2, edge_index, ae, jnp.full((L,), c2, f32))
    num2_p, = _row_pass(h2, edge_index, ex2, zeros)
    return _combine_final(num2_p, deg_p, sae2_p, es2_p, a2, h2,
                          c2.reshape(1, 1), b2[None, :])

# --- scband reference (transcript-rebuilt; emitter-appended) ---
"""Pipeline reference for scband-gat-flepe-35270271435479 (READ-ONLY COPY).

The authoritative reference and input builder live on the scoring server;
editing this copy changes nothing except your own understanding.
"""

import jax, jax.numpy as jnp
import numpy as np

N_NODES = 10000
N_EDGES = 320000
D_IN = 128
D_HID = 128
D_OUT = 128
D_EDGE = 16


def _gat_conv(x, edge_index, edge_attr, W, att_src, att_dst, W_edge, att_edge, bias):
    # Faithful single-head PyG GATConv with edge_dim: linear transform,
    # additive attention (src + dst + edge terms), leaky_relu(0.2),
    # softmax over incoming edges per dst node, self-loops added with
    # fill_value='mean' semantics for edge attributes.
    N = x.shape[0]
    src, dst = edge_index[0], edge_index[1]
    # self-loop edge_attr = per-dst mean of incoming edge attrs (PyG fill_value='mean')
    deg = jax.ops.segment_sum(jnp.ones(src.shape[0], dtype=x.dtype), dst, num_segments=N)
    loop_attr = jax.ops.segment_sum(edge_attr, dst, num_segments=N) / jnp.maximum(deg, 1.0)[:, None]
    loop = jnp.arange(N, dtype=edge_index.dtype)
    fsrc = jnp.concatenate([src, loop])
    fdst = jnp.concatenate([dst, loop])
    fattr = jnp.concatenate([edge_attr, loop_attr], axis=0)
    h = x @ W                      # [N, C]
    e = fattr @ W_edge             # [E+N, C]
    alpha = (h @ att_src)[fsrc] + (h @ att_dst)[fdst] + (e @ att_edge)
    alpha = jax.nn.leaky_relu(alpha, 0.2)
    amax = jax.lax.stop_gradient(jax.ops.segment_max(alpha, fdst, num_segments=N))
    ex = jnp.exp(alpha - amax[fdst])
    denom = jax.ops.segment_sum(ex, fdst, num_segments=N)
    coef = ex / denom[fdst]
    out = jax.ops.segment_sum(coef[:, None] * h[fsrc], fdst, num_segments=N)
    return out + bias


def setup_inputs(seed: int = 0) -> dict:
    key = jax.random.key(seed)
    ks = jax.random.split(key, 16)
    x = jax.random.normal(ks[0], (N_NODES, D_IN), dtype=jnp.float32)
    edge_index = jax.random.randint(ks[1], (2, N_EDGES), 0, N_NODES, dtype=jnp.int32)
    flepe = jax.random.normal(ks[2], (N_EDGES, D_EDGE), dtype=jnp.float32)
    s1 = 1.0 / np.sqrt(D_IN)
    s2 = 1.0 / np.sqrt(D_HID)
    se = 1.0 / np.sqrt(D_EDGE)
    sa1 = 1.0 / np.sqrt(D_HID)
    sa2 = 1.0 / np.sqrt(D_OUT)
    params = {
        'W1': jax.random.normal(ks[3], (D_IN, D_HID), dtype=jnp.float32) * s1,
        'att_src1': jax.random.normal(ks[4], (D_HID,), dtype=jnp.float32) * sa1,
        'att_dst1': jax.random.normal(ks[5], (D_HID,), dtype=jnp.float32) * sa1,
        'W_edge1': jax.random.normal(ks[6], (D_EDGE, D_HID), dtype=jnp.float32) * se,
        'att_edge1': jax.random.normal(ks[7], (D_HID,), dtype=jnp.float32) * sa1,
        'b1': jnp.zeros((D_HID,), dtype=jnp.float32),
        'W2': jax.random.normal(ks[8], (D_HID, D_OUT), dtype=jnp.float32) * s2,
        'att_src2': jax.random.normal(ks[9], (D_OUT,), dtype=jnp.float32) * sa2,
        'att_dst2': jax.random.normal(ks[10], (D_OUT,), dtype=jnp.float32) * sa2,
        'W_edge2': jax.random.normal(ks[11], (D_EDGE, D_OUT), dtype=jnp.float32) * se,
        'att_edge2': jax.random.normal(ks[12], (D_OUT,), dtype=jnp.float32) * sa2,
        'b2': jnp.zeros((D_OUT,), dtype=jnp.float32),
    }
    return {'x': x, 'edge_index': edge_index, 'flepe': flepe, **params}


def reference(x, edge_index, flepe, W1, att_src1, att_dst1, W_edge1, att_edge1, b1, W2, att_src2, att_dst2, W_edge2, att_edge2, b2):
    # eval mode: dropout(p=0.5, training=False) is identity
    h = _gat_conv(x, edge_index, flepe, W1, att_src1, att_dst1, W_edge1, att_edge1, b1)
    h = jax.nn.relu(h)
    out = _gat_conv(h, edge_index, flepe, W2, att_src2, att_dst2, W_edge2, att_edge2, b2)
    return out

if __name__ == "__main__":
    import jax
    _d = setup_inputs()
    print(jax.jit(kernel)(*tuple(_d.values())))

</pallas_src>

<mosaic_0001>
#map = affine_map<(d0, d1) -> (0, 0)>
#map1 = affine_map<(d0, d1) -> (0)>
module attributes {stable_mosaic.version = 14 : i64} {
  func.func @edge_scalar_l1(%arg0: i32, %arg1: i32, %arg2: memref<2x10000xf32, #tpu.memory_space<hbm>>, %arg3: memref<2x320000xi32, #tpu.memory_space<hbm>>, %arg4: memref<40000x16xf32, #tpu.memory_space<hbm>>, %arg5: memref<16xf32, #tpu.memory_space<hbm>>, %arg6: memref<32x10000xf32, #tpu.memory_space<hbm>>, %arg7: memref<32x10000xf32, #tpu.memory_space<hbm>>, %arg8: memref<32x10000xf32, #tpu.memory_space<hbm>>, %arg9: memref<32x10000xf32, #tpu.memory_space<hbm>>, %arg10: memref<10000xf32, #tpu.memory_space<vmem>>, %arg11: memref<10000xf32, #tpu.memory_space<vmem>>, %arg12: memref<10000xi32, #tpu.memory_space<vmem>>, %arg13: memref<10000xi32, #tpu.memory_space<vmem>>, %arg14: memref<1250x16xf32, #tpu.memory_space<vmem>>, %arg15: memref<10000xf32, #tpu.memory_space<vmem>>, %arg16: memref<10000xf32, #tpu.memory_space<vmem>>, %arg17: memref<10000xf32, #tpu.memory_space<vmem>>, %arg18: memref<16xf32, #tpu.memory_space<vmem>>, %arg19: memref<10000xf32, #tpu.memory_space<vmem>>) attributes {dimension_semantics = [#tpu.dimension_semantics<core_parallel>, #tpu.dimension_semantics<subcore_parallel>], iteration_bounds = array<i64: 2, 16>, scalar_prefetch = 0 : i64, scratch_operands = 10 : i64, tpu.core_type = #tpu.core_type<sc_vector_subcore>, window_params = [{transform_indices = #map}, {transform_indices = #map}, {transform_indices = #map}, {transform_indices = #map1}, {transform_indices = #map}, {transform_indices = #map}, {transform_indices = #map}, {transform_indices = #map}]} {
    %mul3A = arith.constant 2 : i32
    %mul3A_0 = arith.muli %arg1, %mul3A : i32
    %add3A = arith.addi %mul3A_0, %arg0 : i32
    %mul3A_1 = arith.constant 10000 : i32
    %mul3A_2 = arith.muli %add3A, %mul3A_1 : i32
    %multiple_of3A = tpu.assume_multiple %mul3A_2, 8 : i32
    %run_scoped3A = arith.constant 0 : i32
    "tpu.region"() ({
      %run_scoped3A_71 = tpu.sem_alloc : memref<!tpu.dma_semaphore, #tpu.memory_space<semaphore_mem>>
      %dma_start3A = arith.constant 0 : i32
      %dma_start3A_72 = tpu.memref_slice %arg2[%run_scoped3A, %dma_start3A] : memref<2x10000xf32, #tpu.memory_space<hbm>> -> memref<1x10000xf32, #tpu.memory_space<hbm>>
      %dma_start3A_73 = tpu.memref_squeeze %dma_start3A_72 : memref<1x10000xf32, #tpu.memory_space<hbm>> -> memref<10000xf32, #tpu.memory_space<hbm>>
      %dma_start3A_74 = arith.constant 0 : i32
      %dma_start3A_75 = tpu.memref_slice %arg2[%run_scoped3A, %dma_start3A_74] : memref<2x10000xf32, #tpu.memory_space<hbm>> -> memref<1x10000xf32, #tpu.memory_space<hbm>>
      %dma_start3A_76 = tpu.memref_squeeze %dma_start3A_75 : memref<1x10000xf32, #tpu.memory_space<hbm>> -> memref<10000xf32, #tpu.memory_space<hbm>>
      tpu.enqueue_dma source(%dma_start3A_76 : memref<10000xf32, #tpu.memory_space<hbm>>) target(%arg10 : memref<10000xf32, #tpu.memory_space<vmem>>) target_semaphore(%run_scoped3A_71 : memref<!tpu.dma_semaphore, #tpu.memory_space<semaphore_mem>>)
      %dma_wait3A = arith.constant 0 : i32
      %dma_wait3A_77 = tpu.memref_slice %arg2[%run_scoped3A, %dma_wait3A] : memref<2x10000xf32, #tpu.memory_space<hbm>> -> memref<1x10000xf32, #tpu.memory_space<hbm>>
      %dma_wait3A_78 = tpu.memref_squeeze %dma_wait3A_77 : memref<1x10000xf32, #tpu.memory_space<hbm>> -> memref<10000xf32, #tpu.memory_space<hbm>>
      %dma_wait3A_79 = arith.constant 0 : i32
      %dma_wait3A_80 = tpu.memref_slice %arg2[%run_scoped3A, %dma_wait3A_79] : memref<2x10000xf32, #tpu.memory_space<hbm>> -> memref<1x10000xf32, #tpu.memory_space<hbm>>
      %dma_wait3A_81 = tpu.memref_squeeze %dma_wait3A_80 : memref<1x10000xf32, #tpu.memory_space<hbm>> -> memref<10000xf32, #tpu.memory_space<hbm>>
      tpu.wait_dma2 semaphore(%run_scoped3A_71 : memref<!tpu.dma_semaphore, #tpu.memory_space<semaphore_mem>>) src(%dma_wait3A_81 : memref<10000xf32, #tpu.memory_space<hbm>>) dst(%arg10 : memref<10000xf32, #tpu.memory_space<vmem>>)
      tpu.yield
    }) : () -> ()
    %run_scoped3A_3 = arith.constant 1 : i32
    "tpu.region"() ({
      %run_scoped3A_71 = tpu.sem_alloc : memref<!tpu.dma_semaphore, #tpu.memory_space<semaphore_mem>>
      %dma_start3A = arith.constant 0 : i32
      %dma_start3A_72 = tpu.memref_slice %arg2[%run_scoped3A_3, %dma_start3A] : memref<2x10000xf32, #tpu.memory_space<hbm>> -> memref<1x10000xf32, #tpu.memory_space<hbm>>
      %dma_start3A_73 = tpu.memref_squeeze %dma_start3A_72 : memref<1x10000xf32, #tpu.memory_space<hbm>> -> memref<10000xf32, #tpu.memory_space<hbm>>
      %dma_start3A_74 = arith.constant 0 : i32
      %dma_start3A_75 = tpu.memref_slice %arg2[%run_scoped3A_3, %dma_start3A_74] : memref<2x10000xf32, #tpu.memory_space<hbm>> -> memref<1x10000xf32, #tpu.memory_space<hbm>>
      %dma_start3A_76 = tpu.memref_squeeze %dma_start3A_75 : memref<1x10000xf32, #tpu.memory_space<hbm>> -> memref<10000xf32, #tpu.memory_space<hbm>>
      tpu.enqueue_dma source(%dma_start3A_76 : memref<10000xf32, #tpu.memory_space<hbm>>) target(%arg11 : memref<10000xf32, #tpu.memory_space<vmem>>) target_semaphore(%run_scoped3A_71 : memref<!tpu.dma_semaphore, #tpu.memory_space<semaphore_mem>>)
      %dma_wait3A = arith.constant 0 : i32
      %dma_wait3A_77 = tpu.memref_slice %arg2[%run_scoped3A_3, %dma_wait3A] : memref<2x10000xf32, #tpu.memory_space<hbm>> -> memref<1x10000xf32, #tpu.memory_space<hbm>>
      %dma_wait3A_78 = tpu.memref_squeeze %dma_wait3A_77 : memref<1x10000xf32, #tpu.memory_space<hbm>> -> memref<10000xf32, #tpu.memory_space<hbm>>
      %dma_wait3A_79 = arith.constant 0 : i32
      %dma_wait3A_80 = tpu.memref_slice %arg2[%run_scoped3A_3, %dma_wait3A_79] : memref<2x10000xf32, #tpu.memory_space<hbm>> -> memref<1x10000xf32, #tpu.memory_space<hbm>>
      %dma_wait3A_81 = tpu.memref_squeeze %dma_wait3A_80 : memref<1x10000xf32, #tpu.memory_space<hbm>> -> memref<10000xf32, #tpu.memory_space<hbm>>
      tpu.wait_dma2 semaphore(%run_scoped3A_71 : memref<!tpu.dma_semaphore, #tpu.memory_space<semaphore_mem>>) src(%dma_wait3A_81 : memref<10000xf32, #tpu.memory_space<hbm>>) dst(%arg11 : memref<10000xf32, #tpu.memory_space<vmem>>)
      tpu.yield
    }) : () -> ()
    %run_scoped3A_4 = arith.constant 0 : i32
    "tpu.region"() ({
      %run_scoped3A_71 = tpu.sem_alloc : memref<!tpu.dma_semaphore, #tpu.memory_space<semaphore_mem>>
      %dma_start3A = tpu.memref_slice %arg3[%run_scoped3A_4, %multiple_of3A] : memref<2x320000xi32, #tpu.memory_space<hbm>> -> memref<1x10000xi32, #tpu.memory_space<hbm>>
      %dma_start3A_72 = tpu.memref_squeeze %dma_start3A : memref<1x10000xi32, #tpu.memory_space<hbm>> -> memref<10000xi32, #tpu.memory_space<hbm>>
      %dma_start3A_73 = tpu.memref_slice %arg3[%run_scoped3A_4, %multiple_of3A] : memref<2x320000xi32, #tpu.memory_space<hbm>> -> memref<1x10000xi32, #tpu.memory_space<hbm>>
      %dma_start3A_74 = tpu.memref_squeeze %dma_start3A_73 : memref<1x10000xi32, #tpu.memory_space<hbm>> -> memref<10000xi32, #tpu.memory_space<hbm>>
      tpu.enqueue_dma source(%dma_start3A_74 : memref<10000xi32, #tpu.memory_space<hbm>>) target(%arg12 : memref<10000xi32, #tpu.memory_space<vmem>>) target_semaphore(%run_scoped3A_71 : memref<!tpu.dma_semaphore, #tpu.memory_space<semaphore_mem>>)
      %dma_wait3A = tpu.memref_slice %arg3[%run_scoped3A_4, %multiple_of3A] : memref<2x320000xi32, #tpu.memory_space<hbm>> -> memref<1x10000xi32, #tpu.memory_space<hbm>>
      %dma_wait3A_75 = tpu.memref_squeeze %dma_wait3A : memref<1x10000xi32, #tpu.memory_space<hbm>> -> memref<10000xi32, #tpu.memory_space<hbm>>
      %dma_wait3A_76 = tpu.memref_slice %arg3[%run_scoped3A_4, %multiple_of3A] : memref<2x320000xi32, #tpu.memory_space<hbm>> -> memref<1x10000xi32, #tpu.memory_space<hbm>>
      %dma_wait3A_77 = tpu.memref_squeeze %dma_wait3A_76 : memref<1x10000xi32, #tpu.memory_space<hbm>> -> memref<10000xi32, #tpu.memory_space<hbm>>
      tpu.wait_dma2 semaphore(%run_scoped3A_71 : memref<!tpu.dma_semaphore, #tpu.memory_space<semaphore_mem>>) src(%dma_wait3A_77 : memref<10000xi32, #tpu.memory_space<hbm>>) dst(%arg12 : memref<10000xi32, #tpu.memory_space<vmem>>)
      tpu.yield
    }) : () -> ()
    %run_scoped3A_5 = arith.constant 1 : i32
    "tpu.region"() ({
      %run_scoped3A_71 = tpu.sem_alloc : memref<!tpu.dma_semaphore, #tpu.memory_space<semaphore_mem>>
      %dma_start3A = tpu.memref_slice %arg3[%run_scoped3A_5, %multiple_of3A] : memref<2x320000xi32, #tpu.memory_space<hbm>> -> memref<1x10000xi32, #tpu.memory_space<hbm>>
      %dma_start3A_72 = tpu.memref_squeeze %dma_start3A : memref<1x10000xi32, #tpu.memory_space<hbm>> -> memref<10000xi32, #tpu.memory_space<hbm>>
      %dma_start3A_73 = tpu.memref_slice %arg3[%run_scoped3A_5, %multiple_of3A] : memref<2x320000xi32, #tpu.memory_space<hbm>> -> memref<1x10000xi32, #tpu.memory_space<hbm>>
      %dma_start3A_74 = tpu.memref_squeeze %dma_start3A_73 : memref<1x10000xi32, #tpu.memory_space<hbm>> -> memref<10000xi32, #tpu.memory_space<hbm>>
      tpu.enqueue_dma source(%dma_start3A_74 : memref<10000xi32, #tpu.memory_space<hbm>>) target(%arg13 : memref<10000xi32, #tpu.memory_space<vmem>>) target_semaphore(%run_scoped3A_71 : memref<!tpu.dma_semaphore, #tpu.memory_space<semaphore_mem>>)
      %dma_wait3A = tpu.memref_slice %arg3[%run_scoped3A_5, %multiple_of3A] : memref<2x320000xi32, #tpu.memory_space<hbm>> -> memref<1x10000xi32, #tpu.memory_space<hbm>>
      %dma_wait3A_75 = tpu.memref_squeeze %dma_wait3A : memref<1x10000xi32, #tpu.memory_space<hbm>> -> memref<10000xi32, #tpu.memory_space<hbm>>
      %dma_wait3A_76 = tpu.memref_slice %arg3[%run_scoped3A_5, %multiple_of3A] : memref<2x320000xi32, #tpu.memory_space<hbm>> -> memref<1x10000xi32, #tpu.memory_space<hbm>>
      %dma_wait3A_77 = tpu.memref_squeeze %dma_wait3A_76 : memref<1x10000xi32, #tpu.memory_space<hbm>> -> memref<10000xi32, #tpu.memory_space<hbm>>
      tpu.wait_dma2 semaphore(%run_scoped3A_71 : memref<!tpu.dma_semaphore, #tpu.memory_space<semaphore_mem>>) src(%dma_wait3A_77 : memref<10000xi32, #tpu.memory_space<hbm>>) dst(%arg13 : memref<10000xi32, #tpu.memory_space<vmem>>)
      tpu.yield
    }) : () -> ()
    %mul3A_6 = arith.constant 1250 : i32
    %mul3A_7 = arith.muli %add3A, %mul3A_6 : i32
    "tpu.region"() ({
      %run_scoped3A_71 = tpu.sem_alloc : memref<!tpu.dma_semaphore, #tpu.memory_space<semaphore_mem>>
      %dma_start3A = arith.constant 0 : i32
      %dma_start3A_72 = tpu.memref_slice %arg4[%mul3A_7, %dma_start3A] : memref<40000x16xf32, #tpu.memory_space<hbm>> -> memref<1250x16xf32, #tpu.memory_space<hbm>>
      %dma_start3A_73 = arith.constant 0 : i32
      %dma_start3A_74 = tpu.memref_slice %arg4[%mul3A_7, %dma_start3A_73] : memref<40000x16xf32, #tpu.memory_space<hbm>> -> memref<1250x16xf32, #tpu.memory_space<hbm>>
      tpu.enqueue_dma source(%dma_start3A_74 : memref<1250x16xf32, #tpu.memory_space<hbm>>) target(%arg14 : memref<1250x16xf32, #tpu.memory_space<vmem>>) target_semaphore(%run_scoped3A_71 : memref<!tpu.dma_semaphore, #tpu.memory_space<semaphore_mem>>)
      %dma_wait3A = arith.constant 0 : i32
      %dma_wait3A_75 = tpu.memref_slice %arg4[%mul3A_7, %dma_wait3A] : memref<40000x16xf32, #tpu.memory_space<hbm>> -> memref<1250x16xf32, #tpu.memory_space<hbm>>
      %dma_wait3A_76 = arith.constant 0 : i32
      %dma_wait3A_77 = tpu.memref_slice %arg4[%mul3A_7, %dma_wait3A_76] : memref<40000x16xf32, #tpu.memory_space<hbm>> -> memref<1250x16xf32, #tpu.memory_space<hbm>>
      tpu.wait_dma2 semaphore(%run_scoped3A_71 : memref<!tpu.dma_semaphore, #tpu.memory_space<semaphore_mem>>) src(%dma_wait3A_77 : memref<1250x16xf32, #tpu.memory_space<hbm>>) dst(%arg14 : memref<1250x16xf32, #tpu.memory_space<vmem>>)
      tpu.yield
    }) : () -> ()
    "tpu.region"() ({
      %run_scoped3A_71 = tpu.sem_alloc : memref<!tpu.dma_semaphore, #tpu.memory_space<semaphore_mem>>
      tpu.enqueue_dma source(%arg5 : memref<16xf32, #tpu.memory_space<hbm>>) target(%arg18 : memref<16xf32, #tpu.memory_space<vmem>>) target_semaphore(%run_scoped3A_71 : memref<!tpu.dma_semaphore, #tpu.memory_space<semaphore_mem>>)
      tpu.wait_dma2 semaphore(%run_scoped3A_71 : memref<!tpu.dma_semaphore, #tpu.memory_space<semaphore_mem>>) src(%arg5 : memref<16xf32, #tpu.memory_space<hbm>>) dst(%arg18 : memref<16xf32, #tpu.memory_space<vmem>>)
      tpu.yield
    }) : () -> ()
    %broadcast_in_dim3A = arith.constant 0.000000e+00 : f32
    %broadcast_in_dim3A_8 = vector.broadcast %broadcast_in_dim3A : f32 to vector<16xf32>
    %scan3A = arith.constant 0 : i32
    %scan3A_9 = arith.constant 0 : i32
    %scan3A_10 = arith.constant 625 : i32
    %scan3A_11 = arith.addi %scan3A_9, %scan3A_10 : i32
    %scan3A_12 = arith.constant 1 : i32
    %scan3A_13 = scf.for %scan3A_71 = %scan3A_9 to %scan3A_11 step %scan3A_12 iter_args(%scan3A_72 = %scan3A) -> (i32)  : i32 {
      %mul3A_73 = arith.constant 16 : i32
      %mul3A_74 = arith.muli %scan3A_71, %mul3A_73 : i32
      %swap3A = arith.index_cast %mul3A_74 : i32 to index
      %swap3A_75 = tpu.vector_load %arg16[%swap3A] {strides = array<i32>} : memref<10000xf32, #tpu.memory_space<vmem>>, vector<16xf32>,
      tpu.vector_store %arg16[%swap3A], %broadcast_in_dim3A_8 {strides = array<i32>} : memref<10000xf32, #tpu.memory_space<vmem>>, vector<16xf32>,
      %mul3A_76 = arith.constant 16 : i32
      %mul3A_77 = arith.muli %scan3A_71, %mul3A_76 : i32
      %swap3A_78 = arith.index_cast %mul3A_77 : i32 to index
      %swap3A_79 = tpu.vector_load %arg17[%swap3A_78] {strides = array<i32>} : memref<10000xf32, #tpu.memory_space<vmem>>, vector<16xf32>,
      tpu.vector_store %arg17[%swap3A_78], %broadcast_in_dim3A_8 {strides = array<i32>} : memref<10000xf32, #tpu.memory_space<vmem>>, vector<16xf32>,
      %mul3A_80 = arith.constant 16 : i32
      %mul3A_81 = arith.muli %scan3A_71, %mul3A_80 : i32
      %swap3A_82 = arith.index_cast %mul3A_81 : i32 to index
      %swap3A_83 = tpu.vector_load %arg19[%swap3A_82] {strides = array<i32>} : memref<10000xf32, #tpu.memory_space<vmem>>, vector<16xf32>,
      tpu.vector_store %arg19[%swap3A_82], %broadcast_in_dim3A_8 {strides = array<i32>} : memref<10000xf32, #tpu.memory_space<vmem>>, vector<16xf32>,
      %scan3A_84 = arith.constant 0 : i32
      scf.yield %scan3A_84 : i32
    }
    %scan3A_14 = arith.constant 625 : i32
    %get3A = arith.constant 0 : index
    %get3A_15 = tpu.vector_load %arg18[%get3A] {strides = array<i32>} : memref<16xf32, #tpu.memory_space<vmem>>, vector<16xf32>,
    %broadcast_in_dim3A_16 = arith.constant 1.000000e+00 : f32
    %broadcast_in_dim3A_17 = vector.broadcast %broadcast_in_dim3A_16 : f32 to vector<16xf32>
    %iota3A = tpu.iota {dimensions = array<i32: 0>} : vector<16xi32>
    %jit3A = arith.constant 8 : i32
    %div3A = vector.broadcast %jit3A : i32 to vector<16xi32>
    %div3A_18 = arith.divsi %iota3A, %div3A : vector<16xi32>
    %sign3A = arith.constant 0 : i32
    %sign3A_19 = vector.broadcast %sign3A : i32 to vector<16xi32>
    %sign3A_20 = arith.cmpi sgt, %iota3A, %sign3A_19 : vector<16xi32>
    %sign3A_21 = arith.extui %sign3A_20 : vector<16xi1> to vector<16xi32>
    %sign3A_22 = arith.constant 0 : i32
    %sign3A_23 = vector.broadcast %sign3A_22 : i32 to vector<16xi32>
    %sign3A_24 = arith.cmpi slt, %iota3A, %sign3A_23 : vector<16xi32>
    %sign3A_25 = arith.extui %sign3A_24 : vector<16xi1> to vector<16xi32>
    %sign3A_26 = arith.subi %sign3A_21, %sign3A_25 : vector<16xi32>
    %sign3A_27 = arith.constant 0 : i32
    %sign3A_28 = arith.cmpi sgt, %jit3A, %sign3A_27 : i32
    %sign3A_29 = arith.extui %sign3A_28 : i1 to i32
    %sign3A_30 = arith.constant 0 : i32
    %sign3A_31 = arith.cmpi slt, %jit3A, %sign3A_30 : i32
    %sign3A_32 = arith.extui %sign3A_31 : i1 to i32
    %sign3A_33 = arith.subi %sign3A_29, %sign3A_32 : i32
    %ne3A = vector.broadcast %sign3A_33 : i32 to vector<16xi32>
    %ne3A_34 = arith.cmpi ne, %sign3A_26, %ne3A : vector<16xi32>
    %rem3A = vector.broadcast %jit3A : i32 to vector<16xi32>
    %rem3A_35 = arith.remsi %iota3A, %rem3A : vector<16xi32>
    %ne3A_36 = arith.constant 0 : i32
    %ne3A_37 = vector.broadcast %ne3A_36 : i32 to vector<16xi32>
    %ne3A_38 = arith.cmpi ne, %rem3A_35, %ne3A_37 : vector<16xi32>
    %and3A = arith.andi %ne3A_34, %ne3A_38 : vector<16xi1>
    %sub3A = arith.constant 1 : i32
    %sub3A_39 = vector.broadcast %sub3A : i32 to vector<16xi32>
    %sub3A_40 = arith.subi %div3A_18, %sub3A_39 : vector<16xi32>
    %select_n3A = arith.select %and3A, %sub3A_40, %div3A_18 : vector<16xi1>, vector<16xi32>
    %jit3A_41 = arith.constant 8 : i32
    %eq3A = arith.constant 0 : i32
    %eq3A_42 = arith.cmpi eq, %jit3A_41, %eq3A : i32
    %jit3A_43 = arith.constant 1 : i32
    %select_n3A_44 = arith.select %eq3A_42, %jit3A_43, %jit3A_41 : i32
    %rem3A_45 = vector.broadcast %select_n3A_44 : i32 to vector<16xi32>
    %rem3A_46 = arith.remsi %iota3A, %rem3A_45 : vector<16xi32>
    %ne3A_47 = arith.constant 0 : i32
    %ne3A_48 = vector.broadcast %ne3A_47 : i32 to vector<16xi32>
    %ne3A_49 = arith.cmpi ne, %rem3A_46, %ne3A_48 : vector<16xi32>
    %lt3A = arith.constant 0 : i32
    %lt3A_50 = vector.broadcast %lt3A : i32 to vector<16xi32>
    %lt3A_51 = arith.cmpi slt, %rem3A_46, %lt3A_50 : vector<16xi32>
    %lt3A_52 = arith.constant 0 : i32
    %lt3A_53 = arith.cmpi slt, %select_n3A_44, %lt3A_52 : i32
    %ne3A_54 = vector.broadcast %lt3A_53 : i1 to vector<16xi1>
    %ne3A_55 = vector.broadcast %ne3A_54 : vector<16xi1> to vector<16xi1>
    %ne3A_56 = arith.xori %lt3A_51, %ne3A_55 : vector<16xi1>
    %and3A_57 = arith.andi %ne3A_56, %ne3A_49 : vector<16xi1>
    %add3A_58 = vector.broadcast %select_n3A_44 : i32 to vector<16xi32>
    %add3A_59 = arith.addi %rem3A_46, %add3A_58 : vector<16xi32>
    %select_n3A_60 = arith.select %and3A_57, %add3A_59, %rem3A_46 : vector<16xi1>, vector<16xi32>
    %add3A_61 = arith.constant 0 : i32
    %add3A_62 = vector.broadcast %add3A_61 : i32 to vector<16xi32>
    %add3A_63 = arith.addi %select_n3A_60, %add3A_62 : vector<16xi32>
    %scan3A_64 = arith.constant 0 : i32
    %scan3A_65 = arith.constant 0 : i32
    %scan3A_66 = arith.constant 625 : i32
    %scan3A_67 = arith.addi %scan3A_65, %scan3A_66 : i32
    %scan3A_68 = arith.constant 1 : i32
    %scan3A_69 = scf.for %scan3A_71 = %scan3A_65 to %scan3A_67 step %scan3A_68 iter_args(%scan3A_72 = %scan3A_64) -> (i32)  : i32 {
      %mul3A_73 = arith.constant 16 : i32
      %mul3A_74 = arith.muli %scan3A_71, %mul3A_73 : i32
      %get3A_75 = arith.index_cast %mul3A_74 : i32 to index
      %get3A_76 = tpu.vector_load %arg12[%get3A_75] {strides = array<i32>} : memref<10000xi32, #tpu.memory_space<vmem>>, vector<16xi32>,
      %get3A_77 = arith.index_cast %mul3A_74 : i32 to index
      %get3A_78 = tpu.vector_load %arg13[%get3A_77] {strides = array<i32>} : memref<10000xi32, #tpu.memory_space<vmem>>, vector<16xi32>,
      %mul3A_79 = arith.constant 2 : i32
      %mul3A_80 = arith.muli %mul3A_79, %scan3A_71 : i32
      %add3A_81 = vector.broadcast %mul3A_80 : i32 to vector<16xi32>
      %add3A_82 = arith.addi %add3A_81, %select_n3A : vector<16xi32>
      %gather3A = tpu.vector_load_idx %arg14[%add3A_82, %add3A_63] : memref<1250x16xf32, #tpu.memory_space<vmem>>[vector<16xi32>, vector<16xi32>], vector<16xf32>,
      %gather3A_83 = tpu.vector_load_idx %arg10[%get3A_76] : memref<10000xf32, #tpu.memory_space<vmem>>[vector<16xi32>], vector<16xf32>,
      %gather3A_84 = tpu.vector_load_idx %arg11[%get3A_78] : memref<10000xf32, #tpu.memory_space<vmem>>[vector<16xi32>], vector<16xf32>,
      %add3A_85 = arith.addf %gather3A_83, %gather3A_84 : vector<16xf32>
      %add3A_86 = arith.addf %add3A_85, %gather3A : vector<16xf32>
      %mul3A_87 = arith.constant 2.000000e-01 : f32
      %mul3A_88 = vector.broadcast %mul3A_87 : f32 to vector<16xf32>
      %mul3A_89 = arith.mulf %mul3A_88, %add3A_86 : vector<16xf32>
      %max3A = arith.maximumf %add3A_86, %mul3A_89 : vector<16xf32>
      %sub3A_90 = arith.subf %max3A, %get3A_15 : vector<16xf32>
      %exp3A = math.exp %sub3A_90 : vector<16xf32>
      %swap3A = arith.index_cast %mul3A_74 : i32 to index
      %swap3A_91 = tpu.vector_load %arg15[%swap3A] {strides = array<i32>} : memref<10000xf32, #tpu.memory_space<vmem>>, vector<16xf32>,
      tpu.vector_store %arg15[%swap3A], %exp3A {strides = array<i32>} : memref<10000xf32, #tpu.memory_space<vmem>>, vector<16xf32>,
      tpu.vector_store_idx %arg16[%get3A_78], %exp3A {add = true} : memref<10000xf32, #tpu.memory_space<vmem>>[vector<16xi32>], vector<16xf32>,
      tpu.vector_store_idx %arg17[%get3A_78], %gather3A {add = true} : memref<10000xf32, #tpu.memory_space<vmem>>[vector<16xi32>], vector<16xf32>,
      tpu.vector_store_idx %arg19[%get3A_78], %broadcast_in_dim3A_17 {add = true} : memref<10000xf32, #tpu.memory_space<vmem>>[vector<16xi32>], vector<16xf32>,
      %scan3A_92 = arith.constant 0 : i32
      scf.yield %scan3A_92 : i32
    }
    %scan3A_70 = arith.constant 625 : i32
    "tpu.region"() ({
      %run_scoped3A_71 = tpu.sem_alloc : memref<!tpu.dma_semaphore, #tpu.memory_space<semaphore_mem>>
      %dma_start3A = arith.constant 0 : i32
      %dma_start3A_72 = tpu.memref_slice %arg6[%add3A, %dma_start3A] : memref<32x10000xf32, #tpu.memory_space<hbm>> -> memref<1x10000xf32, #tpu.memory_space<hbm>>
      %dma_start3A_73 = tpu.memref_squeeze %dma_start3A_72 : memref<1x10000xf32, #tpu.memory_space<hbm>> -> memref<10000xf32, #tpu.memory_space<hbm>>
      %dma_start3A_74 = arith.constant 0 : i32
      %dma_start3A_75 = tpu.memref_slice %arg6[%add3A, %dma_start3A_74] : memref<32x10000xf32, #tpu.memory_space<hbm>> -> memref<1x10000xf32, #tpu.memory_space<hbm>>
      %dma_start3A_76 = tpu.memref_squeeze %dma_start3A_75 : memref<1x10000xf32, #tpu.memory_space<hbm>> -> memref<10000xf32, #tpu.memory_space<hbm>>
      tpu.enqueue_dma source(%arg15 : memref<10000xf32, #tpu.memory_space<vmem>>) target(%dma_start3A_76 : memref<10000xf32, #tpu.memory_space<hbm>>) target_semaphore(%run_scoped3A_71 : memref<!tpu.dma_semaphore, #tpu.memory_space<semaphore_mem>>)
      %dma_wait3A = arith.constant 0 : i32
      %dma_wait3A_77 = tpu.memref_slice %arg6[%add3A, %dma_wait3A] : memref<32x10000xf32, #tpu.memory_space<hbm>> -> memref<1x10000xf32, #tpu.memory_space<hbm>>
      %dma_wait3A_78 = tpu.memref_squeeze %dma_wait3A_77 : memref<1x10000xf32, #tpu.memory_space<hbm>> -> memref<10000xf32, #tpu.memory_space<hbm>>
      %dma_wait3A_79 = arith.constant 0 : i32
      %dma_wait3A_80 = tpu.memref_slice %arg6[%add3A, %dma_wait3A_79] : memref<32x10000xf32, #tpu.memory_space<hbm>> -> memref<1x10000xf32, #tpu.memory_space<hbm>>
      %dma_wait3A_81 = tpu.memref_squeeze %dma_wait3A_80 : memref<1x10000xf32, #tpu.memory_space<hbm>> -> memref<10000xf32, #tpu.memory_space<hbm>>
      tpu.wait_dma2 semaphore(%run_scoped3A_71 : memref<!tpu.dma_semaphore, #tpu.memory_space<semaphore_mem>>) src(%arg15 : memref<10000xf32, #tpu.memory_space<vmem>>) dst(%dma_wait3A_81 : memref<10000xf32, #tpu.memory_space<hbm>>)
      tpu.yield
    }) : () -> ()
    "tpu.region"() ({
      %run_scoped3A_71 = tpu.sem_alloc : memref<!tpu.dma_semaphore, #tpu.memory_space<semaphore_mem>>
      %dma_start3A = arith.constant 0 : i32
      %dma_start3A_72 = tpu.memref_slice %arg7[%add3A, %dma_start3A] : memref<32x10000xf32, #tpu.memory_space<hbm>> -> memref<1x10000xf32, #tpu.memory_space<hbm>>
      %dma_start3A_73 = tpu.memref_squeeze %dma_start3A_72 : memref<1x10000xf32, #tpu.memory_space<hbm>> -> memref<10000xf32, #tpu.memory_space<hbm>>
      %dma_start3A_74 = arith.constant 0 : i32
      %dma_start3A_75 = tpu.memref_slice %arg7[%add3A, %dma_start3A_74] : memref<32x10000xf32, #tpu.memory_space<hbm>> -> memref<1x10000xf32, #tpu.memory_space<hbm>>
      %dma_start3A_76 = tpu.memref_squeeze %dma_start3A_75 : memref<1x10000xf32, #tpu.memory_space<hbm>> -> memref<10000xf32, #tpu.memory_space<hbm>>
      tpu.enqueue_dma source(%arg16 : memref<10000xf32, #tpu.memory_space<vmem>>) target(%dma_start3A_76 : memref<10000xf32, #tpu.memory_space<hbm>>) target_semaphore(%run_scoped3A_71 : memref<!tpu.dma_semaphore, #tpu.memory_space<semaphore_mem>>)
      %dma_wait3A = arith.constant 0 : i32
      %dma_wait3A_77 = tpu.memref_slice %arg7[%add3A, %dma_wait3A] : memref<32x10000xf32, #tpu.memory_space<hbm>> -> memref<1x10000xf32, #tpu.memory_space<hbm>>
      %dma_wait3A_78 = tpu.memref_squeeze %dma_wait3A_77 : memref<1x10000xf32, #tpu.memory_space<hbm>> -> memref<10000xf32, #tpu.memory_space<hbm>>
      %dma_wait3A_79 = arith.constant 0 : i32
      %dma_wait3A_80 = tpu.memref_slice %arg7[%add3A, %dma_wait3A_79] : memref<32x10000xf32, #tpu.memory_space<hbm>> -> memref<1x10000xf32, #tpu.memory_space<hbm>>
      %dma_wait3A_81 = tpu.memref_squeeze %dma_wait3A_80 : memref<1x10000xf32, #tpu.memory_space<hbm>> -> memref<10000xf32, #tpu.memory_space<hbm>>
      tpu.wait_dma2 semaphore(%run_scoped3A_71 : memref<!tpu.dma_semaphore, #tpu.memory_space<semaphore_mem>>) src(%arg16 : memref<10000xf32, #tpu.memory_space<vmem>>) dst(%dma_wait3A_81 : memref<10000xf32, #tpu.memory_space<hbm>>)
      tpu.yield
    }) : () -> ()
    "tpu.region"() ({
      %run_scoped3A_71 = tpu.sem_alloc : memref<!tpu.dma_semaphore, #tpu.memory_space<semaphore_mem>>
      %dma_start3A = arith.constant 0 : i32
      %dma_start3A_72 = tpu.memref_slice %arg8[%add3A, %dma_start3A] : memref<32x10000xf32, #tpu.memory_space<hbm>> -> memref<1x10000xf32, #tpu.memory_space<hbm>>
      %dma_start3A_73 = tpu.memref_squeeze %dma_start3A_72 : memref<1x10000xf32, #tpu.memory_space<hbm>> -> memref<10000xf32, #tpu.memory_space<hbm>>
      %dma_start3A_74 = arith.constant 0 : i32
      %dma_start3A_75 = tpu.memref_slice %arg8[%add3A, %dma_start3A_74] : memref<32x10000xf32, #tpu.memory_space<hbm>> -> memref<1x10000xf32, #tpu.memory_space<hbm>>
      %dma_start3A_76 = tpu.memref_squeeze %dma_start3A_75 : memref<1x10000xf32, #tpu.memory_space<hbm>> -> memref<10000xf32, #tpu.memory_space<hbm>>
      tpu.enqueue_dma source(%arg17 : memref<10000xf32, #tpu.memory_space<vmem>>) target(%dma_start3A_76 : memref<10000xf32, #tpu.memory_space<hbm>>) target_semaphore(%run_scoped3A_71 : memref<!tpu.dma_semaphore, #tpu.memory_space<semaphore_mem>>)
      %dma_wait3A = arith.constant 0 : i32
      %dma_wait3A_77 = tpu.memref_slice %arg8[%add3A, %dma_wait3A] : memref<32x10000xf32, #tpu.memory_space<hbm>> -> memref<1x10000xf32, #tpu.memory_space<hbm>>
      %dma_wait3A_78 = tpu.memref_squeeze %dma_wait3A_77 : memref<1x10000xf32, #tpu.memory_space<hbm>> -> memref<10000xf32, #tpu.memory_space<hbm>>
      %dma_wait3A_79 = arith.constant 0 : i32
      %dma_wait3A_80 = tpu.memref_slice %arg8[%add3A, %dma_wait3A_79] : memref<32x10000xf32, #tpu.memory_space<hbm>> -> memref<1x10000xf32, #tpu.memory_space<hbm>>
      %dma_wait3A_81 = tpu.memref_squeeze %dma_wait3A_80 : memref<1x10000xf32, #tpu.memory_space<hbm>> -> memref<10000xf32, #tpu.memory_space<hbm>>
      tpu.wait_dma2 semaphore(%run_scoped3A_71 : memref<!tpu.dma_semaphore, #tpu.memory_space<semaphore_mem>>) src(%arg17 : memref<10000xf32, #tpu.memory_space<vmem>>) dst(%dma_wait3A_81 : memref<10000xf32, #tpu.memory_space<hbm>>)
      tpu.yield
    }) : () -> ()
    "tpu.region"() ({
      %run_scoped3A_71 = tpu.sem_alloc : memref<!tpu.dma_semaphore, #tpu.memory_space<semaphore_mem>>
      %dma_start3A = arith.constant 0 : i32
      %dma_start3A_72 = tpu.memref_slice %arg9[%add3A, %dma_start3A] : memref<32x10000xf32, #tpu.memory_space<hbm>> -> memref<1x10000xf32, #tpu.memory_space<hbm>>
      %dma_start3A_73 = tpu.memref_squeeze %dma_start3A_72 : memref<1x10000xf32, #tpu.memory_space<hbm>> -> memref<10000xf32, #tpu.memory_space<hbm>>
      %dma_start3A_74 = arith.constant 0 : i32
      %dma_start3A_75 = tpu.memref_slice %arg9[%add3A, %dma_start3A_74] : memref<32x10000xf32, #tpu.memory_space<hbm>> -> memref<1x10000xf32, #tpu.memory_space<hbm>>
      %dma_start3A_76 = tpu.memref_squeeze %dma_start3A_75 : memref<1x10000xf32, #tpu.memory_space<hbm>> -> memref<10000xf32, #tpu.memory_space<hbm>>
      tpu.enqueue_dma source(%arg19 : memref<10000xf32, #tpu.memory_space<vmem>>) target(%dma_start3A_76 : memref<10000xf32, #tpu.memory_space<hbm>>) target_semaphore(%run_scoped3A_71 : memref<!tpu.dma_semaphore, #tpu.memory_space<semaphore_mem>>)
      %dma_wait3A = arith.constant 0 : i32
      %dma_wait3A_77 = tpu.memref_slice %arg9[%add3A, %dma_wait3A] : memref<32x10000xf32, #tpu.memory_space<hbm>> -> memref<1x10000xf32, #tpu.memory_space<hbm>>
      %dma_wait3A_78 = tpu.memref_squeeze %dma_wait3A_77 : memref<1x10000xf32, #tpu.memory_space<hbm>> -> memref<10000xf32, #tpu.memory_space<hbm>>
      %dma_wait3A_79 = arith.constant 0 : i32
      %dma_wait3A_80 = tpu.memref_slice %arg9[%add3A, %dma_wait3A_79] : memref<32x10000xf32, #tpu.memory_space<hbm>> -> memref<1x10000xf32, #tpu.memory_space<hbm>>
      %dma_wait3A_81 = tpu.memref_squeeze %dma_wait3A_80 : memref<1x10000xf32, #tpu.memory_space<hbm>> -> memref<10000xf32, #tpu.memory_space<hbm>>
      tpu.wait_dma2 semaphore(%run_scoped3A_71 : memref<!tpu.dma_semaphore, #tpu.memory_space<semaphore_mem>>) src(%arg19 : memref<10000xf32, #tpu.memory_space<vmem>>) dst(%dma_wait3A_81 : memref<10000xf32, #tpu.memory_space<hbm>>)
      tpu.yield
    }) : () -> ()
    return
  }
}

#map = affine_map<(d0, d1) -> (0, 0)>
#map1 = affine_map<(d0, d1) -> (0, 0, 0)>
module attributes {stable_mosaic.version = 14 : i64} {
  func.func @row_pass(%arg0: i32, %arg1: i32, %arg2: memref<10000x128xf32, #tpu.memory_space<hbm>>, %arg3: memref<2x320000xi32, #tpu.memory_space<hbm>>, %arg4: memref<32x10000xf32, #tpu.memory_space<hbm>>, %arg5: memref<625x128xf32, #tpu.memory_space<hbm>>, %arg6: memref<2x10000x128xf32, #tpu.memory_space<hbm>>, %arg7: memref<10000xi32, #tpu.memory_space<vmem>>, %arg8: memref<10000xi32, #tpu.memory_space<vmem>>, %arg9: memref<80x128xf32, #tpu.memory_space<vmem>>, %arg10: memref<80x128xf32, #tpu.memory_space<vmem>>, %arg11: memref<80xf32, #tpu.memory_space<vmem>>, %arg12: memref<80xf32, #tpu.memory_space<vmem>>, %arg13: memref<10000x128xf32, #tpu.memory_space<vmem_shared>>, %arg14: memref<!tpu.dma_semaphore, #tpu.memory_space<semaphore_mem>>, %arg15: memref<!tpu.dma_semaphore, #tpu.memory_space<semaphore_mem>>, %arg16: memref<!tpu.dma_semaphore, #tpu.memory_space<semaphore_mem>>, %arg17: memref<!tpu.dma_semaphore, #tpu.memory_space<semaphore_mem>>) attributes {dimension_semantics = [#tpu.dimension_semantics<core_parallel>, #tpu.dimension_semantics<subcore_parallel>], iteration_bounds = array<i64: 2, 16>, scalar_prefetch = 0 : i64, scratch_operands = 11 : i64, tpu.core_type = #tpu.core_type<sc_vector_subcore>, window_params = [{transform_indices = #map}, {transform_indices = #map}, {transform_indices = #map}, {transform_indices = #map}, {transform_indices = #map1}]} {
    %mul3A = arith.constant 2 : i32
    %mul3A_0 = arith.muli %arg1, %mul3A : i32
    %add3A = arith.addi %mul3A_0, %arg0 : i32
    %mul3A_1 = arith.constant 10000 : i32
    %mul3A_2 = arith.muli %add3A, %mul3A_1 : i32
    %multiple_of3A = tpu.assume_multiple %mul3A_2, 8 : i32
    %run_scoped3A = arith.constant 0 : i32
    "tpu.region"() ({
      %run_scoped3A_57 = tpu.sem_alloc : memref<!tpu.dma_semaphore, #tpu.memory_space<semaphore_mem>>
      %dma_start3A_58 = tpu.memref_slice %arg3[%run_scoped3A, %multiple_of3A] : memref<2x320000xi32, #tpu.memory_space<hbm>> -> memref<1x10000xi32, #tpu.memory_space<hbm>>
      %dma_start3A_59 = tpu.memref_squeeze %dma_start3A_58 : memref<1x10000xi32, #tpu.memory_space<hbm>> -> memref<10000xi32, #tpu.memory_space<hbm>>
      %dma_start3A_60 = tpu.memref_slice %arg3[%run_scoped3A, %multiple_of3A] : memref<2x320000xi32, #tpu.memory_space<hbm>> -> memref<1x10000xi32, #tpu.memory_space<hbm>>
      %dma_start3A_61 = tpu.memref_squeeze %dma_start3A_60 : memref<1x10000xi32, #tpu.memory_space<hbm>> -> memref<10000xi32, #tpu.memory_space<hbm>>
      tpu.enqueue_dma source(%dma_start3A_61 : memref<10000xi32, #tpu.memory_space<hbm>>) target(%arg7 : memref<10000xi32, #tpu.memory_space<vmem>>) target_semaphore(%run_scoped3A_57 : memref<!tpu.dma_semaphore, #tpu.memory_space<semaphore_mem>>)
      %dma_wait3A_62 = tpu.memref_slice %arg3[%run_scoped3A, %multiple_of3A] : memref<2x320000xi32, #tpu.memory_space<hbm>> -> memref<1x10000xi32, #tpu.memory_space<hbm>>
      %dma_wait3A_63 = tpu.memref_squeeze %dma_wait3A_62 : memref<1x10000xi32, #tpu.memory_space<hbm>> -> memref<10000xi32, #tpu.memory_space<hbm>>
      %dma_wait3A_64 = tpu.memref_slice %arg3[%run_scoped3A, %multiple_of3A] : memref<2x320000xi32, #tpu.memory_space<hbm>> -> memref<1x10000xi32, #tpu.memory_space<hbm>>
      %dma_wait3A_65 = tpu.memref_squeeze %dma_wait3A_64 : memref<1x10000xi32, #tpu.memory_space<hbm>> -> memref<10000xi32, #tpu.memory_space<hbm>>
      tpu.wait_dma2 semaphore(%run_scoped3A_57 : memref<!tpu.dma_semaphore, #tpu.memory_space<semaphore_mem>>) src(%dma_wait3A_65 : memref<10000xi32, #tpu.memory_space<hbm>>) dst(%arg7 : memref<10000xi32, #tpu.memory_space<vmem>>)
      tpu.yield
    }) : () -> ()
    %run_scoped3A_3 = arith.constant 1 : i32
    "tpu.region"() ({
      %run_scoped3A_57 = tpu.sem_alloc : memref<!tpu.dma_semaphore, #tpu.memory_space<semaphore_mem>>
      %dma_start3A_58 = tpu.memref_slice %arg3[%run_scoped3A_3, %multiple_of3A] : memref<2x320000xi32, #tpu.memory_space<hbm>> -> memref<1x10000xi32, #tpu.memory_space<hbm>>
      %dma_start3A_59 = tpu.memref_squeeze %dma_start3A_58 : memref<1x10000xi32, #tpu.memory_space<hbm>> -> memref<10000xi32, #tpu.memory_space<hbm>>
      %dma_start3A_60 = tpu.memref_slice %arg3[%run_scoped3A_3, %multiple_of3A] : memref<2x320000xi32, #tpu.memory_space<hbm>> -> memref<1x10000xi32, #tpu.memory_space<hbm>>
      %dma_start3A_61 = tpu.memref_squeeze %dma_start3A_60 : memref<1x10000xi32, #tpu.memory_space<hbm>> -> memref<10000xi32, #tpu.memory_space<hbm>>
      tpu.enqueue_dma source(%dma_start3A_61 : memref<10000xi32, #tpu.memory_space<hbm>>) target(%arg8 : memref<10000xi32, #tpu.memory_space<vmem>>) target_semaphore(%run_scoped3A_57 : memref<!tpu.dma_semaphore, #tpu.memory_space<semaphore_mem>>)
      %dma_wait3A_62 = tpu.memref_slice %arg3[%run_scoped3A_3, %multiple_of3A] : memref<2x320000xi32, #tpu.memory_space<hbm>> -> memref<1x10000xi32, #tpu.memory_space<hbm>>
      %dma_wait3A_63 = tpu.memref_squeeze %dma_wait3A_62 : memref<1x10000xi32, #tpu.memory_space<hbm>> -> memref<10000xi32, #tpu.memory_space<hbm>>
      %dma_wait3A_64 = tpu.memref_slice %arg3[%run_scoped3A_3, %multiple_of3A] : memref<2x320000xi32, #tpu.memory_space<hbm>> -> memref<1x10000xi32, #tpu.memory_space<hbm>>
      %dma_wait3A_65 = tpu.memref_squeeze %dma_wait3A_64 : memref<1x10000xi32, #tpu.memory_space<hbm>> -> memref<10000xi32, #tpu.memory_space<hbm>>
      tpu.wait_dma2 semaphore(%run_scoped3A_57 : memref<!tpu.dma_semaphore, #tpu.memory_space<semaphore_mem>>) src(%dma_wait3A_65 : memref<10000xi32, #tpu.memory_space<hbm>>) dst(%arg8 : memref<10000xi32, #tpu.memory_space<vmem>>)
      tpu.yield
    }) : () -> ()
    %mul3A_4 = arith.constant 625 : i32
    %mul3A_5 = arith.muli %arg1, %mul3A_4 : i32
    "tpu.region"() ({
      %run_scoped3A_57 = tpu.sem_alloc : memref<!tpu.dma_semaphore, #tpu.memory_space<semaphore_mem>>
      %dma_start3A_58 = arith.constant 0 : i32
      %dma_start3A_59 = tpu.memref_slice %arg13[%mul3A_5, %dma_start3A_58] : memref<10000x128xf32, #tpu.memory_space<vmem_shared>> -> memref<625x128xf32, #tpu.memory_space<vmem_shared>>
      tpu.enqueue_dma source(%arg5 : memref<625x128xf32, #tpu.memory_space<hbm>>) target(%dma_start3A_59 : memref<625x128xf32, #tpu.memory_space<vmem_shared>>) target_semaphore(%run_scoped3A_57 : memref<!tpu.dma_semaphore, #tpu.memory_space<semaphore_mem>>)
      %dma_wait3A_60 = arith.constant 0 : i32
      %dma_wait3A_61 = tpu.memref_slice %arg13[%mul3A_5, %dma_wait3A_60] : memref<10000x128xf32, #tpu.memory_space<vmem_shared>> -> memref<625x128xf32, #tpu.memory_space<vmem_shared>>
      tpu.wait_dma2 semaphore(%run_scoped3A_57 : memref<!tpu.dma_semaphore, #tpu.memory_space<semaphore_mem>>) src(%arg5 : memref<625x128xf32, #tpu.memory_space<hbm>>) dst(%dma_wait3A_61 : memref<625x128xf32, #tpu.memory_space<vmem_shared>>)
      tpu.yield
    }) : () -> ()
    %barrier3A = arith.constant 0 : index
    tpu.barrier barrier_id(%barrier3A)
    %dma_start3A = arith.constant 0 : i32
    %dma_start3A_6 = tpu.memref_slice %arg7[%dma_start3A] : memref<10000xi32, #tpu.memory_space<vmem>> -> memref<80xi32, #tpu.memory_space<vmem>>
    %dma_start3A_7 = arith.constant 0 : i32
    %dma_start3A_8 = arith.constant 0 : i32
    %dma_start3A_9 = tpu.memref_slice %arg2[%dma_start3A_7, %dma_start3A_8] : memref<10000x128xf32, #tpu.memory_space<hbm>> -> memref<10000x128xf32, #tpu.memory_space<hbm>>
    tpu.enqueue_indirect_dma source(%dma_start3A_9 : memref<10000x128xf32, #tpu.memory_space<hbm>>) target(%arg9 : memref<80x128xf32, #tpu.memory_space<vmem>>) offsets(%dma_start3A_6 : memref<80xi32, #tpu.memory_space<vmem>>) semaphore(%arg14 : memref<!tpu.dma_semaphore, #tpu.memory_space<semaphore_mem>>)
    %dma_start3A_10 = arith.constant 0 : i32
    %dma_start3A_11 = tpu.memref_slice %arg4[%add3A, %dma_start3A_10] : memref<32x10000xf32, #tpu.memory_space<hbm>> -> memref<1x80xf32, #tpu.memory_space<hbm>>
    %dma_start3A_12 = tpu.memref_squeeze %dma_start3A_11 : memref<1x80xf32, #tpu.memory_space<hbm>> -> memref<80xf32, #tpu.memory_space<hbm>>
    %dma_start3A_13 = arith.constant 0 : i32
    %dma_start3A_14 = tpu.memref_slice %arg4[%add3A, %dma_start3A_13] : memref<32x10000xf32, #tpu.memory_space<hbm>> -> memref<1x80xf32, #tpu.memory_space<hbm>>
    %dma_start3A_15 = tpu.memref_squeeze %dma_start3A_14 : memref<1x80xf32, #tpu.memory_space<hbm>> -> memref<80xf32, #tpu.memory_space<hbm>>
    tpu.enqueue_dma source(%dma_start3A_15 : memref<80xf32, #tpu.memory_space<hbm>>) target(%arg11 : memref<80xf32, #tpu.memory_space<vmem>>) target_semaphore(%arg16 : memref<!tpu.dma_semaphore, #tpu.memory_space<semaphore_mem>>)
    %scan3A = arith.constant 0 : i32
    %scan3A_16 = arith.constant 0 : i32
    %scan3A_17 = arith.constant 62 : i32
    %scan3A_18 = arith.addi %scan3A_16, %scan3A_17 : i32
    %scan3A_19 = arith.constant 1 : i32
    %scan3A_20 = scf.for %scan3A_57 = %scan3A_16 to %scan3A_18 step %scan3A_19 iter_args(%scan3A_58 = %scan3A) -> (i32)  : i32 {
      %mul3A_59 = arith.constant 2 : i32
      %mul3A_60 = arith.muli %mul3A_59, %scan3A_57 : i32
      %add3A_61 = arith.constant 1 : i32
      %add3A_62 = arith.addi %mul3A_60, %add3A_61 : i32
      %mul3A_63 = arith.constant 80 : i32
      %mul3A_64 = arith.muli %add3A_62, %mul3A_63 : i32
      %dma_start3A_65 = tpu.memref_slice %arg7[%mul3A_64] : memref<10000xi32, #tpu.memory_space<vmem>> -> memref<80xi32, #tpu.memory_space<vmem>>
      %dma_start3A_66 = arith.constant 0 : i32
      %dma_start3A_67 = arith.constant 0 : i32
      %dma_start3A_68 = tpu.memref_slice %arg2[%dma_start3A_66, %dma_start3A_67] : memref<10000x128xf32, #tpu.memory_space<hbm>> -> memref<10000x128xf32, #tpu.memory_space<hbm>>
      tpu.enqueue_indirect_dma source(%dma_start3A_68 : memref<10000x128xf32, #tpu.memory_space<hbm>>) target(%arg10 : memref<80x128xf32, #tpu.memory_space<vmem>>) offsets(%dma_start3A_65 : memref<80xi32, #tpu.memory_space<vmem>>) semaphore(%arg15 : memref<!tpu.dma_semaphore, #tpu.memory_space<semaphore_mem>>)
      %mul3A_69 = arith.constant 80 : i32
      %mul3A_70 = arith.muli %add3A_62, %mul3A_69 : i32
      %dma_start3A_71 = tpu.memref_slice %arg4[%add3A, %mul3A_70] : memref<32x10000xf32, #tpu.memory_space<hbm>> -> memref<1x80xf32, #tpu.memory_space<hbm>>
      %dma_start3A_72 = tpu.memref_squeeze %dma_start3A_71 : memref<1x80xf32, #tpu.memory_space<hbm>> -> memref<80xf32, #tpu.memory_space<hbm>>
      %dma_start3A_73 = tpu.memref_slice %arg4[%add3A, %mul3A_70] : memref<32x10000xf32, #tpu.memory_space<hbm>> -> memref<1x80xf32, #tpu.memory_space<hbm>>
      %dma_start3A_74 = tpu.memref_squeeze %dma_start3A_73 : memref<1x80xf32, #tpu.memory_space<hbm>> -> memref<80xf32, #tpu.memory_space<hbm>>
      tpu.enqueue_dma source(%dma_start3A_74 : memref<80xf32, #tpu.memory_space<hbm>>) target(%arg12 : memref<80xf32, #tpu.memory_space<vmem>>) target_semaphore(%arg17 : memref<!tpu.dma_semaphore, #tpu.memory_space<semaphore_mem>>)
      %dma_wait3A_75 = arith.constant 0 : i32
      %dma_wait3A_76 = arith.constant 0 : i32
      %dma_wait3A_77 = tpu.memref_slice %arg2[%dma_wait3A_75, %dma_wait3A_76] : memref<10000x128xf32, #tpu.memory_space<hbm>> -> memref<80x128xf32, #tpu.memory_space<hbm>>
      %dma_wait3A_78 = arith.constant 0 : i32
      %dma_wait3A_79 = arith.constant 0 : i32
      %dma_wait3A_80 = tpu.memref_slice %arg2[%dma_wait3A_78, %dma_wait3A_79] : memref<10000x128xf32, #tpu.memory_space<hbm>> -> memref<80x128xf32, #tpu.memory_space<hbm>>
      tpu.wait_dma2 semaphore(%arg14 : memref<!tpu.dma_semaphore, #tpu.memory_space<semaphore_mem>>) src(%dma_wait3A_80 : memref<80x128xf32, #tpu.memory_space<hbm>>) dst(%arg9 : memref<80x128xf32, #tpu.memory_space<vmem>>)
      %dma_wait3A_81 = arith.constant 0 : i32
      %dma_wait3A_82 = arith.constant 0 : i32
      %dma_wait3A_83 = tpu.memref_slice %arg4[%dma_wait3A_81, %dma_wait3A_82] : memref<32x10000xf32, #tpu.memory_space<hbm>> -> memref<1x80xf32, #tpu.memory_space<hbm>>
      %dma_wait3A_84 = tpu.memref_squeeze %dma_wait3A_83 : memref<1x80xf32, #tpu.memory_space<hbm>> -> memref<80xf32, #tpu.memory_space<hbm>>
      %dma_wait3A_85 = arith.constant 0 : i32
      %dma_wait3A_86 = tpu.memref_slice %arg4[%dma_wait3A_81, %dma_wait3A_85] : memref<32x10000xf32, #tpu.memory_space<hbm>> -> memref<1x80xf32, #tpu.memory_space<hbm>>
      %dma_wait3A_87 = tpu.memref_squeeze %dma_wait3A_86 : memref<1x80xf32, #tpu.memory_space<hbm>> -> memref<80xf32, #tpu.memory_space<hbm>>
      tpu.wait_dma2 semaphore(%arg16 : memref<!tpu.dma_semaphore, #tpu.memory_space<semaphore_mem>>) src(%dma_wait3A_87 : memref<80xf32, #tpu.memory_space<hbm>>) dst(%arg11 : memref<80xf32, #tpu.memory_space<vmem>>)
      %scan3A_88 = arith.constant 0 : i32
      %scan3A_89 = arith.constant 0 : i32
      %scan3A_90 = arith.constant 80 : i32
      %scan3A_91 = arith.addi %scan3A_89, %scan3A_90 : i32
      %scan3A_92 = arith.constant 1 : i32
      %scan3A_93 = scf.for %scan3A_124 = %scan3A_89 to %scan3A_91 step %scan3A_92 iter_args(%scan3A_125 = %scan3A_88) -> (i32)  : i32 {
        %broadcast_in_dim3A = arith.constant 0 : i32
        %broadcast_in_dim3A_126 = vector.broadcast %broadcast_in_dim3A : i32 to vector<16xi32>
        %add3A_127 = vector.broadcast %scan3A_124 : i32 to vector<16xi32>
        %add3A_128 = arith.addi %broadcast_in_dim3A_126, %add3A_127 : vector<16xi32>
        %gather3A = tpu.vector_load_idx %arg11[%add3A_128] : memref<80xf32, #tpu.memory_space<vmem>>[vector<16xi32>], vector<16xf32>,
        %get3A = arith.index_cast %scan3A_124 : i32 to index
        %get3A_129 = arith.constant 0 : index
        %get3A_130 = tpu.vector_load %arg9[%get3A, %get3A_129] {strides = array<i32>} : memref<80x128xf32, #tpu.memory_space<vmem>>, vector<16xf32>,
        %mul3A_131 = arith.mulf %get3A_130, %gather3A : vector<16xf32>
        %swap3A = arith.index_cast %scan3A_124 : i32 to index
        %swap3A_132 = arith.constant 0 : index
        %swap3A_133 = tpu.vector_load %arg9[%swap3A, %swap3A_132] {strides = array<i32>} : memref<80x128xf32, #tpu.memory_space<vmem>>, vector<16xf32>,
        tpu.vector_store %arg9[%swap3A, %swap3A_132], %mul3A_131 {strides = array<i32>} : memref<80x128xf32, #tpu.memory_space<vmem>>, vector<16xf32>,
        %get3A_134 = arith.index_cast %scan3A_124 : i32 to index
        %get3A_135 = arith.constant 16 : index
        %get3A_136 = tpu.vector_load %arg9[%get3A_134, %get3A_135] {strides = array<i32>} : memref<80x128xf32, #tpu.memory_space<vmem>>, vector<16xf32>,
        %mul3A_137 = arith.mulf %get3A_136, %gather3A : vector<16xf32>
        %swap3A_138 = arith.index_cast %scan3A_124 : i32 to index
        %swap3A_139 = arith.constant 16 : index
        %swap3A_140 = tpu.vector_load %arg9[%swap3A_138, %swap3A_139] {strides = array<i32>} : memref<80x128xf32, #tpu.memory_space<vmem>>, vector<16xf32>,
        tpu.vector_store %arg9[%swap3A_138, %swap3A_139], %mul3A_137 {strides = array<i32>} : memref<80x128xf32, #tpu.memory_space<vmem>>, vector<16xf32>,
        %get3A_141 = arith.index_cast %scan3A_124 : i32 to index
        %get3A_142 = arith.constant 32 : index
        %get3A_143 = tpu.vector_load %arg9[%get3A_141, %get3A_142] {strides = array<i32>} : memref<80x128xf32, #tpu.memory_space<vmem>>, vector<16xf32>,
        %mul3A_144 = arith.mulf %get3A_143, %gather3A : vector<16xf32>
        %swap3A_145 = arith.index_cast %scan3A_124 : i32 to index
        %swap3A_146 = arith.constant 32 : index
        %swap3A_147 = tpu.vector_load %arg9[%swap3A_145, %swap3A_146] {strides = array<i32>} : memref<80x128xf32, #tpu.memory_space<vmem>>, vector<16xf32>,
        tpu.vector_store %arg9[%swap3A_145, %swap3A_146], %mul3A_144 {strides = array<i32>} : memref<80x128xf32, #tpu.memory_space<vmem>>, vector<16xf32>,
        %get3A_148 = arith.index_cast %scan3A_124 : i32 to index
        %get3A_149 = arith.constant 48 : index
        %get3A_150 = tpu.vector_load %arg9[%get3A_148, %get3A_149] {strides = array<i32>} : memref<80x128xf32, #tpu.memory_space<vmem>>, vector<16xf32>,
        %mul3A_151 = arith.mulf %get3A_150, %gather3A : vector<16xf32>
        %swap3A_152 = arith.index_cast %scan3A_124 : i32 to index
        %swap3A_153 = arith.constant 48 : index
        %swap3A_154 = tpu.vector_load %arg9[%swap3A_152, %swap3A_153] {strides = array<i32>} : memref<80x128xf32, #tpu.memory_space<vmem>>, vector<16xf32>,
        tpu.vector_store %arg9[%swap3A_152, %swap3A_153], %mul3A_151 {strides = array<i32>} : memref<80x128xf32, #tpu.memory_space<vmem>>, vector<16xf32>,
        %get3A_155 = arith.index_cast %scan3A_124 : i32 to index
        %get3A_156 = arith.constant 64 : index
        %get3A_157 = tpu.vector_load %arg9[%get3A_155, %get3A_156] {strides = array<i32>} : memref<80x128xf32, #tpu.memory_space<vmem>>, vector<16xf32>,
        %mul3A_158 = arith.mulf %get3A_157, %gather3A : vector<16xf32>
        %swap3A_159 = arith.index_cast %scan3A_124 : i32 to index
        %swap3A_160 = arith.constant 64 : index
        %swap3A_161 = tpu.vector_load %arg9[%swap3A_159, %swap3A_160] {strides = array<i32>} : memref<80x128xf32, #tpu.memory_space<vmem>>, vector<16xf32>,
        tpu.vector_store %arg9[%swap3A_159, %swap3A_160], %mul3A_158 {strides = array<i32>} : memref<80x128xf32, #tpu.memory_space<vmem>>, vector<16xf32>,
        %get3A_162 = arith.index_cast %scan3A_124 : i32 to index
        %get3A_163 = arith.constant 80 : index
        %get3A_164 = tpu.vector_load %arg9[%get3A_162, %get3A_163] {strides = array<i32>} : memref<80x128xf32, #tpu.memory_space<vmem>>, vector<16xf32>,
        %mul3A_165 = arith.mulf %get3A_164, %gather3A : vector<16xf32>
        %swap3A_166 = arith.index_cast %scan3A_124 : i32 to index
        %swap3A_167 = arith.constant 80 : index
        %swap3A_168 = tpu.vector_load %arg9[%swap3A_166, %swap3A_167] {strides = array<i32>} : memref<80x128xf32, #tpu.memory_space<vmem>>, vector<16xf32>,
        tpu.vector_store %arg9[%swap3A_166, %swap3A_167], %mul3A_165 {strides = array<i32>} : memref<80x128xf32, #tpu.memory_space<vmem>>, vector<16xf32>,
        %get3A_169 = arith.index_cast %scan3A_124 : i32 to index
        %get3A_170 = arith.constant 96 : index
        %get3A_171 = tpu.vector_load %arg9[%get3A_169, %get3A_170] {strides = array<i32>} : memref<80x128xf32, #tpu.memory_space<vmem>>, vector<16xf32>,
        %mul3A_172 = arith.mulf %get3A_171, %gather3A : vector<16xf32>
        %swap3A_173 = arith.index_cast %scan3A_124 : i32 to index
        %swap3A_174 = arith.constant 96 : index
        %swap3A_175 = tpu.vector_load %arg9[%swap3A_173, %swap3A_174] {strides = array<i32>} : memref<80x128xf32, #tpu.memory_space<vmem>>, vector<16xf32>,
        tpu.vector_store %arg9[%swap3A_173, %swap3A_174], %mul3A_172 {strides = array<i32>} : memref<80x128xf32, #tpu.memory_space<vmem>>, vector<16xf32>,
        %get3A_176 = arith.index_cast %scan3A_124 : i32 to index
        %get3A_177 = arith.constant 112 : index
        %get3A_178 = tpu.vector_load %arg9[%get3A_176, %get3A_177] {strides = array<i32>} : memref<80x128xf32, #tpu.memory_space<vmem>>, vector<16xf32>,
        %mul3A_179 = arith.mulf %get3A_178, %gather3A : vector<16xf32>
        %swap3A_180 = arith.index_cast %scan3A_124 : i32 to index
        %swap3A_181 = arith.constant 112 : index
        %swap3A_182 = tpu.vector_load %arg9[%swap3A_180, %swap3A_181] {strides = array<i32>} : memref<80x128xf32, #tpu.memory_space<vmem>>, vector<16xf32>,
        tpu.vector_store %arg9[%swap3A_180, %swap3A_181], %mul3A_179 {strides = array<i32>} : memref<80x128xf32, #tpu.memory_space<vmem>>, vector<16xf32>,
        %scan3A_183 = arith.constant 0 : i32
        scf.yield %scan3A_183 : i32
      }
      %scan3A_94 = arith.constant 80 : i32
      %mul3A_95 = arith.constant 80 : i32
      %mul3A_96 = arith.muli %mul3A_60, %mul3A_95 : i32
      "tpu.region"() ({
        %run_scoped3A_124 = tpu.sem_alloc : memref<!tpu.dma_semaphore, #tpu.memory_space<semaphore_mem>>
        %dma_start3A_125 = tpu.memref_slice %arg8[%mul3A_96] : memref<10000xi32, #tpu.memory_space<vmem>> -> memref<80xi32, #tpu.memory_space<vmem>>
        %dma_start3A_126 = arith.constant 0 : i32
        %dma_start3A_127 = arith.constant 0 : i32
        %dma_start3A_128 = tpu.memref_slice %arg13[%dma_start3A_126, %dma_start3A_127] : memref<10000x128xf32, #tpu.memory_space<vmem_shared>> -> memref<10000x128xf32, #tpu.memory_space<vmem_shared>>
        tpu.enqueue_indirect_dma source(%arg9 : memref<80x128xf32, #tpu.memory_space<vmem>>) target(%dma_start3A_128 : memref<10000x128xf32, #tpu.memory_space<vmem_shared>>) offsets(%dma_start3A_125 : memref<80xi32, #tpu.memory_space<vmem>>) semaphore(%run_scoped3A_124 : memref<!tpu.dma_semaphore, #tpu.memory_space<semaphore_mem>>) {add = true}
        %dma_wait3A_129 = tpu.memref_slice %arg8[%mul3A_96] : memref<10000xi32, #tpu.memory_space<vmem>> -> memref<80xi32, #tpu.memory_space<vmem>>
        %dma_wait3A_130 = arith.constant 0 : i32
        %dma_wait3A_131 = arith.constant 0 : i32
        %dma_wait3A_132 = tpu.memref_slice %arg13[%dma_wait3A_130, %dma_wait3A_131] : memref<10000x128xf32, #tpu.memory_space<vmem_shared>> -> memref<10000x128xf32, #tpu.memory_space<vmem_shared>>
        tpu.wait_indirect_dma semaphore(%run_scoped3A_124 : memref<!tpu.dma_semaphore, #tpu.memory_space<semaphore_mem>>) src(%arg9 : memref<80x128xf32, #tpu.memory_space<vmem>>) dst(%dma_wait3A_132 : memref<10000x128xf32, #tpu.memory_space<vmem_shared>>)
        tpu.yield
      }) : () -> ()
      %lt3A = arith.constant 61 : i32
      %lt3A_97 = arith.cmpi slt, %scan3A_57, %lt3A : i32
      %convert_element_type3A = arith.extui %lt3A_97 : i1 to i32
      %cond3A = arith.constant 0 : i32
      %cond3A_98 = arith.cmpi ne, %convert_element_type3A, %cond3A : i32
      scf.if %cond3A_98 {
        %add3A_124 = arith.constant 2 : i32
        %add3A_125 = arith.addi %mul3A_60, %add3A_124 : i32
        %mul3A_126 = arith.constant 80 : i32
        %mul3A_127 = arith.muli %add3A_125, %mul3A_126 : i32
        %dma_start3A_128 = tpu.memref_slice %arg7[%mul3A_127] : memref<10000xi32, #tpu.memory_space<vmem>> -> memref<80xi32, #tpu.memory_space<vmem>>
        %dma_start3A_129 = arith.constant 0 : i32
        %dma_start3A_130 = arith.constant 0 : i32
        %dma_start3A_131 = tpu.memref_slice %arg2[%dma_start3A_129, %dma_start3A_130] : memref<10000x128xf32, #tpu.memory_space<hbm>> -> memref<10000x128xf32, #tpu.memory_space<hbm>>
        tpu.enqueue_indirect_dma source(%dma_start3A_131 : memref<10000x128xf32, #tpu.memory_space<hbm>>) target(%arg9 : memref<80x128xf32, #tpu.memory_space<vmem>>) offsets(%dma_start3A_128 : memref<80xi32, #tpu.memory_space<vmem>>) semaphore(%arg14 : memref<!tpu.dma_semaphore, #tpu.memory_space<semaphore_mem>>)
        %mul3A_132 = arith.constant 80 : i32
        %mul3A_133 = arith.muli %add3A_125, %mul3A_132 : i32
        %dma_start3A_134 = tpu.memref_slice %arg4[%add3A, %mul3A_133] : memref<32x10000xf32, #tpu.memory_space<hbm>> -> memref<1x80xf32, #tpu.memory_space<hbm>>
        %dma_start3A_135 = tpu.memref_squeeze %dma_start3A_134 : memref<1x80xf32, #tpu.memory_space<hbm>> -> memref<80xf32, #tpu.memory_space<hbm>>
        %dma_start3A_136 = tpu.memref_slice %arg4[%add3A, %mul3A_133] : memref<32x10000xf32, #tpu.memory_space<hbm>> -> memref<1x80xf32, #tpu.memory_space<hbm>>
        %dma_start3A_137 = tpu.memref_squeeze %dma_start3A_136 : memref<1x80xf32, #tpu.memory_space<hbm>> -> memref<80xf32, #tpu.memory_space<hbm>>
        tpu.enqueue_dma source(%dma_start3A_137 : memref<80xf32, #tpu.memory_space<hbm>>) target(%arg11 : memref<80xf32, #tpu.memory_space<vmem>>) target_semaphore(%arg16 : memref<!tpu.dma_semaphore, #tpu.memory_space<semaphore_mem>>)
      } else {
      }
      %add3A_99 = arith.constant 1 : i32
      %add3A_100 = arith.addi %mul3A_60, %add3A_99 : i32
      %dma_wait3A_101 = arith.constant 0 : i32
      %dma_wait3A_102 = arith.constant 0 : i32
      %dma_wait3A_103 = tpu.memref_slice %arg2[%dma_wait3A_101, %dma_wait3A_102] : memref<10000x128xf32, #tpu.memory_space<hbm>> -> memref<80x128xf32, #tpu.memory_space<hbm>>
      %dma_wait3A_104 = arith.constant 0 : i32
      %dma_wait3A_105 = arith.constant 0 : i32
      %dma_wait3A_106 = tpu.memref_slice %arg2[%dma_wait3A_104, %dma_wait3A_105] : memref<10000x128xf32, #tpu.memory_space<hbm>> -> memref<80x128xf32, #tpu.memory_space<hbm>>
      tpu.wait_dma2 semaphore(%arg15 : memref<!tpu.dma_semaphore, #tpu.memory_space<semaphore_mem>>) src(%dma_wait3A_106 : memref<80x128xf32, #tpu.memory_space<hbm>>) dst(%arg10 : memref<80x128xf32, #tpu.memory_space<vmem>>)
      %dma_wait3A_107 = arith.constant 0 : i32
      %dma_wait3A_108 = arith.constant 0 : i32
      %dma_wait3A_109 = tpu.memref_slice %arg4[%dma_wait3A_107, %dma_wait3A_108] : memref<32x10000xf32, #tpu.memory_space<hbm>> -> memref<1x80xf32, #tpu.memory_space<hbm>>
      %dma_wait3A_110 = tpu.memref_squeeze %dma_wait3A_109 : memref<1x80xf32, #tpu.memory_space<hbm>> -> memref<80xf32, #tpu.memory_space<hbm>>
      %dma_wait3A_111 = arith.constant 0 : i32
      %dma_wait3A_112 = tpu.memref_slice %arg4[%dma_wait3A_107, %dma_wait3A_111] : memref<32x10000xf32, #tpu.memory_space<hbm>> -> memref<1x80xf32, #tpu.memory_space<hbm>>
      %dma_wait3A_113 = tpu.memref_squeeze %dma_wait3A_112 : memref<1x80xf32, #tpu.memory_space<hbm>> -> memref<80xf32, #tpu.memory_space<hbm>>
      tpu.wait_dma2 semaphore(%arg17 : memref<!tpu.dma_semaphore, #tpu.memory_space<semaphore_mem>>) src(%dma_wait3A_113 : memref<80xf32, #tpu.memory_space<hbm>>) dst(%arg12 : memref<80xf32, #tpu.memory_space<vmem>>)
      %scan3A_114 = arith.constant 0 : i32
      %scan3A_115 = arith.constant 0 : i32
      %scan3A_116 = arith.constant 80 : i32
      %scan3A_117 = arith.addi %scan3A_115, %scan3A_116 : i32
      %scan3A_118 = arith.constant 1 : i32
      %scan3A_119 = scf.for %scan3A_124 = %scan3A_115 to %scan3A_117 step %scan3A_118 iter_args(%scan3A_125 = %scan3A_114) -> (i32)  : i32 {
        %broadcast_in_dim3A = arith.constant 0 : i32
        %broadcast_in_dim3A_126 = vector.broadcast %broadcast_in_dim3A : i32 to vector<16xi32>
        %add3A_127 = vector.broadcast %scan3A_124 : i32 to vector<16xi32>
        %add3A_128 = arith.addi %broadcast_in_dim3A_126, %add3A_127 : vector<16xi32>
        %gather3A = tpu.vector_load_idx %arg12[%add3A_128] : memref<80xf32, #tpu.memory_space<vmem>>[vector<16xi32>], vector<16xf32>,
        %get3A = arith.index_cast %scan3A_124 : i32 to index
        %get3A_129 = arith.constant 0 : index
        %get3A_130 = tpu.vector_load %arg10[%get3A, %get3A_129] {strides = array<i32>} : memref<80x128xf32, #tpu.memory_space<vmem>>, vector<16xf32>,
        %mul3A_131 = arith.mulf %get3A_130, %gather3A : vector<16xf32>
        %swap3A = arith.index_cast %scan3A_124 : i32 to index
        %swap3A_132 = arith.constant 0 : index
        %swap3A_133 = tpu.vector_load %arg10[%swap3A, %swap3A_132] {strides = array<i32>} : memref<80x128xf32, #tpu.memory_space<vmem>>, vector<16xf32>,
        tpu.vector_store %arg10[%swap3A, %swap3A_132], %mul3A_131 {strides = array<i32>} : memref<80x128xf32, #tpu.memory_space<vmem>>, vector<16xf32>,
        %get3A_134 = arith.index_cast %scan3A_124 : i32 to index
        %get3A_135 = arith.constant 16 : index
        %get3A_136 = tpu.vector_load %arg10[%get3A_134, %get3A_135] {strides = array<i32>} : memref<80x128xf32, #tpu.memory_space<vmem>>, vector<16xf32>,
        %mul3A_137 = arith.mulf %get3A_136, %gather3A : vector<16xf32>
        %swap3A_138 = arith.index_cast %scan3A_124 : i32 to index
        %swap3A_139 = arith.constant 16 : index
        %swap3A_140 = tpu.vector_load %arg10[%swap3A_138, %swap3A_139] {strides = array<i32>} : memref<80x128xf32, #tpu.memory_space<vmem>>, vector<16xf32>,
        tpu.vector_store %arg10[%swap3A_138, %swap3A_139], %mul3A_137 {strides = array<i32>} : memref<80x128xf32, #tpu.memory_space<vmem>>, vector<16xf32>,
        %get3A_141 = arith.index_cast %scan3A_124 : i32 to index
        %get3A_142 = arith.constant 32 : index
        %get3A_143 = tpu.vector_load %arg10[%get3A_141, %get3A_142] {strides = array<i32>} : memref<80x128xf32, #tpu.memory_space<vmem>>, vector<16xf32>,
        %mul3A_144 = arith.mulf %get3A_143, %gather3A : vector<16xf32>
        %swap3A_145 = arith.index_cast %scan3A_124 : i32 to index
        %swap3A_146 = arith.constant 32 : index
        %swap3A_147 = tpu.vector_load %arg10[%swap3A_145, %swap3A_146] {strides = array<i32>} : memref<80x128xf32, #tpu.memory_space<vmem>>, vector<16xf32>,
        tpu.vector_store %arg10[%swap3A_145, %swap3A_146], %mul3A_144 {strides = array<i32>} : memref<80x128xf32, #tpu.memory_space<vmem>>, vector<16xf32>,
        %get3A_148 = arith.index_cast %scan3A_124 : i32 to index
        %get3A_149 = arith.constant 48 : index
        %get3A_150 = tpu.vector_load %arg10[%get3A_148, %get3A_149] {strides = array<i32>} : memref<80x128xf32, #tpu.memory_space<vmem>>, vector<16xf32>,
        %mul3A_151 = arith.mulf %get3A_150, %gather3A : vector<16xf32>
        %swap3A_152 = arith.index_cast %scan3A_124 : i32 to index
        %swap3A_153 = arith.constant 48 : index
        %swap3A_154 = tpu.vector_load %arg10[%swap3A_152, %swap3A_153] {strides = array<i32>} : memref<80x128xf32, #tpu.memory_space<vmem>>, vector<16xf32>,
        tpu.vector_store %arg10[%swap3A_152, %swap3A_153], %mul3A_151 {strides = array<i32>} : memref<80x128xf32, #tpu.memory_space<vmem>>, vector<16xf32>,
        %get3A_155 = arith.index_cast %scan3A_124 : i32 to index
        %get3A_156 = arith.constant 64 : index
        %get3A_157 = tpu.vector_load %arg10[%get3A_155, %get3A_156] {strides = array<i32>} : memref<80x128xf32, #tpu.memory_space<vmem>>, vector<16xf32>,
        %mul3A_158 = arith.mulf %get3A_157, %gather3A : vector<16xf32>
        %swap3A_159 = arith.index_cast %scan3A_124 : i32 to index
        %swap3A_160 = arith.constant 64 : index
        %swap3A_161 = tpu.vector_load %arg10[%swap3A_159, %swap3A_160] {strides = array<i32>} : memref<80x128xf32, #tpu.memory_space<vmem>>, vector<16xf32>,
        tpu.vector_store %arg10[%swap3A_159, %swap3A_160], %mul3A_158 {strides = array<i32>} : memref<80x128xf32, #tpu.memory_space<vmem>>, vector<16xf32>,
        %get3A_162 = arith.index_cast %scan3A_124 : i32 to index
        %get3A_163 = arith.constant 80 : index
        %get3A_164 = tpu.vector_load %arg10[%get3A_162, %get3A_163] {strides = array<i32>} : memref<80x128xf32, #tpu.memory_space<vmem>>, vector<16xf32>,
        %mul3A_165 = arith.mulf %get3A_164, %gather3A : vector<16xf32>
        %swap3A_166 = arith.index_cast %scan3A_124 : i32 to index
        %swap3A_167 = arith.constant 80 : index
        %swap3A_168 = tpu.vector_load %arg10[%swap3A_166, %swap3A_167] {strides = array<i32>} : memref<80x128xf32, #tpu.memory_space<vmem>>, vector<16xf32>,
        tpu.vector_store %arg10[%swap3A_166, %swap3A_167], %mul3A_165 {strides = array<i32>} : memref<80x128xf32, #tpu.memory_space<vmem>>, vector<16xf32>,
        %get3A_169 = arith.index_cast %scan3A_124 : i32 to index
        %get3A_170 = arith.constant 96 : index
        %get3A_171 = tpu.vector_load %arg10[%get3A_169, %get3A_170] {strides = array<i32>} : memref<80x128xf32, #tpu.memory_space<vmem>>, vector<16xf32>,
        %mul3A_172 = arith.mulf %get3A_171, %gather3A : vector<16xf32>
        %swap3A_173 = arith.index_cast %scan3A_124 : i32 to index
        %swap3A_174 = arith.constant 96 : index
        %swap3A_175 = tpu.vector_load %arg10[%swap3A_173, %swap3A_174] {strides = array<i32>} : memref<80x128xf32, #tpu.memory_space<vmem>>, vector<16xf32>,
        tpu.vector_store %arg10[%swap3A_173, %swap3A_174], %mul3A_172 {strides = array<i32>} : memref<80x128xf32, #tpu.memory_space<vmem>>, vector<16xf32>,
        %get3A_176 = arith.index_cast %scan3A_124 : i32 to index
        %get3A_177 = arith.constant 112 : index
        %get3A_178 = tpu.vector_load %arg10[%get3A_176, %get3A_177] {strides = array<i32>} : memref<80x128xf32, #tpu.memory_space<vmem>>, vector<16xf32>,
        %mul3A_179 = arith.mulf %get3A_178, %gather3A : vector<16xf32>
        %swap3A_180 = arith.index_cast %scan3A_124 : i32 to index
        %swap3A_181 = arith.constant 112 : index
        %swap3A_182 = tpu.vector_load %arg10[%swap3A_180, %swap3A_181] {strides = array<i32>} : memref<80x128xf32, #tpu.memory_space<vmem>>, vector<16xf32>,
        tpu.vector_store %arg10[%swap3A_180, %swap3A_181], %mul3A_179 {strides = array<i32>} : memref<80x128xf32, #tpu.memory_space<vmem>>, vector<16xf32>,
        %scan3A_183 = arith.constant 0 : i32
        scf.yield %scan3A_183 : i32
      }
      %scan3A_120 = arith.constant 80 : i32
      %mul3A_121 = arith.constant 80 : i32
      %mul3A_122 = arith.muli %add3A_100, %mul3A_121 : i32
      "tpu.region"() ({
        %run_scoped3A_124 = tpu.sem_alloc : memref<!tpu.dma_semaphore, #tpu.memory_space<semaphore_mem>>
        %dma_start3A_125 = tpu.memref_slice %arg8[%mul3A_122] : memref<10000xi32, #tpu.memory_space<vmem>> -> memref<80xi32, #tpu.memory_space<vmem>>
        %dma_start3A_126 = arith.constant 0 : i32
        %dma_start3A_127 = arith.constant 0 : i32
        %dma_start3A_128 = tpu.memref_slice %arg13[%dma_start3A_126, %dma_start3A_127] : memref<10000x128xf32, #tpu.memory_space<vmem_shared>> -> memref<10000x128xf32, #tpu.memory_space<vmem_shared>>
        tpu.enqueue_indirect_dma source(%arg10 : memref<80x128xf32, #tpu.memory_space<vmem>>) target(%dma_start3A_128 : memref<10000x128xf32, #tpu.memory_space<vmem_shared>>) offsets(%dma_start3A_125 : memref<80xi32, #tpu.memory_space<vmem>>) semaphore(%run_scoped3A_124 : memref<!tpu.dma_semaphore, #tpu.memory_space<semaphore_mem>>) {add = true}
        %dma_wait3A_129 = tpu.memref_slice %arg8[%mul3A_122] : memref<10000xi32, #tpu.memory_space<vmem>> -> memref<80xi32, #tpu.memory_space<vmem>>
        %dma_wait3A_130 = arith.constant 0 : i32
        %dma_wait3A_131 = arith.constant 0 : i32
        %dma_wait3A_132 = tpu.memref_slice %arg13[%dma_wait3A_130, %dma_wait3A_131] : memref<10000x128xf32, #tpu.memory_space<vmem_shared>> -> memref<10000x128xf32, #tpu.memory_space<vmem_shared>>
        tpu.wait_indirect_dma semaphore(%run_scoped3A_124 : memref<!tpu.dma_semaphore, #tpu.memory_space<semaphore_mem>>) src(%arg10 : memref<80x128xf32, #tpu.memory_space<vmem>>) dst(%dma_wait3A_132 : memref<10000x128xf32, #tpu.memory_space<vmem_shared>>)
        tpu.yield
      }) : () -> ()
      %scan3A_123 = arith.constant 0 : i32
      scf.yield %scan3A_123 : i32
    }
    %scan3A_21 = arith.constant 62 : i32
    %dma_start3A_22 = arith.constant 9920 : i32
    %dma_start3A_23 = tpu.memref_slice %arg7[%dma_start3A_22] : memref<10000xi32, #tpu.memory_space<vmem>> -> memref<80xi32, #tpu.memory_space<vmem>>
    %dma_start3A_24 = arith.constant 0 : i32
    %dma_start3A_25 = arith.constant 0 : i32
    %dma_start3A_26 = tpu.memref_slice %arg2[%dma_start3A_24, %dma_start3A_25] : memref<10000x128xf32, #tpu.memory_space<hbm>> -> memref<10000x128xf32, #tpu.memory_space<hbm>>
    tpu.enqueue_indirect_dma source(%dma_start3A_26 : memref<10000x128xf32, #tpu.memory_space<hbm>>) target(%arg9 : memref<80x128xf32, #tpu.memory_space<vmem>>) offsets(%dma_start3A_23 : memref<80xi32, #tpu.memory_space<vmem>>) semaphore(%arg14 : memref<!tpu.dma_semaphore, #tpu.memory_space<semaphore_mem>>)
    %dma_start3A_27 = arith.constant 9920 : i32
    %dma_start3A_28 = tpu.memref_slice %arg4[%add3A, %dma_start3A_27] : memref<32x10000xf32, #tpu.memory_space<hbm>> -> memref<1x80xf32, #tpu.memory_space<hbm>>
    %dma_start3A_29 = tpu.memref_squeeze %dma_start3A_28 : memref<1x80xf32, #tpu.memory_space<hbm>> -> memref<80xf32, #tpu.memory_space<hbm>>
    %dma_start3A_30 = arith.constant 9920 : i32
    %dma_start3A_31 = tpu.memref_slice %arg4[%add3A, %dma_start3A_30] : memref<32x10000xf32, #tpu.memory_space<hbm>> -> memref<1x80xf32, #tpu.memory_space<hbm>>
    %dma_start3A_32 = tpu.memref_squeeze %dma_start3A_31 : memref<1x80xf32, #tpu.memory_space<hbm>> -> memref<80xf32, #tpu.memory_space<hbm>>
    tpu.enqueue_dma source(%dma_start3A_32 : memref<80xf32, #tpu.memory_space<hbm>>) target(%arg11 : memref<80xf32, #tpu.memory_space<vmem>>) target_semaphore(%arg16 : memref<!tpu.dma_semaphore, #tpu.memory_space<semaphore_mem>>)
    %dma_wait3A = arith.constant 0 : i32
    %dma_wait3A_33 = arith.constant 0 : i32
    %dma_wait3A_34 = tpu.memref_slice %arg2[%dma_wait3A, %dma_wait3A_33] : memref<10000x128xf32, #tpu.memory_space<hbm>> -> memref<80x128xf32, #tpu.memory_space<hbm>>
    %dma_wait3A_35 = arith.constant 0 : i32
    %dma_wait3A_36 = arith.constant 0 : i32
    %dma_wait3A_37 = tpu.memref_slice %arg2[%dma_wait3A_35, %dma_wait3A_36] : memref<10000x128xf32, #tpu.memory_space<hbm>> -> memref<80x128xf32, #tpu.memory_space<hbm>>
    tpu.wait_dma2 semaphore(%arg14 : memref<!tpu.dma_semaphore, #tpu.memory_space<semaphore_mem>>) src(%dma_wait3A_37 : memref<80x128xf32, #tpu.memory_space<hbm>>) dst(%arg9 : memref<80x128xf32, #tpu.memory_space<vmem>>)
    %dma_wait3A_38 = arith.constant 0 : i32
    %dma_wait3A_39 = arith.constant 0 : i32
    %dma_wait3A_40 = tpu.memref_slice %arg4[%dma_wait3A_38, %dma_wait3A_39] : memref<32x10000xf32, #tpu.memory_space<hbm>> -> memref<1x80xf32, #tpu.memory_space<hbm>>
    %dma_wait3A_41 = tpu.memref_squeeze %dma_wait3A_40 : memref<1x80xf32, #tpu.memory_space<hbm>> -> memref<80xf32, #tpu.memory_space<hbm>>
    %dma_wait3A_42 = arith.constant 0 : i32
    %dma_wait3A_43 = tpu.memref_slice %arg4[%dma_wait3A_38, %dma_wait3A_42] : memref<32x10000xf32, #tpu.memory_space<hbm>> -> memref<1x80xf32, #tpu.memory_space<hbm>>
    %dma_wait3A_44 = tpu.memref_squeeze %dma_wait3A_43 : memref<1x80xf32, #tpu.memory_space<hbm>> -> memref<80xf32, #tpu.memory_space<hbm>>
    tpu.wait_dma2 semaphore(%arg16 : memref<!tpu.dma_semaphore, #tpu.memory_space<semaphore_mem>>) src(%dma_wait3A_44 : memref<80xf32, #tpu.memory_space<hbm>>) dst(%arg11 : memref<80xf32, #tpu.memory_space<vmem>>)
    %scan3A_45 = arith.constant 0 : i32
    %scan3A_46 = arith.constant 0 : i32
    %scan3A_47 = arith.constant 80 : i32
    %scan3A_48 = arith.addi %scan3A_46, %scan3A_47 : i32
    %scan3A_49 = arith.constant 1 : i32
    %scan3A_50 = scf.for %scan3A_57 = %scan3A_46 to %scan3A_48 step %scan3A_49 iter_args(%scan3A_58 = %scan3A_45) -> (i32)  : i32 {
      %broadcast_in_dim3A = arith.constant 0 : i32
      %broadcast_in_dim3A_59 = vector.broadcast %broadcast_in_dim3A : i32 to vector<16xi32>
      %add3A_60 = vector.broadcast %scan3A_57 : i32 to vector<16xi32>
      %add3A_61 = arith.addi %broadcast_in_dim3A_59, %add3A_60 : vector<16xi32>
      %gather3A = tpu.vector_load_idx %arg11[%add3A_61] : memref<80xf32, #tpu.memory_space<vmem>>[vector<16xi32>], vector<16xf32>,
      %get3A = arith.index_cast %scan3A_57 : i32 to index
      %get3A_62 = arith.constant 0 : index
      %get3A_63 = tpu.vector_load %arg9[%get3A, %get3A_62] {strides = array<i32>} : memref<80x128xf32, #tpu.memory_space<vmem>>, vector<16xf32>,
      %mul3A_64 = arith.mulf %get3A_63, %gather3A : vector<16xf32>
      %swap3A = arith.index_cast %scan3A_57 : i32 to index
      %swap3A_65 = arith.constant 0 : index
      %swap3A_66 = tpu.vector_load %arg9[%swap3A, %swap3A_65] {strides = array<i32>} : memref<80x128xf32, #tpu.memory_space<vmem>>, vector<16xf32>,
      tpu.vector_store %arg9[%swap3A, %swap3A_65], %mul3A_64 {strides = array<i32>} : memref<80x128xf32, #tpu.memory_space<vmem>>, vector<16xf32>,
      %get3A_67 = arith.index_cast %scan3A_57 : i32 to index
      %get3A_68 = arith.constant 16 : index
      %get3A_69 = tpu.vector_load %arg9[%get3A_67, %get3A_68] {strides = array<i32>} : memref<80x128xf32, #tpu.memory_space<vmem>>, vector<16xf32>,
      %mul3A_70 = arith.mulf %get3A_69, %gather3A : vector<16xf32>
      %swap3A_71 = arith.index_cast %scan3A_57 : i32 to index
      %swap3A_72 = arith.constant 16 : index
      %swap3A_73 = tpu.vector_load %arg9[%swap3A_71, %swap3A_72] {strides = array<i32>} : memref<80x128xf32, #tpu.memory_space<vmem>>, vector<16xf32>,
      tpu.vector_store %arg9[%swap3A_71, %swap3A_72], %mul3A_70 {strides = array<i32>} : memref<80x128xf32, #tpu.memory_space<vmem>>, vector<16xf32>,
      %get3A_74 = arith.index_cast %scan3A_57 : i32 to index
      %get3A_75 = arith.constant 32 : index
      %get3A_76 = tpu.vector_load %arg9[%get3A_74, %get3A_75] {strides = array<i32>} : memref<80x128xf32, #tpu.memory_space<vmem>>, vector<16xf32>,
      %mul3A_77 = arith.mulf %get3A_76, %gather3A : vector<16xf32>
      %swap3A_78 = arith.index_cast %scan3A_57 : i32 to index
      %swap3A_79 = arith.constant 32 : index
      %swap3A_80 = tpu.vector_load %arg9[%swap3A_78, %swap3A_79] {strides = array<i32>} : memref<80x128xf32, #tpu.memory_space<vmem>>, vector<16xf32>,
      tpu.vector_store %arg9[%swap3A_78, %swap3A_79], %mul3A_77 {strides = array<i32>} : memref<80x128xf32, #tpu.memory_space<vmem>>, vector<16xf32>,
      %get3A_81 = arith.index_cast %scan3A_57 : i32 to index
      %get3A_82 = arith.constant 48 : index
      %get3A_83 = tpu.vector_load %arg9[%get3A_81, %get3A_82] {strides = array<i32>} : memref<80x128xf32, #tpu.memory_space<vmem>>, vector<16xf32>,
      %mul3A_84 = arith.mulf %get3A_83, %gather3A : vector<16xf32>
      %swap3A_85 = arith.index_cast %scan3A_57 : i32 to index
      %swap3A_86 = arith.constant 48 : index
      %swap3A_87 = tpu.vector_load %arg9[%swap3A_85, %swap3A_86] {strides = array<i32>} : memref<80x128xf32, #tpu.memory_space<vmem>>, vector<16xf32>,
      tpu.vector_store %arg9[%swap3A_85, %swap3A_86], %mul3A_84 {strides = array<i32>} : memref<80x128xf32, #tpu.memory_space<vmem>>, vector<16xf32>,
      %get3A_88 = arith.index_cast %scan3A_57 : i32 to index
      %get3A_89 = arith.constant 64 : index
      %get3A_90 = tpu.vector_load %arg9[%get3A_88, %get3A_89] {strides = array<i32>} : memref<80x128xf32, #tpu.memory_space<vmem>>, vector<16xf32>,
      %mul3A_91 = arith.mulf %get3A_90, %gather3A : vector<16xf32>
      %swap3A_92 = arith.index_cast %scan3A_57 : i32 to index
      %swap3A_93 = arith.constant 64 : index
      %swap3A_94 = tpu.vector_load %arg9[%swap3A_92, %swap3A_93] {strides = array<i32>} : memref<80x128xf32, #tpu.memory_space<vmem>>, vector<16xf32>,
      tpu.vector_store %arg9[%swap3A_92, %swap3A_93], %mul3A_91 {strides = array<i32>} : memref<80x128xf32, #tpu.memory_space<vmem>>, vector<16xf32>,
      %get3A_95 = arith.index_cast %scan3A_57 : i32 to index
      %get3A_96 = arith.constant 80 : index
      %get3A_97 = tpu.vector_load %arg9[%get3A_95, %get3A_96] {strides = array<i32>} : memref<80x128xf32, #tpu.memory_space<vmem>>, vector<16xf32>,
      %mul3A_98 = arith.mulf %get3A_97, %gather3A : vector<16xf32>
      %swap3A_99 = arith.index_cast %scan3A_57 : i32 to index
      %swap3A_100 = arith.constant 80 : index
      %swap3A_101 = tpu.vector_load %arg9[%swap3A_99, %swap3A_100] {strides = array<i32>} : memref<80x128xf32, #tpu.memory_space<vmem>>, vector<16xf32>,
      tpu.vector_store %arg9[%swap3A_99, %swap3A_100], %mul3A_98 {strides = array<i32>} : memref<80x128xf32, #tpu.memory_space<vmem>>, vector<16xf32>,
      %get3A_102 = arith.index_cast %scan3A_57 : i32 to index
      %get3A_103 = arith.constant 96 : index
      %get3A_104 = tpu.vector_load %arg9[%get3A_102, %get3A_103] {strides = array<i32>} : memref<80x128xf32, #tpu.memory_space<vmem>>, vector<16xf32>,
      %mul3A_105 = arith.mulf %get3A_104, %gather3A : vector<16xf32>
      %swap3A_106 = arith.index_cast %scan3A_57 : i32 to index
      %swap3A_107 = arith.constant 96 : index
      %swap3A_108 = tpu.vector_load %arg9[%swap3A_106, %swap3A_107] {strides = array<i32>} : memref<80x128xf32, #tpu.memory_space<vmem>>, vector<16xf32>,
      tpu.vector_store %arg9[%swap3A_106, %swap3A_107], %mul3A_105 {strides = array<i32>} : memref<80x128xf32, #tpu.memory_space<vmem>>, vector<16xf32>,
      %get3A_109 = arith.index_cast %scan3A_57 : i32 to index
      %get3A_110 = arith.constant 112 : index
      %get3A_111 = tpu.vector_load %arg9[%get3A_109, %get3A_110] {strides = array<i32>} : memref<80x128xf32, #tpu.memory_space<vmem>>, vector<16xf32>,
      %mul3A_112 = arith.mulf %get3A_111, %gather3A : vector<16xf32>
      %swap3A_113 = arith.index_cast %scan3A_57 : i32 to index
      %swap3A_114 = arith.constant 112 : index
      %swap3A_115 = tpu.vector_load %arg9[%swap3A_113, %swap3A_114] {strides = array<i32>} : memref<80x128xf32, #tpu.memory_space<vmem>>, vector<16xf32>,
      tpu.vector_store %arg9[%swap3A_113, %swap3A_114], %mul3A_112 {strides = array<i32>} : memref<80x128xf32, #tpu.memory_space<vmem>>, vector<16xf32>,
      %scan3A_116 = arith.constant 0 : i32
      scf.yield %scan3A_116 : i32
    }
    %scan3A_51 = arith.constant 80 : i32
    "tpu.region"() ({
      %run_scoped3A_57 = tpu.sem_alloc : memref<!tpu.dma_semaphore, #tpu.memory_space<semaphore_mem>>
      %dma_start3A_58 = arith.constant 9920 : i32
      %dma_start3A_59 = tpu.memref_slice %arg8[%dma_start3A_58] : memref<10000xi32, #tpu.memory_space<vmem>> -> memref<80xi32, #tpu.memory_space<vmem>>
      %dma_start3A_60 = arith.constant 0 : i32
      %dma_start3A_61 = arith.constant 0 : i32
      %dma_start3A_62 = tpu.memref_slice %arg13[%dma_start3A_60, %dma_start3A_61] : memref<10000x128xf32, #tpu.memory_space<vmem_shared>> -> memref<10000x128xf32, #tpu.memory_space<vmem_shared>>
      tpu.enqueue_indirect_dma source(%arg9 : memref<80x128xf32, #tpu.memory_space<vmem>>) target(%dma_start3A_62 : memref<10000x128xf32, #tpu.memory_space<vmem_shared>>) offsets(%dma_start3A_59 : memref<80xi32, #tpu.memory_space<vmem>>) semaphore(%run_scoped3A_57 : memref<!tpu.dma_semaphore, #tpu.memory_space<semaphore_mem>>) {add = true}
      %dma_wait3A_63 = arith.constant 9920 : i32
      %dma_wait3A_64 = tpu.memref_slice %arg8[%dma_wait3A_63] : memref<10000xi32, #tpu.memory_space<vmem>> -> memref<80xi32, #tpu.memory_space<vmem>>
      %dma_wait3A_65 = arith.constant 0 : i32
      %dma_wait3A_66 = arith.constant 0 : i32
      %dma_wait3A_67 = tpu.memref_slice %arg13[%dma_wait3A_65, %dma_wait3A_66] : memref<10000x128xf32, #tpu.memory_space<vmem_shared>> -> memref<10000x128xf32, #tpu.memory_space<vmem_shared>>
      tpu.wait_indirect_dma semaphore(%run_scoped3A_57 : memref<!tpu.dma_semaphore, #tpu.memory_space<semaphore_mem>>) src(%arg9 : memref<80x128xf32, #tpu.memory_space<vmem>>) dst(%dma_wait3A_67 : memref<10000x128xf32, #tpu.memory_space<vmem_shared>>)
      tpu.yield
    }) : () -> ()
    %barrier3A_52 = arith.constant 0 : index
    tpu.barrier barrier_id(%barrier3A_52)
    %mul3A_53 = arith.constant 625 : i32
    %mul3A_54 = arith.muli %arg1, %mul3A_53 : i32
    %mul3A_55 = arith.constant 625 : i32
    %mul3A_56 = arith.muli %arg1, %mul3A_55 : i32
    "tpu.region"() ({
      %run_scoped3A_57 = tpu.sem_alloc : memref<!tpu.dma_semaphore, #tpu.memory_space<semaphore_mem>>
      %dma_start3A_58 = arith.constant 0 : i32
      %dma_start3A_59 = tpu.memref_slice %arg6[%arg0, %mul3A_56, %dma_start3A_58] : memref<2x10000x128xf32, #tpu.memory_space<hbm>> -> memref<1x625x128xf32, #tpu.memory_space<hbm>>
      %dma_start3A_60 = tpu.memref_squeeze %dma_start3A_59 : memref<1x625x128xf32, #tpu.memory_space<hbm>> -> memref<625x128xf32, #tpu.memory_space<hbm>>
      %dma_start3A_61 = arith.constant 0 : i32
      %dma_start3A_62 = tpu.memref_slice %arg13[%mul3A_54, %dma_start3A_61] : memref<10000x128xf32, #tpu.memory_space<vmem_shared>> -> memref<625x128xf32, #tpu.memory_space<vmem_shared>>
      tpu.enqueue_dma source(%dma_start3A_62 : memref<625x128xf32, #tpu.memory_space<vmem_shared>>) target(%dma_start3A_60 : memref<625x128xf32, #tpu.memory_space<hbm>>) target_semaphore(%run_scoped3A_57 : memref<!tpu.dma_semaphore, #tpu.memory_space<semaphore_mem>>)
      %dma_wait3A_63 = arith.constant 0 : i32
      %dma_wait3A_64 = tpu.memref_slice %arg6[%arg0, %mul3A_56, %dma_wait3A_63] : memref<2x10000x128xf32, #tpu.memory_space<hbm>> -> memref<1x625x128xf32, #tpu.memory_space<hbm>>
      %dma_wait3A_65 = tpu.memref_squeeze %dma_wait3A_64 : memref<1x625x128xf32, #tpu.memory_space<hbm>> -> memref<625x128xf32, #tpu.memory_space<hbm>>
      %dma_wait3A_66 = arith.constant 0 : i32
      %dma_wait3A_67 = tpu.memref_slice %arg13[%mul3A_54, %dma_wait3A_66] : memref<10000x128xf32, #tpu.memory_space<vmem_shared>> -> memref<625x128xf32, #tpu.memory_space<vmem_shared>>
      tpu.wait_dma2 semaphore(%run_scoped3A_57 : memref<!tpu.dma_semaphore, #tpu.memory_space<semaphore_mem>>) src(%dma_wait3A_67 : memref<625x128xf32, #tpu.memory_space<vmem_shared>>) dst(%dma_wait3A_65 : memref<625x128xf32, #tpu.memory_space<hbm>>)
      tpu.yield
    }) : () -> ()
    return
  }
}

#map = affine_map<(d0, d1) -> (0, 0)>
#map1 = affine_map<(d0, d1) -> (0, 0, 0)>
module attributes {stable_mosaic.version = 14 : i64} {
  func.func @row_pass(%arg0: i32, %arg1: i32, %arg2: memref<10000x128xf32, #tpu.memory_space<hbm>>, %arg3: memref<2x320000xi32, #tpu.memory_space<hbm>>, %arg4: memref<32x10000xf32, #tpu.memory_space<hbm>>, %arg5: memref<625x128xf32, #tpu.memory_space<hbm>>, %arg6: memref<2x10000x128xf32, #tpu.memory_space<hbm>>, %arg7: memref<10000xi32, #tpu.memory_space<vmem>>, %arg8: memref<10000xi32, #tpu.memory_space<vmem>>, %arg9: memref<80x128xf32, #tpu.memory_space<vmem>>, %arg10: memref<80x128xf32, #tpu.memory_space<vmem>>, %arg11: memref<80xf32, #tpu.memory_space<vmem>>, %arg12: memref<80xf32, #tpu.memory_space<vmem>>, %arg13: memref<10000x128xf32, #tpu.memory_space<vmem_shared>>, %arg14: memref<!tpu.dma_semaphore, #tpu.memory_space<semaphore_mem>>, %arg15: memref<!tpu.dma_semaphore, #tpu.memory_space<semaphore_mem>>, %arg16: memref<!tpu.dma_semaphore, #tpu.memory_space<semaphore_mem>>, %arg17: memref<!tpu.dma_semaphore, #tpu.memory_space<semaphore_mem>>) attributes {dimension_semantics = [#tpu.dimension_semantics<core_parallel>, #tpu.dimension_semantics<subcore_parallel>], iteration_bounds = array<i64: 2, 16>, scalar_prefetch = 0 : i64, scratch_operands = 11 : i64, tpu.core_type = #tpu.core_type<sc_vector_subcore>, window_params = [{transform_indices = #map}, {transform_indices = #map}, {transform_indices = #map}, {transform_indices = #map}, {transform_indices = #map1}]} {
    %mul3A = arith.constant 2 : i32
    %mul3A_0 = arith.muli %arg1, %mul3A : i32
    %add3A = arith.addi %mul3A_0, %arg0 : i32
    %mul3A_1 = arith.constant 10000 : i32
    %mul3A_2 = arith.muli %add3A, %mul3A_1 : i32
    %multiple_of3A = tpu.assume_multiple %mul3A_2, 8 : i32
    %run_scoped3A = arith.constant 0 : i32
    "tpu.region"() ({
      %run_scoped3A_57 = tpu.sem_alloc : memref<!tpu.dma_semaphore, #tpu.memory_space<semaphore_mem>>
      %dma_start3A_58 = tpu.memref_slice %arg3[%run_scoped3A, %multiple_of3A] : memref<2x320000xi32, #tpu.memory_space<hbm>> -> memref<1x10000xi32, #tpu.memory_space<hbm>>
      %dma_start3A_59 = tpu.memref_squeeze %dma_start3A_58 : memref<1x10000xi32, #tpu.memory_space<hbm>> -> memref<10000xi32, #tpu.memory_space<hbm>>
      %dma_start3A_60 = tpu.memref_slice %arg3[%run_scoped3A, %multiple_of3A] : memref<2x320000xi32, #tpu.memory_space<hbm>> -> memref<1x10000xi32, #tpu.memory_space<hbm>>
      %dma_start3A_61 = tpu.memref_squeeze %dma_start3A_60 : memref<1x10000xi32, #tpu.memory_space<hbm>> -> memref<10000xi32, #tpu.memory_space<hbm>>
      tpu.enqueue_dma source(%dma_start3A_61 : memref<10000xi32, #tpu.memory_space<hbm>>) target(%arg7 : memref<10000xi32, #tpu.memory_space<vmem>>) target_semaphore(%run_scoped3A_57 : memref<!tpu.dma_semaphore, #tpu.memory_space<semaphore_mem>>)
      %dma_wait3A_62 = tpu.memref_slice %arg3[%run_scoped3A, %multiple_of3A] : memref<2x320000xi32, #tpu.memory_space<hbm>> -> memref<1x10000xi32, #tpu.memory_space<hbm>>
      %dma_wait3A_63 = tpu.memref_squeeze %dma_wait3A_62 : memref<1x10000xi32, #tpu.memory_space<hbm>> -> memref<10000xi32, #tpu.memory_space<hbm>>
      %dma_wait3A_64 = tpu.memref_slice %arg3[%run_scoped3A, %multiple_of3A] : memref<2x320000xi32, #tpu.memory_space<hbm>> -> memref<1x10000xi32, #tpu.memory_space<hbm>>
      %dma_wait3A_65 = tpu.memref_squeeze %dma_wait3A_64 : memref<1x10000xi32, #tpu.memory_space<hbm>> -> memref<10000xi32, #tpu.memory_space<hbm>>
      tpu.wait_dma2 semaphore(%run_scoped3A_57 : memref<!tpu.dma_semaphore, #tpu.memory_space<semaphore_mem>>) src(%dma_wait3A_65 : memref<10000xi32, #tpu.memory_space<hbm>>) dst(%arg7 : memref<10000xi32, #tpu.memory_space<vmem>>)
      tpu.yield
    }) : () -> ()
    %run_scoped3A_3 = arith.constant 1 : i32
    "tpu.region"() ({
      %run_scoped3A_57 = tpu.sem_alloc : memref<!tpu.dma_semaphore, #tpu.memory_space<semaphore_mem>>
      %dma_start3A_58 = tpu.memref_slice %arg3[%run_scoped3A_3, %multiple_of3A] : memref<2x320000xi32, #tpu.memory_space<hbm>> -> memref<1x10000xi32, #tpu.memory_space<hbm>>
      %dma_start3A_59 = tpu.memref_squeeze %dma_start3A_58 : memref<1x10000xi32, #tpu.memory_space<hbm>> -> memref<10000xi32, #tpu.memory_space<hbm>>
      %dma_start3A_60 = tpu.memref_slice %arg3[%run_scoped3A_3, %multiple_of3A] : memref<2x320000xi32, #tpu.memory_space<hbm>> -> memref<1x10000xi32, #tpu.memory_space<hbm>>
      %dma_start3A_61 = tpu.memref_squeeze %dma_start3A_60 : memref<1x10000xi32, #tpu.memory_space<hbm>> -> memref<10000xi32, #tpu.memory_space<hbm>>
      tpu.enqueue_dma source(%dma_start3A_61 : memref<10000xi32, #tpu.memory_space<hbm>>) target(%arg8 : memref<10000xi32, #tpu.memory_space<vmem>>) target_semaphore(%run_scoped3A_57 : memref<!tpu.dma_semaphore, #tpu.memory_space<semaphore_mem>>)
      %dma_wait3A_62 = tpu.memref_slice %arg3[%run_scoped3A_3, %multiple_of3A] : memref<2x320000xi32, #tpu.memory_space<hbm>> -> memref<1x10000xi32, #tpu.memory_space<hbm>>
      %dma_wait3A_63 = tpu.memref_squeeze %dma_wait3A_62 : memref<1x10000xi32, #tpu.memory_space<hbm>> -> memref<10000xi32, #tpu.memory_space<hbm>>
      %dma_wait3A_64 = tpu.memref_slice %arg3[%run_scoped3A_3, %multiple_of3A] : memref<2x320000xi32, #tpu.memory_space<hbm>> -> memref<1x10000xi32, #tpu.memory_space<hbm>>
      %dma_wait3A_65 = tpu.memref_squeeze %dma_wait3A_64 : memref<1x10000xi32, #tpu.memory_space<hbm>> -> memref<10000xi32, #tpu.memory_space<hbm>>
      tpu.wait_dma2 semaphore(%run_scoped3A_57 : memref<!tpu.dma_semaphore, #tpu.memory_space<semaphore_mem>>) src(%dma_wait3A_65 : memref<10000xi32, #tpu.memory_space<hbm>>) dst(%arg8 : memref<10000xi32, #tpu.memory_space<vmem>>)
      tpu.yield
    }) : () -> ()
    %mul3A_4 = arith.constant 625 : i32
    %mul3A_5 = arith.muli %arg1, %mul3A_4 : i32
    "tpu.region"() ({
      %run_scoped3A_57 = tpu.sem_alloc : memref<!tpu.dma_semaphore, #tpu.memory_space<semaphore_mem>>
      %dma_start3A_58 = arith.constant 0 : i32
      %dma_start3A_59 = tpu.memref_slice %arg13[%mul3A_5, %dma_start3A_58] : memref<10000x128xf32, #tpu.memory_space<vmem_shared>> -> memref<625x128xf32, #tpu.memory_space<vmem_shared>>
      tpu.enqueue_dma source(%arg5 : memref<625x128xf32, #tpu.memory_space<hbm>>) target(%dma_start3A_59 : memref<625x128xf32, #tpu.memory_space<vmem_shared>>) target_semaphore(%run_scoped3A_57 : memref<!tpu.dma_semaphore, #tpu.memory_space<semaphore_mem>>)
      %dma_wait3A_60 = arith.constant 0 : i32
      %dma_wait3A_61 = tpu.memref_slice %arg13[%mul3A_5, %dma_wait3A_60] : memref<10000x128xf32, #tpu.memory_space<vmem_shared>> -> memref<625x128xf32, #tpu.memory_space<vmem_shared>>
      tpu.wait_dma2 semaphore(%run_scoped3A_57 : memref<!tpu.dma_semaphore, #tpu.memory_space<semaphore_mem>>) src(%arg5 : memref<625x128xf32, #tpu.memory_space<hbm>>) dst(%dma_wait3A_61 : memref<625x128xf32, #tpu.memory_space<vmem_shared>>)
      tpu.yield
    }) : () -> ()
    %barrier3A = arith.constant 0 : index
    tpu.barrier barrier_id(%barrier3A)
    %dma_start3A = arith.constant 0 : i32
    %dma_start3A_6 = tpu.memref_slice %arg7[%dma_start3A] : memref<10000xi32, #tpu.memory_space<vmem>> -> memref<80xi32, #tpu.memory_space<vmem>>
    %dma_start3A_7 = arith.constant 0 : i32
    %dma_start3A_8 = arith.constant 0 : i32
    %dma_start3A_9 = tpu.memref_slice %arg2[%dma_start3A_7, %dma_start3A_8] : memref<10000x128xf32, #tpu.memory_space<hbm>> -> memref<10000x128xf32, #tpu.memory_space<hbm>>
    tpu.enqueue_indirect_dma source(%dma_start3A_9 : memref<10000x128xf32, #tpu.memory_space<hbm>>) target(%arg9 : memref<80x128xf32, #tpu.memory_space<vmem>>) offsets(%dma_start3A_6 : memref<80xi32, #tpu.memory_space<vmem>>) semaphore(%arg14 : memref<!tpu.dma_semaphore, #tpu.memory_space<semaphore_mem>>)
    %dma_start3A_10 = arith.constant 0 : i32
    %dma_start3A_11 = tpu.memref_slice %arg4[%add3A, %dma_start3A_10] : memref<32x10000xf32, #tpu.memory_space<hbm>> -> memref<1x80xf32, #tpu.memory_space<hbm>>
    %dma_start3A_12 = tpu.memref_squeeze %dma_start3A_11 : memref<1x80xf32, #tpu.memory_space<hbm>> -> memref<80xf32, #tpu.memory_space<hbm>>
    %dma_start3A_13 = arith.constant 0 : i32
    %dma_start3A_14 = tpu.memref_slice %arg4[%add3A, %dma_start3A_13] : memref<32x10000xf32, #tpu.memory_space<hbm>> -> memref<1x80xf32, #tpu.memory_space<hbm>>
    %dma_start3A_15 = tpu.memref_squeeze %dma_start3A_14 : memref<1x80xf32, #tpu.memory_space<hbm>> -> memref<80xf32, #tpu.memory_space<hbm>>
    tpu.enqueue_dma source(%dma_start3A_15 : memref<80xf32, #tpu.memory_space<hbm>>) target(%arg11 : memref<80xf32, #tpu.memory_space<vmem>>) target_semaphore(%arg16 : memref<!tpu.dma_semaphore, #tpu.memory_space<semaphore_mem>>)
    %scan3A = arith.constant 0 : i32
    %scan3A_16 = arith.constant 0 : i32
    %scan3A_17 = arith.constant 62 : i32
    %scan3A_18 = arith.addi %scan3A_16, %scan3A_17 : i32
    %scan3A_19 = arith.constant 1 : i32
    %scan3A_20 = scf.for %scan3A_57 = %scan3A_16 to %scan3A_18 step %scan3A_19 iter_args(%scan3A_58 = %scan3A) -> (i32)  : i32 {
      %mul3A_59 = arith.constant 2 : i32
      %mul3A_60 = arith.muli %mul3A_59, %scan3A_57 : i32
      %add3A_61 = arith.constant 1 : i32
      %add3A_62 = arith.addi %mul3A_60, %add3A_61 : i32
      %mul3A_63 = arith.constant 80 : i32
      %mul3A_64 = arith.muli %add3A_62, %mul3A_63 : i32
      %dma_start3A_65 = tpu.memref_slice %arg7[%mul3A_64] : memref<10000xi32, #tpu.memory_space<vmem>> -> memref<80xi32, #tpu.memory_space<vmem>>
      %dma_start3A_66 = arith.constant 0 : i32
      %dma_start3A_67 = arith.constant 0 : i32
      %dma_start3A_68 = tpu.memref_slice %arg2[%dma_start3A_66, %dma_start3A_67] : memref<10000x128xf32, #tpu.memory_space<hbm>> -> memref<10000x128xf32, #tpu.memory_space<hbm>>
      tpu.enqueue_indirect_dma source(%dma_start3A_68 : memref<10000x128xf32, #tpu.memory_space<hbm>>) target(%arg10 : memref<80x128xf32, #tpu.memory_space<vmem>>) offsets(%dma_start3A_65 : memref<80xi32, #tpu.memory_space<vmem>>) semaphore(%arg15 : memref<!tpu.dma_semaphore, #tpu.memory_space<semaphore_mem>>)
      %mul3A_69 = arith.constant 80 : i32
      %mul3A_70 = arith.muli %add3A_62, %mul3A_69 : i32
      %dma_start3A_71 = tpu.memref_slice %arg4[%add3A, %mul3A_70] : memref<32x10000xf32, #tpu.memory_space<hbm>> -> memref<1x80xf32, #tpu.memory_space<hbm>>
      %dma_start3A_72 = tpu.memref_squeeze %dma_start3A_71 : memref<1x80xf32, #tpu.memory_space<hbm>> -> memref<80xf32, #tpu.memory_space<hbm>>
      %dma_start3A_73 = tpu.memref_slice %arg4[%add3A, %mul3A_70] : memref<32x10000xf32, #tpu.memory_space<hbm>> -> memref<1x80xf32, #tpu.memory_space<hbm>>
      %dma_start3A_74 = tpu.memref_squeeze %dma_start3A_73 : memref<1x80xf32, #tpu.memory_space<hbm>> -> memref<80xf32, #tpu.memory_space<hbm>>
      tpu.enqueue_dma source(%dma_start3A_74 : memref<80xf32, #tpu.memory_space<hbm>>) target(%arg12 : memref<80xf32, #tpu.memory_space<vmem>>) target_semaphore(%arg17 : memref<!tpu.dma_semaphore, #tpu.memory_space<semaphore_mem>>)
      %dma_wait3A_75 = arith.constant 0 : i32
      %dma_wait3A_76 = arith.constant 0 : i32
      %dma_wait3A_77 = tpu.memref_slice %arg2[%dma_wait3A_75, %dma_wait3A_76] : memref<10000x128xf32, #tpu.memory_space<hbm>> -> memref<80x128xf32, #tpu.memory_space<hbm>>
      %dma_wait3A_78 = arith.constant 0 : i32
      %dma_wait3A_79 = arith.constant 0 : i32
      %dma_wait3A_80 = tpu.memref_slice %arg2[%dma_wait3A_78, %dma_wait3A_79] : memref<10000x128xf32, #tpu.memory_space<hbm>> -> memref<80x128xf32, #tpu.memory_space<hbm>>
      tpu.wait_dma2 semaphore(%arg14 : memref<!tpu.dma_semaphore, #tpu.memory_space<semaphore_mem>>) src(%dma_wait3A_80 : memref<80x128xf32, #tpu.memory_space<hbm>>) dst(%arg9 : memref<80x128xf32, #tpu.memory_space<vmem>>)
      %dma_wait3A_81 = arith.constant 0 : i32
      %dma_wait3A_82 = arith.constant 0 : i32
      %dma_wait3A_83 = tpu.memref_slice %arg4[%dma_wait3A_81, %dma_wait3A_82] : memref<32x10000xf32, #tpu.memory_space<hbm>> -> memref<1x80xf32, #tpu.memory_space<hbm>>
      %dma_wait3A_84 = tpu.memref_squeeze %dma_wait3A_83 : memref<1x80xf32, #tpu.memory_space<hbm>> -> memref<80xf32, #tpu.memory_space<hbm>>
      %dma_wait3A_85 = arith.constant 0 : i32
      %dma_wait3A_86 = tpu.memref_slice %arg4[%dma_wait3A_81, %dma_wait3A_85] : memref<32x10000xf32, #tpu.memory_space<hbm>> -> memref<1x80xf32, #tpu.memory_space<hbm>>
      %dma_wait3A_87 = tpu.memref_squeeze %dma_wait3A_86 : memref<1x80xf32, #tpu.memory_space<hbm>> -> memref<80xf32, #tpu.memory_space<hbm>>
      tpu.wait_dma2 semaphore(%arg16 : memref<!tpu.dma_semaphore, #tpu.memory_space<semaphore_mem>>) src(%dma_wait3A_87 : memref<80xf32, #tpu.memory_space<hbm>>) dst(%arg11 : memref<80xf32, #tpu.memory_space<vmem>>)
      %scan3A_88 = arith.constant 0 : i32
      %scan3A_89 = arith.constant 0 : i32
      %scan3A_90 = arith.constant 80 : i32
      %scan3A_91 = arith.addi %scan3A_89, %scan3A_90 : i32
      %scan3A_92 = arith.constant 1 : i32
      %scan3A_93 = scf.for %scan3A_124 = %scan3A_89 to %scan3A_91 step %scan3A_92 iter_args(%scan3A_125 = %scan3A_88) -> (i32)  : i32 {
        %broadcast_in_dim3A = arith.constant 0 : i32
        %broadcast_in_dim3A_126 = vector.broadcast %broadcast_in_dim3A : i32 to vector<16xi32>
        %add3A_127 = vector.broadcast %scan3A_124 : i32 to vector<16xi32>
        %add3A_128 = arith.addi %broadcast_in_dim3A_126, %add3A_127 : vector<16xi32>
        %gather3A = tpu.vector_load_idx %arg11[%add3A_128] : memref<80xf32, #tpu.memory_space<vmem>>[vector<16xi32>], vector<16xf32>,
        %get3A = arith.index_cast %scan3A_124 : i32 to index
        %get3A_129 = arith.constant 0 : index
        %get3A_130 = tpu.vector_load %arg9[%get3A, %get3A_129] {strides = array<i32>} : memref<80x128xf32, #tpu.memory_space<vmem>>, vector<16xf32>,
        %mul3A_131 = arith.mulf %get3A_130, %gather3A : vector<16xf32>
        %swap3A = arith.index_cast %scan3A_124 : i32 to index
        %swap3A_132 = arith.constant 0 : index
        %swap3A_133 = tpu.vector_load %arg9[%swap3A, %swap3A_132] {strides = array<i32>} : memref<80x128xf32, #tpu.memory_space<vmem>>, vector<16xf32>,
        tpu.vector_store %arg9[%swap3A, %swap3A_132], %mul3A_131 {strides = array<i32>} : memref<80x128xf32, #tpu.memory_space<vmem>>, vector<16xf32>,
        %get3A_134 = arith.index_cast %scan3A_124 : i32 to index
        %get3A_135 = arith.constant 16 : index
        %get3A_136 = tpu.vector_load %arg9[%get3A_134, %get3A_135] {strides = array<i32>} : memref<80x128xf32, #tpu.memory_space<vmem>>, vector<16xf32>,
        %mul3A_137 = arith.mulf %get3A_136, %gather3A : vector<16xf32>
        %swap3A_138 = arith.index_cast %scan3A_124 : i32 to index
        %swap3A_139 = arith.constant 16 : index
        %swap3A_140 = tpu.vector_load %arg9[%swap3A_138, %swap3A_139] {strides = array<i32>} : memref<80x128xf32, #tpu.memory_space<vmem>>, vector<16xf32>,
        tpu.vector_store %arg9[%swap3A_138, %swap3A_139], %mul3A_137 {strides = array<i32>} : memref<80x128xf32, #tpu.memory_space<vmem>>, vector<16xf32>,
        %get3A_141 = arith.index_cast %scan3A_124 : i32 to index
        %get3A_142 = arith.constant 32 : index
        %get3A_143 = tpu.vector_load %arg9[%get3A_141, %get3A_142] {strides = array<i32>} : memref<80x128xf32, #tpu.memory_space<vmem>>, vector<16xf32>,
        %mul3A_144 = arith.mulf %get3A_143, %gather3A : vector<16xf32>
        %swap3A_145 = arith.index_cast %scan3A_124 : i32 to index
        %swap3A_146 = arith.constant 32 : index
        %swap3A_147 = tpu.vector_load %arg9[%swap3A_145, %swap3A_146] {strides = array<i32>} : memref<80x128xf32, #tpu.memory_space<vmem>>, vector<16xf32>,
        tpu.vector_store %arg9[%swap3A_145, %swap3A_146], %mul3A_144 {strides = array<i32>} : memref<80x128xf32, #tpu.memory_space<vmem>>, vector<16xf32>,
        %get3A_148 = arith.index_cast %scan3A_124 : i32 to index
        %get3A_149 = arith.constant 48 : index
        %get3A_150 = tpu.vector_load %arg9[%get3A_148, %get3A_149] {strides = array<i32>} : memref<80x128xf32, #tpu.memory_space<vmem>>, vector<16xf32>,
        %mul3A_151 = arith.mulf %get3A_150, %gather3A : vector<16xf32>
        %swap3A_152 = arith.index_cast %scan3A_124 : i32 to index
        %swap3A_153 = arith.constant 48 : index
        %swap3A_154 = tpu.vector_load %arg9[%swap3A_152, %swap3A_153] {strides = array<i32>} : memref<80x128xf32, #tpu.memory_space<vmem>>, vector<16xf32>,
        tpu.vector_store %arg9[%swap3A_152, %swap3A_153], %mul3A_151 {strides = array<i32>} : memref<80x128xf32, #tpu.memory_space<vmem>>, vector<16xf32>,
        %get3A_155 = arith.index_cast %scan3A_124 : i32 to index
        %get3A_156 = arith.constant 64 : index
        %get3A_157 = tpu.vector_load %arg9[%get3A_155, %get3A_156] {strides = array<i32>} : memref<80x128xf32, #tpu.memory_space<vmem>>, vector<16xf32>,
        %mul3A_158 = arith.mulf %get3A_157, %gather3A : vector<16xf32>
        %swap3A_159 = arith.index_cast %scan3A_124 : i32 to index
        %swap3A_160 = arith.constant 64 : index
        %swap3A_161 = tpu.vector_load %arg9[%swap3A_159, %swap3A_160] {strides = array<i32>} : memref<80x128xf32, #tpu.memory_space<vmem>>, vector<16xf32>,
        tpu.vector_store %arg9[%swap3A_159, %swap3A_160], %mul3A_158 {strides = array<i32>} : memref<80x128xf32, #tpu.memory_space<vmem>>, vector<16xf32>,
        %get3A_162 = arith.index_cast %scan3A_124 : i32 to index
        %get3A_163 = arith.constant 80 : index
        %get3A_164 = tpu.vector_load %arg9[%get3A_162, %get3A_163] {strides = array<i32>} : memref<80x128xf32, #tpu.memory_space<vmem>>, vector<16xf32>,
        %mul3A_165 = arith.mulf %get3A_164, %gather3A : vector<16xf32>
        %swap3A_166 = arith.index_cast %scan3A_124 : i32 to index
        %swap3A_167 = arith.constant 80 : index
        %swap3A_168 = tpu.vector_load %arg9[%swap3A_166, %swap3A_167] {strides = array<i32>} : memref<80x128xf32, #tpu.memory_space<vmem>>, vector<16xf32>,
        tpu.vector_store %arg9[%swap3A_166, %swap3A_167], %mul3A_165 {strides = array<i32>} : memref<80x128xf32, #tpu.memory_space<vmem>>, vector<16xf32>,
        %get3A_169 = arith.index_cast %scan3A_124 : i32 to index
        %get3A_170 = arith.constant 96 : index
        %get3A_171 = tpu.vector_load %arg9[%get3A_169, %get3A_170] {strides = array<i32>} : memref<80x128xf32, #tpu.memory_space<vmem>>, vector<16xf32>,
        %mul3A_172 = arith.mulf %get3A_171, %gather3A : vector<16xf32>
        %swap3A_173 = arith.index_cast %scan3A_124 : i32 to index
        %swap3A_174 = arith.constant 96 : index
        %swap3A_175 = tpu.vector_load %arg9[%swap3A_173, %swap3A_174] {strides = array<i32>} : memref<80x128xf32, #tpu.memory_space<vmem>>, vector<16xf32>,
        tpu.vector_store %arg9[%swap3A_173, %swap3A_174], %mul3A_172 {strides = array<i32>} : memref<80x128xf32, #tpu.memory_space<vmem>>, vector<16xf32>,
        %get3A_176 = arith.index_cast %scan3A_124 : i32 to index
        %get3A_177 = arith.constant 112 : index
        %get3A_178 = tpu.vector_load %arg9[%get3A_176, %get3A_177] {strides = array<i32>} : memref<80x128xf32, #tpu.memory_space<vmem>>, vector<16xf32>,
        %mul3A_179 = arith.mulf %get3A_178, %gather3A : vector<16xf32>
        %swap3A_180 = arith.index_cast %scan3A_124 : i32 to index
        %swap3A_181 = arith.constant 112 : index
        %swap3A_182 = tpu.vector_load %arg9[%swap3A_180, %swap3A_181] {strides = array<i32>} : memref<80x128xf32, #tpu.memory_space<vmem>>, vector<16xf32>,
        tpu.vector_store %arg9[%swap3A_180, %swap3A_181], %mul3A_179 {strides = array<i32>} : memref<80x128xf32, #tpu.memory_space<vmem>>, vector<16xf32>,
        %scan3A_183 = arith.constant 0 : i32
        scf.yield %scan3A_183 : i32
      }
      %scan3A_94 = arith.constant 80 : i32
      %mul3A_95 = arith.constant 80 : i32
      %mul3A_96 = arith.muli %mul3A_60, %mul3A_95 : i32
      "tpu.region"() ({
        %run_scoped3A_124 = tpu.sem_alloc : memref<!tpu.dma_semaphore, #tpu.memory_space<semaphore_mem>>
        %dma_start3A_125 = tpu.memref_slice %arg8[%mul3A_96] : memref<10000xi32, #tpu.memory_space<vmem>> -> memref<80xi32, #tpu.memory_space<vmem>>
        %dma_start3A_126 = arith.constant 0 : i32
        %dma_start3A_127 = arith.constant 0 : i32
        %dma_start3A_128 = tpu.memref_slice %arg13[%dma_start3A_126, %dma_start3A_127] : memref<10000x128xf32, #tpu.memory_space<vmem_shared>> -> memref<10000x128xf32, #tpu.memory_space<vmem_shared>>
        tpu.enqueue_indirect_dma source(%arg9 : memref<80x128xf32, #tpu.memory_space<vmem>>) target(%dma_start3A_128 : memref<10000x128xf32, #tpu.memory_space<vmem_shared>>) offsets(%dma_start3A_125 : memref<80xi32, #tpu.memory_space<vmem>>) semaphore(%run_scoped3A_124 : memref<!tpu.dma_semaphore, #tpu.memory_space<semaphore_mem>>) {add = true}
        %dma_wait3A_129 = tpu.memref_slice %arg8[%mul3A_96] : memref<10000xi32, #tpu.memory_space<vmem>> -> memref<80xi32, #tpu.memory_space<vmem>>
        %dma_wait3A_130 = arith.constant 0 : i32
        %dma_wait3A_131 = arith.constant 0 : i32
        %dma_wait3A_132 = tpu.memref_slice %arg13[%dma_wait3A_130, %dma_wait3A_131] : memref<10000x128xf32, #tpu.memory_space<vmem_shared>> -> memref<10000x128xf32, #tpu.memory_space<vmem_shared>>
        tpu.wait_indirect_dma semaphore(%run_scoped3A_124 : memref<!tpu.dma_semaphore, #tpu.memory_space<semaphore_mem>>) src(%arg9 : memref<80x128xf32, #tpu.memory_space<vmem>>) dst(%dma_wait3A_132 : memref<10000x128xf32, #tpu.memory_space<vmem_shared>>)
        tpu.yield
      }) : () -> ()
      %lt3A = arith.constant 61 : i32
      %lt3A_97 = arith.cmpi slt, %scan3A_57, %lt3A : i32
      %convert_element_type3A = arith.extui %lt3A_97 : i1 to i32
      %cond3A = arith.constant 0 : i32
      %cond3A_98 = arith.cmpi ne, %convert_element_type3A, %cond3A : i32
      scf.if %cond3A_98 {
        %add3A_124 = arith.constant 2 : i32
        %add3A_125 = arith.addi %mul3A_60, %add3A_124 : i32
        %mul3A_126 = arith.constant 80 : i32
        %mul3A_127 = arith.muli %add3A_125, %mul3A_126 : i32
        %dma_start3A_128 = tpu.memref_slice %arg7[%mul3A_127] : memref<10000xi32, #tpu.memory_space<vmem>> -> memref<80xi32, #tpu.memory_space<vmem>>
        %dma_start3A_129 = arith.constant 0 : i32
        %dma_start3A_130 = arith.constant 0 : i32
        %dma_start3A_131 = tpu.memref_slice %arg2[%dma_start3A_129, %dma_start3A_130] : memref<10000x128xf32, #tpu.memory_space<hbm>> -> memref<10000x128xf32, #tpu.memory_space<hbm>>
        tpu.enqueue_indirect_dma source(%dma_start3A_131 : memref<10000x128xf32, #tpu.memory_space<hbm>>) target(%arg9 : memref<80x128xf32, #tpu.memory_space<vmem>>) offsets(%dma_start3A_128 : memref<80xi32, #tpu.memory_space<vmem>>) semaphore(%arg14 : memref<!tpu.dma_semaphore, #tpu.memory_space<semaphore_mem>>)
        %mul3A_132 = arith.constant 80 : i32
        %mul3A_133 = arith.muli %add3A_125, %mul3A_132 : i32
        %dma_start3A_134 = tpu.memref_slice %arg4[%add3A, %mul3A_133] : memref<32x10000xf32, #tpu.memory_space<hbm>> -> memref<1x80xf32, #tpu.memory_space<hbm>>
        %dma_start3A_135 = tpu.memref_squeeze %dma_start3A_134 : memref<1x80xf32, #tpu.memory_space<hbm>> -> memref<80xf32, #tpu.memory_space<hbm>>
        %dma_start3A_136 = tpu.memref_slice %arg4[%add3A, %mul3A_133] : memref<32x10000xf32, #tpu.memory_space<hbm>> -> memref<1x80xf32, #tpu.memory_space<hbm>>
        %dma_start3A_137 = tpu.memref_squeeze %dma_start3A_136 : memref<1x80xf32, #tpu.memory_space<hbm>> -> memref<80xf32, #tpu.memory_space<hbm>>
        tpu.enqueue_dma source(%dma_start3A_137 : memref<80xf32, #tpu.memory_space<hbm>>) target(%arg11 : memref<80xf32, #tpu.memory_space<vmem>>) target_semaphore(%arg16 : memref<!tpu.dma_semaphore, #tpu.memory_space<semaphore_mem>>)
      } else {
      }
      %add3A_99 = arith.constant 1 : i32
      %add3A_100 = arith.addi %mul3A_60, %add3A_99 : i32
      %dma_wait3A_101 = arith.constant 0 : i32
      %dma_wait3A_102 = arith.constant 0 : i32
      %dma_wait3A_103 = tpu.memref_slice %arg2[%dma_wait3A_101, %dma_wait3A_102] : memref<10000x128xf32, #tpu.memory_space<hbm>> -> memref<80x128xf32, #tpu.memory_space<hbm>>
      %dma_wait3A_104 = arith.constant 0 : i32
      %dma_wait3A_105 = arith.constant 0 : i32
      %dma_wait3A_106 = tpu.memref_slice %arg2[%dma_wait3A_104, %dma_wait3A_105] : memref<10000x128xf32, #tpu.memory_space<hbm>> -> memref<80x128xf32, #tpu.memory_space<hbm>>
      tpu.wait_dma2 semaphore(%arg15 : memref<!tpu.dma_semaphore, #tpu.memory_space<semaphore_mem>>) src(%dma_wait3A_106 : memref<80x128xf32, #tpu.memory_space<hbm>>) dst(%arg10 : memref<80x128xf32, #tpu.memory_space<vmem>>)
      %dma_wait3A_107 = arith.constant 0 : i32
      %dma_wait3A_108 = arith.constant 0 : i32
      %dma_wait3A_109 = tpu.memref_slice %arg4[%dma_wait3A_107, %dma_wait3A_108] : memref<32x10000xf32, #tpu.memory_space<hbm>> -> memref<1x80xf32, #tpu.memory_space<hbm>>
      %dma_wait3A_110 = tpu.memref_squeeze %dma_wait3A_109 : memref<1x80xf32, #tpu.memory_space<hbm>> -> memref<80xf32, #tpu.memory_space<hbm>>
      %dma_wait3A_111 = arith.constant 0 : i32
      %dma_wait3A_112 = tpu.memref_slice %arg4[%dma_wait3A_107, %dma_wait3A_111] : memref<32x10000xf32, #tpu.memory_space<hbm>> -> memref<1x80xf32, #tpu.memory_space<hbm>>
      %dma_wait3A_113 = tpu.memref_squeeze %dma_wait3A_112 : memref<1x80xf32, #tpu.memory_space<hbm>> -> memref<80xf32, #tpu.memory_space<hbm>>
      tpu.wait_dma2 semaphore(%arg17 : memref<!tpu.dma_semaphore, #tpu.memory_space<semaphore_mem>>) src(%dma_wait3A_113 : memref<80xf32, #tpu.memory_space<hbm>>) dst(%arg12 : memref<80xf32, #tpu.memory_space<vmem>>)
      %scan3A_114 = arith.constant 0 : i32
      %scan3A_115 = arith.constant 0 : i32
      %scan3A_116 = arith.constant 80 : i32
      %scan3A_117 = arith.addi %scan3A_115, %scan3A_116 : i32
      %scan3A_118 = arith.constant 1 : i32
      %scan3A_119 = scf.for %scan3A_124 = %scan3A_115 to %scan3A_117 step %scan3A_118 iter_args(%scan3A_125 = %scan3A_114) -> (i32)  : i32 {
        %broadcast_in_dim3A = arith.constant 0 : i32
        %broadcast_in_dim3A_126 = vector.broadcast %broadcast_in_dim3A : i32 to vector<16xi32>
        %add3A_127 = vector.broadcast %scan3A_124 : i32 to vector<16xi32>
        %add3A_128 = arith.addi %broadcast_in_dim3A_126, %add3A_127 : vector<16xi32>
        %gather3A = tpu.vector_load_idx %arg12[%add3A_128] : memref<80xf32, #tpu.memory_space<vmem>>[vector<16xi32>], vector<16xf32>,
        %get3A = arith.index_cast %scan3A_124 : i32 to index
        %get3A_129 = arith.constant 0 : index
        %get3A_130 = tpu.vector_load %arg10[%get3A, %get3A_129] {strides = array<i32>} : memref<80x128xf32, #tpu.memory_space<vmem>>, vector<16xf32>,
        %mul3A_131 = arith.mulf %get3A_130, %gather3A : vector<16xf32>
        %swap3A = arith.index_cast %scan3A_124 : i32 to index
        %swap3A_132 = arith.constant 0 : index
        %swap3A_133 = tpu.vector_load %arg10[%swap3A, %swap3A_132] {strides = array<i32>} : memref<80x128xf32, #tpu.memory_space<vmem>>, vector<16xf32>,
        tpu.vector_store %arg10[%swap3A, %swap3A_132], %mul3A_131 {strides = array<i32>} : memref<80x128xf32, #tpu.memory_space<vmem>>, vector<16xf32>,
        %get3A_134 = arith.index_cast %scan3A_124 : i32 to index
        %get3A_135 = arith.constant 16 : index
        %get3A_136 = tpu.vector_load %arg10[%get3A_134, %get3A_135] {strides = array<i32>} : memref<80x128xf32, #tpu.memory_space<vmem>>, vector<16xf32>,
        %mul3A_137 = arith.mulf %get3A_136, %gather3A : vector<16xf32>
        %swap3A_138 = arith.index_cast %scan3A_124 : i32 to index
        %swap3A_139 = arith.constant 16 : index
        %swap3A_140 = tpu.vector_load %arg10[%swap3A_138, %swap3A_139] {strides = array<i32>} : memref<80x128xf32, #tpu.memory_space<vmem>>, vector<16xf32>,
        tpu.vector_store %arg10[%swap3A_138, %swap3A_139], %mul3A_137 {strides = array<i32>} : memref<80x128xf32, #tpu.memory_space<vmem>>, vector<16xf32>,
        %get3A_141 = arith.index_cast %scan3A_124 : i32 to index
        %get3A_142 = arith.constant 32 : index
        %get3A_143 = tpu.vector_load %arg10[%get3A_141, %get3A_142] {strides = array<i32>} : memref<80x128xf32, #tpu.memory_space<vmem>>, vector<16xf32>,
        %mul3A_144 = arith.mulf %get3A_143, %gather3A : vector<16xf32>
        %swap3A_145 = arith.index_cast %scan3A_124 : i32 to index
        %swap3A_146 = arith.constant 32 : index
        %swap3A_147 = tpu.vector_load %arg10[%swap3A_145, %swap3A_146] {strides = array<i32>} : memref<80x128xf32, #tpu.memory_space<vmem>>, vector<16xf32>,
        tpu.vector_store %arg10[%swap3A_145, %swap3A_146], %mul3A_144 {strides = array<i32>} : memref<80x128xf32, #tpu.memory_space<vmem>>, vector<16xf32>,
        %get3A_148 = arith.index_cast %scan3A_124 : i32 to index
        %get3A_149 = arith.constant 48 : index
        %get3A_150 = tpu.vector_load %arg10[%get3A_148, %get3A_149] {strides = array<i32>} : memref<80x128xf32, #tpu.memory_space<vmem>>, vector<16xf32>,
        %mul3A_151 = arith.mulf %get3A_150, %gather3A : vector<16xf32>
        %swap3A_152 = arith.index_cast %scan3A_124 : i32 to index
        %swap3A_153 = arith.constant 48 : index
        %swap3A_154 = tpu.vector_load %arg10[%swap3A_152, %swap3A_153] {strides = array<i32>} : memref<80x128xf32, #tpu.memory_space<vmem>>, vector<16xf32>,
        tpu.vector_store %arg10[%swap3A_152, %swap3A_153], %mul3A_151 {strides = array<i32>} : memref<80x128xf32, #tpu.memory_space<vmem>>, vector<16xf32>,
        %get3A_155 = arith.index_cast %scan3A_124 : i32 to index
        %get3A_156 = arith.constant 64 : index
        %get3A_157 = tpu.vector_load %arg10[%get3A_155, %get3A_156] {strides = array<i32>} : memref<80x128xf32, #tpu.memory_space<vmem>>, vector<16xf32>,
        %mul3A_158 = arith.mulf %get3A_157, %gather3A : vector<16xf32>
        %swap3A_159 = arith.index_cast %scan3A_124 : i32 to index
        %swap3A_160 = arith.constant 64 : index
        %swap3A_161 = tpu.vector_load %arg10[%swap3A_159, %swap3A_160] {strides = array<i32>} : memref<80x128xf32, #tpu.memory_space<vmem>>, vector<16xf32>,
        tpu.vector_store %arg10[%swap3A_159, %swap3A_160], %mul3A_158 {strides = array<i32>} : memref<80x128xf32, #tpu.memory_space<vmem>>, vector<16xf32>,
        %get3A_162 = arith.index_cast %scan3A_124 : i32 to index
        %get3A_163 = arith.constant 80 : index
        %get3A_164 = tpu.vector_load %arg10[%get3A_162, %get3A_163] {strides = array<i32>} : memref<80x128xf32, #tpu.memory_space<vmem>>, vector<16xf32>,
        %mul3A_165 = arith.mulf %get3A_164, %gather3A : vector<16xf32>
        %swap3A_166 = arith.index_cast %scan3A_124 : i32 to index
        %swap3A_167 = arith.constant 80 : index
        %swap3A_168 = tpu.vector_load %arg10[%swap3A_166, %swap3A_167] {strides = array<i32>} : memref<80x128xf32, #tpu.memory_space<vmem>>, vector<16xf32>,
        tpu.vector_store %arg10[%swap3A_166, %swap3A_167], %mul3A_165 {strides = array<i32>} : memref<80x128xf32, #tpu.memory_space<vmem>>, vector<16xf32>,
        %get3A_169 = arith.index_cast %scan3A_124 : i32 to index
        %get3A_170 = arith.constant 96 : index
        %get3A_171 = tpu.vector_load %arg10[%get3A_169, %get3A_170] {strides = array<i32>} : memref<80x128xf32, #tpu.memory_space<vmem>>, vector<16xf32>,
        %mul3A_172 = arith.mulf %get3A_171, %gather3A : vector<16xf32>
        %swap3A_173 = arith.index_cast %scan3A_124 : i32 to index
        %swap3A_174 = arith.constant 96 : index
        %swap3A_175 = tpu.vector_load %arg10[%swap3A_173, %swap3A_174] {strides = array<i32>} : memref<80x128xf32, #tpu.memory_space<vmem>>, vector<16xf32>,
        tpu.vector_store %arg10[%swap3A_173, %swap3A_174], %mul3A_172 {strides = array<i32>} : memref<80x128xf32, #tpu.memory_space<vmem>>, vector<16xf32>,
        %get3A_176 = arith.index_cast %scan3A_124 : i32 to index
        %get3A_177 = arith.constant 112 : index
        %get3A_178 = tpu.vector_load %arg10[%get3A_176, %get3A_177] {strides = array<i32>} : memref<80x128xf32, #tpu.memory_space<vmem>>, vector<16xf32>,
        %mul3A_179 = arith.mulf %get3A_178, %gather3A : vector<16xf32>
        %swap3A_180 = arith.index_cast %scan3A_124 : i32 to index
        %swap3A_181 = arith.constant 112 : index
        %swap3A_182 = tpu.vector_load %arg10[%swap3A_180, %swap3A_181] {strides = array<i32>} : memref<80x128xf32, #tpu.memory_space<vmem>>, vector<16xf32>,
        tpu.vector_store %arg10[%swap3A_180, %swap3A_181], %mul3A_179 {strides = array<i32>} : memref<80x128xf32, #tpu.memory_space<vmem>>, vector<16xf32>,
        %scan3A_183 = arith.constant 0 : i32
        scf.yield %scan3A_183 : i32
      }
      %scan3A_120 = arith.constant 80 : i32
      %mul3A_121 = arith.constant 80 : i32
      %mul3A_122 = arith.muli %add3A_100, %mul3A_121 : i32
      "tpu.region"() ({
        %run_scoped3A_124 = tpu.sem_alloc : memref<!tpu.dma_semaphore, #tpu.memory_space<semaphore_mem>>
        %dma_start3A_125 = tpu.memref_slice %arg8[%mul3A_122] : memref<10000xi32, #tpu.memory_space<vmem>> -> memref<80xi32, #tpu.memory_space<vmem>>
        %dma_start3A_126 = arith.constant 0 : i32
        %dma_start3A_127 = arith.constant 0 : i32
        %dma_start3A_128 = tpu.memref_slice %arg13[%dma_start3A_126, %dma_start3A_127] : memref<10000x128xf32, #tpu.memory_space<vmem_shared>> -> memref<10000x128xf32, #tpu.memory_space<vmem_shared>>
        tpu.enqueue_indirect_dma source(%arg10 : memref<80x128xf32, #tpu.memory_space<vmem>>) target(%dma_start3A_128 : memref<10000x128xf32, #tpu.memory_space<vmem_shared>>) offsets(%dma_start3A_125 : memref<80xi32, #tpu.memory_space<vmem>>) semaphore(%run_scoped3A_124 : memref<!tpu.dma_semaphore, #tpu.memory_space<semaphore_mem>>) {add = true}
        %dma_wait3A_129 = tpu.memref_slice %arg8[%mul3A_122] : memref<10000xi32, #tpu.memory_space<vmem>> -> memref<80xi32, #tpu.memory_space<vmem>>
        %dma_wait3A_130 = arith.constant 0 : i32
        %dma_wait3A_131 = arith.constant 0 : i32
        %dma_wait3A_132 = tpu.memref_slice %arg13[%dma_wait3A_130, %dma_wait3A_131] : memref<10000x128xf32, #tpu.memory_space<vmem_shared>> -> memref<10000x128xf32, #tpu.memory_space<vmem_shared>>
        tpu.wait_indirect_dma semaphore(%run_scoped3A_124 : memref<!tpu.dma_semaphore, #tpu.memory_space<semaphore_mem>>) src(%arg10 : memref<80x128xf32, #tpu.memory_space<vmem>>) dst(%dma_wait3A_132 : memref<10000x128xf32, #tpu.memory_space<vmem_shared>>)
        tpu.yield
      }) : () -> ()
      %scan3A_123 = arith.constant 0 : i32
      scf.yield %scan3A_123 : i32
    }
    %scan3A_21 = arith.constant 62 : i32
    %dma_start3A_22 = arith.constant 9920 : i32
    %dma_start3A_23 = tpu.memref_slice %arg7[%dma_start3A_22] : memref<10000xi32, #tpu.memory_space<vmem>> -> memref<80xi32, #tpu.memory_space<vmem>>
    %dma_start3A_24 = arith.constant 0 : i32
    %dma_start3A_25 = arith.constant 0 : i32
    %dma_start3A_26 = tpu.memref_slice %arg2[%dma_start3A_24, %dma_start3A_25] : memref<10000x128xf32, #tpu.memory_space<hbm>> -> memref<10000x128xf32, #tpu.memory_space<hbm>>
    tpu.enqueue_indirect_dma source(%dma_start3A_26 : memref<10000x128xf32, #tpu.memory_space<hbm>>) target(%arg9 : memref<80x128xf32, #tpu.memory_space<vmem>>) offsets(%dma_start3A_23 : memref<80xi32, #tpu.memory_space<vmem>>) semaphore(%arg14 : memref<!tpu.dma_semaphore, #tpu.memory_space<semaphore_mem>>)
    %dma_start3A_27 = arith.constant 9920 : i32
    %dma_start3A_28 = tpu.memref_slice %arg4[%add3A, %dma_start3A_27] : memref<32x10000xf32, #tpu.memory_space<hbm>> -> memref<1x80xf32, #tpu.memory_space<hbm>>
    %dma_start3A_29 = tpu.memref_squeeze %dma_start3A_28 : memref<1x80xf32, #tpu.memory_space<hbm>> -> memref<80xf32, #tpu.memory_space<hbm>>
    %dma_start3A_30 = arith.constant 9920 : i32
    %dma_start3A_31 = tpu.memref_slice %arg4[%add3A, %dma_start3A_30] : memref<32x10000xf32, #tpu.memory_space<hbm>> -> memref<1x80xf32, #tpu.memory_space<hbm>>
    %dma_start3A_32 = tpu.memref_squeeze %dma_start3A_31 : memref<1x80xf32, #tpu.memory_space<hbm>> -> memref<80xf32, #tpu.memory_space<hbm>>
    tpu.enqueue_dma source(%dma_start3A_32 : memref<80xf32, #tpu.memory_space<hbm>>) target(%arg11 : memref<80xf32, #tpu.memory_space<vmem>>) target_semaphore(%arg16 : memref<!tpu.dma_semaphore, #tpu.memory_space<semaphore_mem>>)
    %dma_wait3A = arith.constant 0 : i32
    %dma_wait3A_33 = arith.constant 0 : i32
    %dma_wait3A_34 = tpu.memref_slice %arg2[%dma_wait3A, %dma_wait3A_33] : memref<10000x128xf32, #tpu.memory_space<hbm>> -> memref<80x128xf32, #tpu.memory_space<hbm>>
    %dma_wait3A_35 = arith.constant 0 : i32
    %dma_wait3A_36 = arith.constant 0 : i32
    %dma_wait3A_37 = tpu.memref_slice %arg2[%dma_wait3A_35, %dma_wait3A_36] : memref<10000x128xf32, #tpu.memory_space<hbm>> -> memref<80x128xf32, #tpu.memory_space<hbm>>
    tpu.wait_dma2 semaphore(%arg14 : memref<!tpu.dma_semaphore, #tpu.memory_space<semaphore_mem>>) src(%dma_wait3A_37 : memref<80x128xf32, #tpu.memory_space<hbm>>) dst(%arg9 : memref<80x128xf32, #tpu.memory_space<vmem>>)
    %dma_wait3A_38 = arith.constant 0 : i32
    %dma_wait3A_39 = arith.constant 0 : i32
    %dma_wait3A_40 = tpu.memref_slice %arg4[%dma_wait3A_38, %dma_wait3A_39] : memref<32x10000xf32, #tpu.memory_space<hbm>> -> memref<1x80xf32, #tpu.memory_space<hbm>>
    %dma_wait3A_41 = tpu.memref_squeeze %dma_wait3A_40 : memref<1x80xf32, #tpu.memory_space<hbm>> -> memref<80xf32, #tpu.memory_space<hbm>>
    %dma_wait3A_42 = arith.constant 0 : i32
    %dma_wait3A_43 = tpu.memref_slice %arg4[%dma_wait3A_38, %dma_wait3A_42] : memref<32x10000xf32, #tpu.memory_space<hbm>> -> memref<1x80xf32, #tpu.memory_space<hbm>>
    %dma_wait3A_44 = tpu.memref_squeeze %dma_wait3A_43 : memref<1x80xf32, #tpu.memory_space<hbm>> -> memref<80xf32, #tpu.memory_space<hbm>>
    tpu.wait_dma2 semaphore(%arg16 : memref<!tpu.dma_semaphore, #tpu.memory_space<semaphore_mem>>) src(%dma_wait3A_44 : memref<80xf32, #tpu.memory_space<hbm>>) dst(%arg11 : memref<80xf32, #tpu.memory_space<vmem>>)
    %scan3A_45 = arith.constant 0 : i32
    %scan3A_46 = arith.constant 0 : i32
    %scan3A_47 = arith.constant 80 : i32
    %scan3A_48 = arith.addi %scan3A_46, %scan3A_47 : i32
    %scan3A_49 = arith.constant 1 : i32
    %scan3A_50 = scf.for %scan3A_57 = %scan3A_46 to %scan3A_48 step %scan3A_49 iter_args(%scan3A_58 = %scan3A_45) -> (i32)  : i32 {
      %broadcast_in_dim3A = arith.constant 0 : i32
      %broadcast_in_dim3A_59 = vector.broadcast %broadcast_in_dim3A : i32 to vector<16xi32>
      %add3A_60 = vector.broadcast %scan3A_57 : i32 to vector<16xi32>
      %add3A_61 = arith.addi %broadcast_in_dim3A_59, %add3A_60 : vector<16xi32>
      %gather3A = tpu.vector_load_idx %arg11[%add3A_61] : memref<80xf32, #tpu.memory_space<vmem>>[vector<16xi32>], vector<16xf32>,
      %get3A = arith.index_cast %scan3A_57 : i32 to index
      %get3A_62 = arith.constant 0 : index
      %get3A_63 = tpu.vector_load %arg9[%get3A, %get3A_62] {strides = array<i32>} : memref<80x128xf32, #tpu.memory_space<vmem>>, vector<16xf32>,
      %mul3A_64 = arith.mulf %get3A_63, %gather3A : vector<16xf32>
      %swap3A = arith.index_cast %scan3A_57 : i32 to index
      %swap3A_65 = arith.constant 0 : index
      %swap3A_66 = tpu.vector_load %arg9[%swap3A, %swap3A_65] {strides = array<i32>} : memref<80x128xf32, #tpu.memory_space<vmem>>, vector<16xf32>,
      tpu.vector_store %arg9[%swap3A, %swap3A_65], %mul3A_64 {strides = array<i32>} : memref<80x128xf32, #tpu.memory_space<vmem>>, vector<16xf32>,
      %get3A_67 = arith.index_cast %scan3A_57 : i32 to index
      %get3A_68 = arith.constant 16 : index
      %get3A_69 = tpu.vector_load %arg9[%get3A_67, %get3A_68] {strides = array<i32>} : memref<80x128xf32, #tpu.memory_space<vmem>>, vector<16xf32>,
      %mul3A_70 = arith.mulf %get3A_69, %gather3A : vector<16xf32>
      %swap3A_71 = arith.index_cast %scan3A_57 : i32 to index
      %swap3A_72 = arith.constant 16 : index
      %swap3A_73 = tpu.vector_load %arg9[%swap3A_71, %swap3A_72] {strides = array<i32>} : memref<80x128xf32, #tpu.memory_space<vmem>>, vector<16xf32>,
      tpu.vector_store %arg9[%swap3A_71, %swap3A_72], %mul3A_70 {strides = array<i32>} : memref<80x128xf32, #tpu.memory_space<vmem>>, vector<16xf32>,
      %get3A_74 = arith.index_cast %scan3A_57 : i32 to index
      %get3A_75 = arith.constant 32 : index
      %get3A_76 = tpu.vector_load %arg9[%get3A_74, %get3A_75] {strides = array<i32>} : memref<80x128xf32, #tpu.memory_space<vmem>>, vector<16xf32>,
      %mul3A_77 = arith.mulf %get3A_76, %gather3A : vector<16xf32>
      %swap3A_78 = arith.index_cast %scan3A_57 : i32 to index
      %swap3A_79 = arith.constant 32 : index
      %swap3A_80 = tpu.vector_load %arg9[%swap3A_78, %swap3A_79] {strides = array<i32>} : memref<80x128xf32, #tpu.memory_space<vmem>>, vector<16xf32>,
      tpu.vector_store %arg9[%swap3A_78, %swap3A_79], %mul3A_77 {strides = array<i32>} : memref<80x128xf32, #tpu.memory_space<vmem>>, vector<16xf32>,
      %get3A_81 = arith.index_cast %scan3A_57 : i32 to index
      %get3A_82 = arith.constant 48 : index
      %get3A_83 = tpu.vector_load %arg9[%get3A_81, %get3A_82] {strides = array<i32>} : memref<80x128xf32, #tpu.memory_space<vmem>>, vector<16xf32>,
      %mul3A_84 = arith.mulf %get3A_83, %gather3A : vector<16xf32>
      %swap3A_85 = arith.index_cast %scan3A_57 : i32 to index
      %swap3A_86 = arith.constant 48 : index
      %swap3A_87 = tpu.vector_load %arg9[%swap3A_85, %swap3A_86] {strides = array<i32>} : memref<80x128xf32, #tpu.memory_space<vmem>>, vector<16xf32>,
      tpu.vector_store %arg9[%swap3A_85, %swap3A_86], %mul3A_84 {strides = array<i32>} : memref<80x128xf32, #tpu.memory_space<vmem>>, vector<16xf32>,
      %get3A_88 = arith.index_cast %scan3A_57 : i32 to index
      %get3A_89 = arith.constant 64 : index
      %get3A_90 = tpu.vector_load %arg9[%get3A_88, %get3A_89] {strides = array<i32>} : memref<80x128xf32, #tpu.memory_space<vmem>>, vector<16xf32>,
      %mul3A_91 = arith.mulf %get3A_90, %gather3A : vector<16xf32>
      %swap3A_92 = arith.index_cast %scan3A_57 : i32 to index
      %swap3A_93 = arith.constant 64 : index
      %swap3A_94 = tpu.vector_load %arg9[%swap3A_92, %swap3A_93] {strides = array<i32>} : memref<80x128xf32, #tpu.memory_space<vmem>>, vector<16xf32>,
      tpu.vector_store %arg9[%swap3A_92, %swap3A_93], %mul3A_91 {strides = array<i32>} : memref<80x128xf32, #tpu.memory_space<vmem>>, vector<16xf32>,
      %get3A_95 = arith.index_cast %scan3A_57 : i32 to index
      %get3A_96 = arith.constant 80 : index
      %get3A_97 = tpu.vector_load %arg9[%get3A_95, %get3A_96] {strides = array<i32>} : memref<80x128xf32, #tpu.memory_space<vmem>>, vector<16xf32>,
      %mul3A_98 = arith.mulf %get3A_97, %gather3A : vector<16xf32>
      %swap3A_99 = arith.index_cast %scan3A_57 : i32 to index
      %swap3A_100 = arith.constant 80 : index
      %swap3A_101 = tpu.vector_load %arg9[%swap3A_99, %swap3A_100] {strides = array<i32>} : memref<80x128xf32, #tpu.memory_space<vmem>>, vector<16xf32>,
      tpu.vector_store %arg9[%swap3A_99, %swap3A_100], %mul3A_98 {strides = array<i32>} : memref<80x128xf32, #tpu.memory_space<vmem>>, vector<16xf32>,
      %get3A_102 = arith.index_cast %scan3A_57 : i32 to index
      %get3A_103 = arith.constant 96 : index
      %get3A_104 = tpu.vector_load %arg9[%get3A_102, %get3A_103] {strides = array<i32>} : memref<80x128xf32, #tpu.memory_space<vmem>>, vector<16xf32>,
      %mul3A_105 = arith.mulf %get3A_104, %gather3A : vector<16xf32>
      %swap3A_106 = arith.index_cast %scan3A_57 : i32 to index
      %swap3A_107 = arith.constant 96 : index
      %swap3A_108 = tpu.vector_load %arg9[%swap3A_106, %swap3A_107] {strides = array<i32>} : memref<80x128xf32, #tpu.memory_space<vmem>>, vector<16xf32>,
      tpu.vector_store %arg9[%swap3A_106, %swap3A_107], %mul3A_105 {strides = array<i32>} : memref<80x128xf32, #tpu.memory_space<vmem>>, vector<16xf32>,
      %get3A_109 = arith.index_cast %scan3A_57 : i32 to index
      %get3A_110 = arith.constant 112 : index
      %get3A_111 = tpu.vector_load %arg9[%get3A_109, %get3A_110] {strides = array<i32>} : memref<80x128xf32, #tpu.memory_space<vmem>>, vector<16xf32>,
      %mul3A_112 = arith.mulf %get3A_111, %gather3A : vector<16xf32>
      %swap3A_113 = arith.index_cast %scan3A_57 : i32 to index
      %swap3A_114 = arith.constant 112 : index
      %swap3A_115 = tpu.vector_load %arg9[%swap3A_113, %swap3A_114] {strides = array<i32>} : memref<80x128xf32, #tpu.memory_space<vmem>>, vector<16xf32>,
      tpu.vector_store %arg9[%swap3A_113, %swap3A_114], %mul3A_112 {strides = array<i32>} : memref<80x128xf32, #tpu.memory_space<vmem>>, vector<16xf32>,
      %scan3A_116 = arith.constant 0 : i32
      scf.yield %scan3A_116 : i32
    }
    %scan3A_51 = arith.constant 80 : i32
    "tpu.region"() ({
      %run_scoped3A_57 = tpu.sem_alloc : memref<!tpu.dma_semaphore, #tpu.memory_space<semaphore_mem>>
      %dma_start3A_58 = arith.constant 9920 : i32
      %dma_start3A_59 = tpu.memref_slice %arg8[%dma_start3A_58] : memref<10000xi32, #tpu.memory_space<vmem>> -> memref<80xi32, #tpu.memory_space<vmem>>
      %dma_start3A_60 = arith.constant 0 : i32
      %dma_start3A_61 = arith.constant 0 : i32
      %dma_start3A_62 = tpu.memref_slice %arg13[%dma_start3A_60, %dma_start3A_61] : memref<10000x128xf32, #tpu.memory_space<vmem_shared>> -> memref<10000x128xf32, #tpu.memory_space<vmem_shared>>
      tpu.enqueue_indirect_dma source(%arg9 : memref<80x128xf32, #tpu.memory_space<vmem>>) target(%dma_start3A_62 : memref<10000x128xf32, #tpu.memory_space<vmem_shared>>) offsets(%dma_start3A_59 : memref<80xi32, #tpu.memory_space<vmem>>) semaphore(%run_scoped3A_57 : memref<!tpu.dma_semaphore, #tpu.memory_space<semaphore_mem>>) {add = true}
      %dma_wait3A_63 = arith.constant 9920 : i32
      %dma_wait3A_64 = tpu.memref_slice %arg8[%dma_wait3A_63] : memref<10000xi32, #tpu.memory_space<vmem>> -> memref<80xi32, #tpu.memory_space<vmem>>
      %dma_wait3A_65 = arith.constant 0 : i32
      %dma_wait3A_66 = arith.constant 0 : i32
      %dma_wait3A_67 = tpu.memref_slice %arg13[%dma_wait3A_65, %dma_wait3A_66] : memref<10000x128xf32, #tpu.memory_space<vmem_shared>> -> memref<10000x128xf32, #tpu.memory_space<vmem_shared>>
      tpu.wait_indirect_dma semaphore(%run_scoped3A_57 : memref<!tpu.dma_semaphore, #tpu.memory_space<semaphore_mem>>) src(%arg9 : memref<80x128xf32, #tpu.memory_space<vmem>>) dst(%dma_wait3A_67 : memref<10000x128xf32, #tpu.memory_space<vmem_shared>>)
      tpu.yield
    }) : () -> ()
    %barrier3A_52 = arith.constant 0 : index
    tpu.barrier barrier_id(%barrier3A_52)
    %mul3A_53 = arith.constant 625 : i32
    %mul3A_54 = arith.muli %arg1, %mul3A_53 : i32
    %mul3A_55 = arith.constant 625 : i32
    %mul3A_56 = arith.muli %arg1, %mul3A_55 : i32
    "tpu.region"() ({
      %run_scoped3A_57 = tpu.sem_alloc : memref<!tpu.dma_semaphore, #tpu.memory_space<semaphore_mem>>
      %dma_start3A_58 = arith.constant 0 : i32
      %dma_start3A_59 = tpu.memref_slice %arg6[%arg0, %mul3A_56, %dma_start3A_58] : memref<2x10000x128xf32, #tpu.memory_space<hbm>> -> memref<1x625x128xf32, #tpu.memory_space<hbm>>
      %dma_start3A_60 = tpu.memref_squeeze %dma_start3A_59 : memref<1x625x128xf32, #tpu.memory_space<hbm>> -> memref<625x128xf32, #tpu.memory_space<hbm>>
      %dma_start3A_61 = arith.constant 0 : i32
      %dma_start3A_62 = tpu.memref_slice %arg13[%mul3A_54, %dma_start3A_61] : memref<10000x128xf32, #tpu.memory_space<vmem_shared>> -> memref<625x128xf32, #tpu.memory_space<vmem_shared>>
      tpu.enqueue_dma source(%dma_start3A_62 : memref<625x128xf32, #tpu.memory_space<vmem_shared>>) target(%dma_start3A_60 : memref<625x128xf32, #tpu.memory_space<hbm>>) target_semaphore(%run_scoped3A_57 : memref<!tpu.dma_semaphore, #tpu.memory_space<semaphore_mem>>)
      %dma_wait3A_63 = arith.constant 0 : i32
      %dma_wait3A_64 = tpu.memref_slice %arg6[%arg0, %mul3A_56, %dma_wait3A_63] : memref<2x10000x128xf32, #tpu.memory_space<hbm>> -> memref<1x625x128xf32, #tpu.memory_space<hbm>>
      %dma_wait3A_65 = tpu.memref_squeeze %dma_wait3A_64 : memref<1x625x128xf32, #tpu.memory_space<hbm>> -> memref<625x128xf32, #tpu.memory_space<hbm>>
      %dma_wait3A_66 = arith.constant 0 : i32
      %dma_wait3A_67 = tpu.memref_slice %arg13[%mul3A_54, %dma_wait3A_66] : memref<10000x128xf32, #tpu.memory_space<vmem_shared>> -> memref<625x128xf32, #tpu.memory_space<vmem_shared>>
      tpu.wait_dma2 semaphore(%run_scoped3A_57 : memref<!tpu.dma_semaphore, #tpu.memory_space<semaphore_mem>>) src(%dma_wait3A_67 : memref<625x128xf32, #tpu.memory_space<vmem_shared>>) dst(%dma_wait3A_65 : memref<625x128xf32, #tpu.memory_space<hbm>>)
      tpu.yield
    }) : () -> ()
    return
  }
}

#map = affine_map<(d0, d1) -> (0, 0)>
#map1 = affine_map<(d0, d1) -> (0)>
module attributes {stable_mosaic.version = 14 : i64} {
  func.func @edge_scalar_l2(%arg0: i32, %arg1: i32, %arg2: memref<2x10000xf32, #tpu.memory_space<hbm>>, %arg3: memref<2x320000xi32, #tpu.memory_space<hbm>>, %arg4: memref<40000x16xf32, #tpu.memory_space<hbm>>, %arg5: memref<16xf32, #tpu.memory_space<hbm>>, %arg6: memref<32x10000xf32, #tpu.memory_space<hbm>>, %arg7: memref<32x10000xf32, #tpu.memory_space<hbm>>, %arg8: memref<32x10000xf32, #tpu.memory_space<hbm>>, %arg9: memref<10000xf32, #tpu.memory_space<vmem>>, %arg10: memref<10000xf32, #tpu.memory_space<vmem>>, %arg11: memref<10000xi32, #tpu.memory_space<vmem>>, %arg12: memref<10000xi32, #tpu.memory_space<vmem>>, %arg13: memref<1250x16xf32, #tpu.memory_space<vmem>>, %arg14: memref<10000xf32, #tpu.memory_space<vmem>>, %arg15: memref<10000xf32, #tpu.memory_space<vmem>>, %arg16: memref<10000xf32, #tpu.memory_space<vmem>>, %arg17: memref<16xf32, #tpu.memory_space<vmem>>) attributes {dimension_semantics = [#tpu.dimension_semantics<core_parallel>, #tpu.dimension_semantics<subcore_parallel>], iteration_bounds = array<i64: 2, 16>, scalar_prefetch = 0 : i64, scratch_operands = 9 : i64, tpu.core_type = #tpu.core_type<sc_vector_subcore>, window_params = [{transform_indices = #map}, {transform_indices = #map}, {transform_indices = #map}, {transform_indices = #map1}, {transform_indices = #map}, {transform_indices = #map}, {transform_indices = #map}]} {
    %mul3A = arith.constant 2 : i32
    %mul3A_0 = arith.muli %arg1, %mul3A : i32
    %add3A = arith.addi %mul3A_0, %arg0 : i32
    %mul3A_1 = arith.constant 10000 : i32
    %mul3A_2 = arith.muli %add3A, %mul3A_1 : i32
    %multiple_of3A = tpu.assume_multiple %mul3A_2, 8 : i32
    %run_scoped3A = arith.constant 0 : i32
    "tpu.region"() ({
      %run_scoped3A_71 = tpu.sem_alloc : memref<!tpu.dma_semaphore, #tpu.memory_space<semaphore_mem>>
      %dma_start3A = arith.constant 0 : i32
      %dma_start3A_72 = tpu.memref_slice %arg2[%run_scoped3A, %dma_start3A] : memref<2x10000xf32, #tpu.memory_space<hbm>> -> memref<1x10000xf32, #tpu.memory_space<hbm>>
      %dma_start3A_73 = tpu.memref_squeeze %dma_start3A_72 : memref<1x10000xf32, #tpu.memory_space<hbm>> -> memref<10000xf32, #tpu.memory_space<hbm>>
      %dma_start3A_74 = arith.constant 0 : i32
      %dma_start3A_75 = tpu.memref_slice %arg2[%run_scoped3A, %dma_start3A_74] : memref<2x10000xf32, #tpu.memory_space<hbm>> -> memref<1x10000xf32, #tpu.memory_space<hbm>>
      %dma_start3A_76 = tpu.memref_squeeze %dma_start3A_75 : memref<1x10000xf32, #tpu.memory_space<hbm>> -> memref<10000xf32, #tpu.memory_space<hbm>>
      tpu.enqueue_dma source(%dma_start3A_76 : memref<10000xf32, #tpu.memory_space<hbm>>) target(%arg9 : memref<10000xf32, #tpu.memory_space<vmem>>) target_semaphore(%run_scoped3A_71 : memref<!tpu.dma_semaphore, #tpu.memory_space<semaphore_mem>>)
      %dma_wait3A = arith.constant 0 : i32
      %dma_wait3A_77 = tpu.memref_slice %arg2[%run_scoped3A, %dma_wait3A] : memref<2x10000xf32, #tpu.memory_space<hbm>> -> memref<1x10000xf32, #tpu.memory_space<hbm>>
      %dma_wait3A_78 = tpu.memref_squeeze %dma_wait3A_77 : memref<1x10000xf32, #tpu.memory_space<hbm>> -> memref<10000xf32, #tpu.memory_space<hbm>>
      %dma_wait3A_79 = arith.constant 0 : i32
      %dma_wait3A_80 = tpu.memref_slice %arg2[%run_scoped3A, %dma_wait3A_79] : memref<2x10000xf32, #tpu.memory_space<hbm>> -> memref<1x10000xf32, #tpu.memory_space<hbm>>
      %dma_wait3A_81 = tpu.memref_squeeze %dma_wait3A_80 : memref<1x10000xf32, #tpu.memory_space<hbm>> -> memref<10000xf32, #tpu.memory_space<hbm>>
      tpu.wait_dma2 semaphore(%run_scoped3A_71 : memref<!tpu.dma_semaphore, #tpu.memory_space<semaphore_mem>>) src(%dma_wait3A_81 : memref<10000xf32, #tpu.memory_space<hbm>>) dst(%arg9 : memref<10000xf32, #tpu.memory_space<vmem>>)
      tpu.yield
    }) : () -> ()
    %run_scoped3A_3 = arith.constant 1 : i32
    "tpu.region"() ({
      %run_scoped3A_71 = tpu.sem_alloc : memref<!tpu.dma_semaphore, #tpu.memory_space<semaphore_mem>>
      %dma_start3A = arith.constant 0 : i32
      %dma_start3A_72 = tpu.memref_slice %arg2[%run_scoped3A_3, %dma_start3A] : memref<2x10000xf32, #tpu.memory_space<hbm>> -> memref<1x10000xf32, #tpu.memory_space<hbm>>
      %dma_start3A_73 = tpu.memref_squeeze %dma_start3A_72 : memref<1x10000xf32, #tpu.memory_space<hbm>> -> memref<10000xf32, #tpu.memory_space<hbm>>
      %dma_start3A_74 = arith.constant 0 : i32
      %dma_start3A_75 = tpu.memref_slice %arg2[%run_scoped3A_3, %dma_start3A_74] : memref<2x10000xf32, #tpu.memory_space<hbm>> -> memref<1x10000xf32, #tpu.memory_space<hbm>>
      %dma_start3A_76 = tpu.memref_squeeze %dma_start3A_75 : memref<1x10000xf32, #tpu.memory_space<hbm>> -> memref<10000xf32, #tpu.memory_space<hbm>>
      tpu.enqueue_dma source(%dma_start3A_76 : memref<10000xf32, #tpu.memory_space<hbm>>) target(%arg10 : memref<10000xf32, #tpu.memory_space<vmem>>) target_semaphore(%run_scoped3A_71 : memref<!tpu.dma_semaphore, #tpu.memory_space<semaphore_mem>>)
      %dma_wait3A = arith.constant 0 : i32
      %dma_wait3A_77 = tpu.memref_slice %arg2[%run_scoped3A_3, %dma_wait3A] : memref<2x10000xf32, #tpu.memory_space<hbm>> -> memref<1x10000xf32, #tpu.memory_space<hbm>>
      %dma_wait3A_78 = tpu.memref_squeeze %dma_wait3A_77 : memref<1x10000xf32, #tpu.memory_space<hbm>> -> memref<10000xf32, #tpu.memory_space<hbm>>
      %dma_wait3A_79 = arith.constant 0 : i32
      %dma_wait3A_80 = tpu.memref_slice %arg2[%run_scoped3A_3, %dma_wait3A_79] : memref<2x10000xf32, #tpu.memory_space<hbm>> -> memref<1x10000xf32, #tpu.memory_space<hbm>>
      %dma_wait3A_81 = tpu.memref_squeeze %dma_wait3A_80 : memref<1x10000xf32, #tpu.memory_space<hbm>> -> memref<10000xf32, #tpu.memory_space<hbm>>
      tpu.wait_dma2 semaphore(%run_scoped3A_71 : memref<!tpu.dma_semaphore, #tpu.memory_space<semaphore_mem>>) src(%dma_wait3A_81 : memref<10000xf32, #tpu.memory_space<hbm>>) dst(%arg10 : memref<10000xf32, #tpu.memory_space<vmem>>)
      tpu.yield
    }) : () -> ()
    %run_scoped3A_4 = arith.constant 0 : i32
    "tpu.region"() ({
      %run_scoped3A_71 = tpu.sem_alloc : memref<!tpu.dma_semaphore, #tpu.memory_space<semaphore_mem>>
      %dma_start3A = tpu.memref_slice %arg3[%run_scoped3A_4, %multiple_of3A] : memref<2x320000xi32, #tpu.memory_space<hbm>> -> memref<1x10000xi32, #tpu.memory_space<hbm>>
      %dma_start3A_72 = tpu.memref_squeeze %dma_start3A : memref<1x10000xi32, #tpu.memory_space<hbm>> -> memref<10000xi32, #tpu.memory_space<hbm>>
      %dma_start3A_73 = tpu.memref_slice %arg3[%run_scoped3A_4, %multiple_of3A] : memref<2x320000xi32, #tpu.memory_space<hbm>> -> memref<1x10000xi32, #tpu.memory_space<hbm>>
      %dma_start3A_74 = tpu.memref_squeeze %dma_start3A_73 : memref<1x10000xi32, #tpu.memory_space<hbm>> -> memref<10000xi32, #tpu.memory_space<hbm>>
      tpu.enqueue_dma source(%dma_start3A_74 : memref<10000xi32, #tpu.memory_space<hbm>>) target(%arg11 : memref<10000xi32, #tpu.memory_space<vmem>>) target_semaphore(%run_scoped3A_71 : memref<!tpu.dma_semaphore, #tpu.memory_space<semaphore_mem>>)
      %dma_wait3A = tpu.memref_slice %arg3[%run_scoped3A_4, %multiple_of3A] : memref<2x320000xi32, #tpu.memory_space<hbm>> -> memref<1x10000xi32, #tpu.memory_space<hbm>>
      %dma_wait3A_75 = tpu.memref_squeeze %dma_wait3A : memref<1x10000xi32, #tpu.memory_space<hbm>> -> memref<10000xi32, #tpu.memory_space<hbm>>
      %dma_wait3A_76 = tpu.memref_slice %arg3[%run_scoped3A_4, %multiple_of3A] : memref<2x320000xi32, #tpu.memory_space<hbm>> -> memref<1x10000xi32, #tpu.memory_space<hbm>>
      %dma_wait3A_77 = tpu.memref_squeeze %dma_wait3A_76 : memref<1x10000xi32, #tpu.memory_space<hbm>> -> memref<10000xi32, #tpu.memory_space<hbm>>
      tpu.wait_dma2 semaphore(%run_scoped3A_71 : memref<!tpu.dma_semaphore, #tpu.memory_space<semaphore_mem>>) src(%dma_wait3A_77 : memref<10000xi32, #tpu.memory_space<hbm>>) dst(%arg11 : memref<10000xi32, #tpu.memory_space<vmem>>)
      tpu.yield
    }) : () -> ()
    %run_scoped3A_5 = arith.constant 1 : i32
    "tpu.region"() ({
      %run_scoped3A_71 = tpu.sem_alloc : memref<!tpu.dma_semaphore, #tpu.memory_space<semaphore_mem>>
      %dma_start3A = tpu.memref_slice %arg3[%run_scoped3A_5, %multiple_of3A] : memref<2x320000xi32, #tpu.memory_space<hbm>> -> memref<1x10000xi32, #tpu.memory_space<hbm>>
      %dma_start3A_72 = tpu.memref_squeeze %dma_start3A : memref<1x10000xi32, #tpu.memory_space<hbm>> -> memref<10000xi32, #tpu.memory_space<hbm>>
      %dma_start3A_73 = tpu.memref_slice %arg3[%run_scoped3A_5, %multiple_of3A] : memref<2x320000xi32, #tpu.memory_space<hbm>> -> memref<1x10000xi32, #tpu.memory_space<hbm>>
      %dma_start3A_74 = tpu.memref_squeeze %dma_start3A_73 : memref<1x10000xi32, #tpu.memory_space<hbm>> -> memref<10000xi32, #tpu.memory_space<hbm>>
      tpu.enqueue_dma source(%dma_start3A_74 : memref<10000xi32, #tpu.memory_space<hbm>>) target(%arg12 : memref<10000xi32, #tpu.memory_space<vmem>>) target_semaphore(%run_scoped3A_71 : memref<!tpu.dma_semaphore, #tpu.memory_space<semaphore_mem>>)
      %dma_wait3A = tpu.memref_slice %arg3[%run_scoped3A_5, %multiple_of3A] : memref<2x320000xi32, #tpu.memory_space<hbm>> -> memref<1x10000xi32, #tpu.memory_space<hbm>>
      %dma_wait3A_75 = tpu.memref_squeeze %dma_wait3A : memref<1x10000xi32, #tpu.memory_space<hbm>> -> memref<10000xi32, #tpu.memory_space<hbm>>
      %dma_wait3A_76 = tpu.memref_slice %arg3[%run_scoped3A_5, %multiple_of3A] : memref<2x320000xi32, #tpu.memory_space<hbm>> -> memref<1x10000xi32, #tpu.memory_space<hbm>>
      %dma_wait3A_77 = tpu.memref_squeeze %dma_wait3A_76 : memref<1x10000xi32, #tpu.memory_space<hbm>> -> memref<10000xi32, #tpu.memory_space<hbm>>
      tpu.wait_dma2 semaphore(%run_scoped3A_71 : memref<!tpu.dma_semaphore, #tpu.memory_space<semaphore_mem>>) src(%dma_wait3A_77 : memref<10000xi32, #tpu.memory_space<hbm>>) dst(%arg12 : memref<10000xi32, #tpu.memory_space<vmem>>)
      tpu.yield
    }) : () -> ()
    %mul3A_6 = arith.constant 1250 : i32
    %mul3A_7 = arith.muli %add3A, %mul3A_6 : i32
    "tpu.region"() ({
      %run_scoped3A_71 = tpu.sem_alloc : memref<!tpu.dma_semaphore, #tpu.memory_space<semaphore_mem>>
      %dma_start3A = arith.constant 0 : i32
      %dma_start3A_72 = tpu.memref_slice %arg4[%mul3A_7, %dma_start3A] : memref<40000x16xf32, #tpu.memory_space<hbm>> -> memref<1250x16xf32, #tpu.memory_space<hbm>>
      %dma_start3A_73 = arith.constant 0 : i32
      %dma_start3A_74 = tpu.memref_slice %arg4[%mul3A_7, %dma_start3A_73] : memref<40000x16xf32, #tpu.memory_space<hbm>> -> memref<1250x16xf32, #tpu.memory_space<hbm>>
      tpu.enqueue_dma source(%dma_start3A_74 : memref<1250x16xf32, #tpu.memory_space<hbm>>) target(%arg13 : memref<1250x16xf32, #tpu.memory_space<vmem>>) target_semaphore(%run_scoped3A_71 : memref<!tpu.dma_semaphore, #tpu.memory_space<semaphore_mem>>)
      %dma_wait3A = arith.constant 0 : i32
      %dma_wait3A_75 = tpu.memref_slice %arg4[%mul3A_7, %dma_wait3A] : memref<40000x16xf32, #tpu.memory_space<hbm>> -> memref<1250x16xf32, #tpu.memory_space<hbm>>
      %dma_wait3A_76 = arith.constant 0 : i32
      %dma_wait3A_77 = tpu.memref_slice %arg4[%mul3A_7, %dma_wait3A_76] : memref<40000x16xf32, #tpu.memory_space<hbm>> -> memref<1250x16xf32, #tpu.memory_space<hbm>>
      tpu.wait_dma2 semaphore(%run_scoped3A_71 : memref<!tpu.dma_semaphore, #tpu.memory_space<semaphore_mem>>) src(%dma_wait3A_77 : memref<1250x16xf32, #tpu.memory_space<hbm>>) dst(%arg13 : memref<1250x16xf32, #tpu.memory_space<vmem>>)
      tpu.yield
    }) : () -> ()
    "tpu.region"() ({
      %run_scoped3A_71 = tpu.sem_alloc : memref<!tpu.dma_semaphore, #tpu.memory_space<semaphore_mem>>
      tpu.enqueue_dma source(%arg5 : memref<16xf32, #tpu.memory_space<hbm>>) target(%arg17 : memref<16xf32, #tpu.memory_space<vmem>>) target_semaphore(%run_scoped3A_71 : memref<!tpu.dma_semaphore, #tpu.memory_space<semaphore_mem>>)
      tpu.wait_dma2 semaphore(%run_scoped3A_71 : memref<!tpu.dma_semaphore, #tpu.memory_space<semaphore_mem>>) src(%arg5 : memref<16xf32, #tpu.memory_space<hbm>>) dst(%arg17 : memref<16xf32, #tpu.memory_space<vmem>>)
      tpu.yield
    }) : () -> ()
    %broadcast_in_dim3A = arith.constant 0.000000e+00 : f32
    %broadcast_in_dim3A_8 = vector.broadcast %broadcast_in_dim3A : f32 to vector<16xf32>
    %scan3A = arith.constant 0 : i32
    %scan3A_9 = arith.constant 0 : i32
    %scan3A_10 = arith.constant 625 : i32
    %scan3A_11 = arith.addi %scan3A_9, %scan3A_10 : i32
    %scan3A_12 = arith.constant 1 : i32
    %scan3A_13 = scf.for %scan3A_71 = %scan3A_9 to %scan3A_11 step %scan3A_12 iter_args(%scan3A_72 = %scan3A) -> (i32)  : i32 {
      %mul3A_73 = arith.constant 16 : i32
      %mul3A_74 = arith.muli %scan3A_71, %mul3A_73 : i32
      %swap3A = arith.index_cast %mul3A_74 : i32 to index
      %swap3A_75 = tpu.vector_load %arg15[%swap3A] {strides = array<i32>} : memref<10000xf32, #tpu.memory_space<vmem>>, vector<16xf32>,
      tpu.vector_store %arg15[%swap3A], %broadcast_in_dim3A_8 {strides = array<i32>} : memref<10000xf32, #tpu.memory_space<vmem>>, vector<16xf32>,
      %mul3A_76 = arith.constant 16 : i32
      %mul3A_77 = arith.muli %scan3A_71, %mul3A_76 : i32
      %swap3A_78 = arith.index_cast %mul3A_77 : i32 to index
      %swap3A_79 = tpu.vector_load %arg16[%swap3A_78] {strides = array<i32>} : memref<10000xf32, #tpu.memory_space<vmem>>, vector<16xf32>,
      tpu.vector_store %arg16[%swap3A_78], %broadcast_in_dim3A_8 {strides = array<i32>} : memref<10000xf32, #tpu.memory_space<vmem>>, vector<16xf32>,
      %scan3A_80 = arith.constant 0 : i32
      scf.yield %scan3A_80 : i32
    }
    %scan3A_14 = arith.constant 625 : i32
    %get3A = arith.constant 0 : index
    %get3A_15 = tpu.vector_load %arg17[%get3A] {strides = array<i32>} : memref<16xf32, #tpu.memory_space<vmem>>, vector<16xf32>,
    %broadcast_in_dim3A_16 = arith.constant 1.000000e+00 : f32
    %broadcast_in_dim3A_17 = vector.broadcast %broadcast_in_dim3A_16 : f32 to vector<16xf32>
    %iota3A = tpu.iota {dimensions = array<i32: 0>} : vector<16xi32>
    %jit3A = arith.constant 8 : i32
    %div3A = vector.broadcast %jit3A : i32 to vector<16xi32>
    %div3A_18 = arith.divsi %iota3A, %div3A : vector<16xi32>
    %sign3A = arith.constant 0 : i32
    %sign3A_19 = vector.broadcast %sign3A : i32 to vector<16xi32>
    %sign3A_20 = arith.cmpi sgt, %iota3A, %sign3A_19 : vector<16xi32>
    %sign3A_21 = arith.extui %sign3A_20 : vector<16xi1> to vector<16xi32>
    %sign3A_22 = arith.constant 0 : i32
    %sign3A_23 = vector.broadcast %sign3A_22 : i32 to vector<16xi32>
    %sign3A_24 = arith.cmpi slt, %iota3A, %sign3A_23 : vector<16xi32>
    %sign3A_25 = arith.extui %sign3A_24 : vector<16xi1> to vector<16xi32>
    %sign3A_26 = arith.subi %sign3A_21, %sign3A_25 : vector<16xi32>
    %sign3A_27 = arith.constant 0 : i32
    %sign3A_28 = arith.cmpi sgt, %jit3A, %sign3A_27 : i32
    %sign3A_29 = arith.extui %sign3A_28 : i1 to i32
    %sign3A_30 = arith.constant 0 : i32
    %sign3A_31 = arith.cmpi slt, %jit3A, %sign3A_30 : i32
    %sign3A_32 = arith.extui %sign3A_31 : i1 to i32
    %sign3A_33 = arith.subi %sign3A_29, %sign3A_32 : i32
    %ne3A = vector.broadcast %sign3A_33 : i32 to vector<16xi32>
    %ne3A_34 = arith.cmpi ne, %sign3A_26, %ne3A : vector<16xi32>
    %rem3A = vector.broadcast %jit3A : i32 to vector<16xi32>
    %rem3A_35 = arith.remsi %iota3A, %rem3A : vector<16xi32>
    %ne3A_36 = arith.constant 0 : i32
    %ne3A_37 = vector.broadcast %ne3A_36 : i32 to vector<16xi32>
    %ne3A_38 = arith.cmpi ne, %rem3A_35, %ne3A_37 : vector<16xi32>
    %and3A = arith.andi %ne3A_34, %ne3A_38 : vector<16xi1>
    %sub3A = arith.constant 1 : i32
    %sub3A_39 = vector.broadcast %sub3A : i32 to vector<16xi32>
    %sub3A_40 = arith.subi %div3A_18, %sub3A_39 : vector<16xi32>
    %select_n3A = arith.select %and3A, %sub3A_40, %div3A_18 : vector<16xi1>, vector<16xi32>
    %jit3A_41 = arith.constant 8 : i32
    %eq3A = arith.constant 0 : i32
    %eq3A_42 = arith.cmpi eq, %jit3A_41, %eq3A : i32
    %jit3A_43 = arith.constant 1 : i32
    %select_n3A_44 = arith.select %eq3A_42, %jit3A_43, %jit3A_41 : i32
    %rem3A_45 = vector.broadcast %select_n3A_44 : i32 to vector<16xi32>
    %rem3A_46 = arith.remsi %iota3A, %rem3A_45 : vector<16xi32>
    %ne3A_47 = arith.constant 0 : i32
    %ne3A_48 = vector.broadcast %ne3A_47 : i32 to vector<16xi32>
    %ne3A_49 = arith.cmpi ne, %rem3A_46, %ne3A_48 : vector<16xi32>
    %lt3A = arith.constant 0 : i32
    %lt3A_50 = vector.broadcast %lt3A : i32 to vector<16xi32>
    %lt3A_51 = arith.cmpi slt, %rem3A_46, %lt3A_50 : vector<16xi32>
    %lt3A_52 = arith.constant 0 : i32
    %lt3A_53 = arith.cmpi slt, %select_n3A_44, %lt3A_52 : i32
    %ne3A_54 = vector.broadcast %lt3A_53 : i1 to vector<16xi1>
    %ne3A_55 = vector.broadcast %ne3A_54 : vector<16xi1> to vector<16xi1>
    %ne3A_56 = arith.xori %lt3A_51, %ne3A_55 : vector<16xi1>
    %and3A_57 = arith.andi %ne3A_56, %ne3A_49 : vector<16xi1>
    %add3A_58 = vector.broadcast %select_n3A_44 : i32 to vector<16xi32>
    %add3A_59 = arith.addi %rem3A_46, %add3A_58 : vector<16xi32>
    %select_n3A_60 = arith.select %and3A_57, %add3A_59, %rem3A_46 : vector<16xi1>, vector<16xi32>
    %add3A_61 = arith.constant 8 : i32
    %add3A_62 = vector.broadcast %add3A_61 : i32 to vector<16xi32>
    %add3A_63 = arith.addi %select_n3A_60, %add3A_62 : vector<16xi32>
    %scan3A_64 = arith.constant 0 : i32
    %scan3A_65 = arith.constant 0 : i32
    %scan3A_66 = arith.constant 625 : i32
    %scan3A_67 = arith.addi %scan3A_65, %scan3A_66 : i32
    %scan3A_68 = arith.constant 1 : i32
    %scan3A_69 = scf.for %scan3A_71 = %scan3A_65 to %scan3A_67 step %scan3A_68 iter_args(%scan3A_72 = %scan3A_64) -> (i32)  : i32 {
      %mul3A_73 = arith.constant 16 : i32
      %mul3A_74 = arith.muli %scan3A_71, %mul3A_73 : i32
      %get3A_75 = arith.index_cast %mul3A_74 : i32 to index
      %get3A_76 = tpu.vector_load %arg11[%get3A_75] {strides = array<i32>} : memref<10000xi32, #tpu.memory_space<vmem>>, vector<16xi32>,
      %get3A_77 = arith.index_cast %mul3A_74 : i32 to index
      %get3A_78 = tpu.vector_load %arg12[%get3A_77] {strides = array<i32>} : memref<10000xi32, #tpu.memory_space<vmem>>, vector<16xi32>,
      %mul3A_79 = arith.constant 2 : i32
      %mul3A_80 = arith.muli %mul3A_79, %scan3A_71 : i32
      %add3A_81 = vector.broadcast %mul3A_80 : i32 to vector<16xi32>
      %add3A_82 = arith.addi %add3A_81, %select_n3A : vector<16xi32>
      %gather3A = tpu.vector_load_idx %arg13[%add3A_82, %add3A_63] : memref<1250x16xf32, #tpu.memory_space<vmem>>[vector<16xi32>, vector<16xi32>], vector<16xf32>,
      %gather3A_83 = tpu.vector_load_idx %arg9[%get3A_76] : memref<10000xf32, #tpu.memory_space<vmem>>[vector<16xi32>], vector<16xf32>,
      %gather3A_84 = tpu.vector_load_idx %arg10[%get3A_78] : memref<10000xf32, #tpu.memory_space<vmem>>[vector<16xi32>], vector<16xf32>,
      %add3A_85 = arith.addf %gather3A_83, %gather3A_84 : vector<16xf32>
      %add3A_86 = arith.addf %add3A_85, %gather3A : vector<16xf32>
      %mul3A_87 = arith.constant 2.000000e-01 : f32
      %mul3A_88 = vector.broadcast %mul3A_87 : f32 to vector<16xf32>
      %mul3A_89 = arith.mulf %mul3A_88, %add3A_86 : vector<16xf32>
      %max3A = arith.maximumf %add3A_86, %mul3A_89 : vector<16xf32>
      %sub3A_90 = arith.subf %max3A, %get3A_15 : vector<16xf32>
      %exp3A = math.exp %sub3A_90 : vector<16xf32>
      %swap3A = arith.index_cast %mul3A_74 : i32 to index
      %swap3A_91 = tpu.vector_load %arg14[%swap3A] {strides = array<i32>} : memref<10000xf32, #tpu.memory_space<vmem>>, vector<16xf32>,
      tpu.vector_store %arg14[%swap3A], %exp3A {strides = array<i32>} : memref<10000xf32, #tpu.memory_space<vmem>>, vector<16xf32>,
      tpu.vector_store_idx %arg15[%get3A_78], %exp3A {add = true} : memref<10000xf32, #tpu.memory_space<vmem>>[vector<16xi32>], vector<16xf32>,
      tpu.vector_store_idx %arg16[%get3A_78], %gather3A {add = true} : memref<10000xf32, #tpu.memory_space<vmem>>[vector<16xi32>], vector<16xf32>,
      %scan3A_92 = arith.constant 0 : i32
      scf.yield %scan3A_92 : i32
    }
    %scan3A_70 = arith.constant 625 : i32
    "tpu.region"() ({
      %run_scoped3A_71 = tpu.sem_alloc : memref<!tpu.dma_semaphore, #tpu.memory_space<semaphore_mem>>
      %dma_start3A = arith.constant 0 : i32
      %dma_start3A_72 = tpu.memref_slice %arg6[%add3A, %dma_start3A] : memref<32x10000xf32, #tpu.memory_space<hbm>> -> memref<1x10000xf32, #tpu.memory_space<hbm>>
      %dma_start3A_73 = tpu.memref_squeeze %dma_start3A_72 : memref<1x10000xf32, #tpu.memory_space<hbm>> -> memref<10000xf32, #tpu.memory_space<hbm>>
      %dma_start3A_74 = arith.constant 0 : i32
      %dma_start3A_75 = tpu.memref_slice %arg6[%add3A, %dma_start3A_74] : memref<32x10000xf32, #tpu.memory_space<hbm>> -> memref<1x10000xf32, #tpu.memory_space<hbm>>
      %dma_start3A_76 = tpu.memref_squeeze %dma_start3A_75 : memref<1x10000xf32, #tpu.memory_space<hbm>> -> memref<10000xf32, #tpu.memory_space<hbm>>
      tpu.enqueue_dma source(%arg14 : memref<10000xf32, #tpu.memory_space<vmem>>) target(%dma_start3A_76 : memref<10000xf32, #tpu.memory_space<hbm>>) target_semaphore(%run_scoped3A_71 : memref<!tpu.dma_semaphore, #tpu.memory_space<semaphore_mem>>)
      %dma_wait3A = arith.constant 0 : i32
      %dma_wait3A_77 = tpu.memref_slice %arg6[%add3A, %dma_wait3A] : memref<32x10000xf32, #tpu.memory_space<hbm>> -> memref<1x10000xf32, #tpu.memory_space<hbm>>
      %dma_wait3A_78 = tpu.memref_squeeze %dma_wait3A_77 : memref<1x10000xf32, #tpu.memory_space<hbm>> -> memref<10000xf32, #tpu.memory_space<hbm>>
      %dma_wait3A_79 = arith.constant 0 : i32
      %dma_wait3A_80 = tpu.memref_slice %arg6[%add3A, %dma_wait3A_79] : memref<32x10000xf32, #tpu.memory_space<hbm>> -> memref<1x10000xf32, #tpu.memory_space<hbm>>
      %dma_wait3A_81 = tpu.memref_squeeze %dma_wait3A_80 : memref<1x10000xf32, #tpu.memory_space<hbm>> -> memref<10000xf32, #tpu.memory_space<hbm>>
      tpu.wait_dma2 semaphore(%run_scoped3A_71 : memref<!tpu.dma_semaphore, #tpu.memory_space<semaphore_mem>>) src(%arg14 : memref<10000xf32, #tpu.memory_space<vmem>>) dst(%dma_wait3A_81 : memref<10000xf32, #tpu.memory_space<hbm>>)
      tpu.yield
    }) : () -> ()
    "tpu.region"() ({
      %run_scoped3A_71 = tpu.sem_alloc : memref<!tpu.dma_semaphore, #tpu.memory_space<semaphore_mem>>
      %dma_start3A = arith.constant 0 : i32
      %dma_start3A_72 = tpu.memref_slice %arg7[%add3A, %dma_start3A] : memref<32x10000xf32, #tpu.memory_space<hbm>> -> memref<1x10000xf32, #tpu.memory_space<hbm>>
      %dma_start3A_73 = tpu.memref_squeeze %dma_start3A_72 : memref<1x10000xf32, #tpu.memory_space<hbm>> -> memref<10000xf32, #tpu.memory_space<hbm>>
      %dma_start3A_74 = arith.constant 0 : i32
      %dma_start3A_75 = tpu.memref_slice %arg7[%add3A, %dma_start3A_74] : memref<32x10000xf32, #tpu.memory_space<hbm>> -> memref<1x10000xf32, #tpu.memory_space<hbm>>
      %dma_start3A_76 = tpu.memref_squeeze %dma_start3A_75 : memref<1x10000xf32, #tpu.memory_space<hbm>> -> memref<10000xf32, #tpu.memory_space<hbm>>
      tpu.enqueue_dma source(%arg15 : memref<10000xf32, #tpu.memory_space<vmem>>) target(%dma_start3A_76 : memref<10000xf32, #tpu.memory_space<hbm>>) target_semaphore(%run_scoped3A_71 : memref<!tpu.dma_semaphore, #tpu.memory_space<semaphore_mem>>)
      %dma_wait3A = arith.constant 0 : i32
      %dma_wait3A_77 = tpu.memref_slice %arg7[%add3A, %dma_wait3A] : memref<32x10000xf32, #tpu.memory_space<hbm>> -> memref<1x10000xf32, #tpu.memory_space<hbm>>
      %dma_wait3A_78 = tpu.memref_squeeze %dma_wait3A_77 : memref<1x10000xf32, #tpu.memory_space<hbm>> -> memref<10000xf32, #tpu.memory_space<hbm>>
      %dma_wait3A_79 = arith.constant 0 : i32
      %dma_wait3A_80 = tpu.memref_slice %arg7[%add3A, %dma_wait3A_79] : memref<32x10000xf32, #tpu.memory_space<hbm>> -> memref<1x10000xf32, #tpu.memory_space<hbm>>
      %dma_wait3A_81 = tpu.memref_squeeze %dma_wait3A_80 : memref<1x10000xf32, #tpu.memory_space<hbm>> -> memref<10000xf32, #tpu.memory_space<hbm>>
      tpu.wait_dma2 semaphore(%run_scoped3A_71 : memref<!tpu.dma_semaphore, #tpu.memory_space<semaphore_mem>>) src(%arg15 : memref<10000xf32, #tpu.memory_space<vmem>>) dst(%dma_wait3A_81 : memref<10000xf32, #tpu.memory_space<hbm>>)
      tpu.yield
    }) : () -> ()
    "tpu.region"() ({
      %run_scoped3A_71 = tpu.sem_alloc : memref<!tpu.dma_semaphore, #tpu.memory_space<semaphore_mem>>
      %dma_start3A = arith.constant 0 : i32
      %dma_start3A_72 = tpu.memref_slice %arg8[%add3A, %dma_start3A] : memref<32x10000xf32, #tpu.memory_space<hbm>> -> memref<1x10000xf32, #tpu.memory_space<hbm>>
      %dma_start3A_73 = tpu.memref_squeeze %dma_start3A_72 : memref<1x10000xf32, #tpu.memory_space<hbm>> -> memref<10000xf32, #tpu.memory_space<hbm>>
      %dma_start3A_74 = arith.constant 0 : i32
      %dma_start3A_75 = tpu.memref_slice %arg8[%add3A, %dma_start3A_74] : memref<32x10000xf32, #tpu.memory_space<hbm>> -> memref<1x10000xf32, #tpu.memory_space<hbm>>
      %dma_start3A_76 = tpu.memref_squeeze %dma_start3A_75 : memref<1x10000xf32, #tpu.memory_space<hbm>> -> memref<10000xf32, #tpu.memory_space<hbm>>
      tpu.enqueue_dma source(%arg16 : memref<10000xf32, #tpu.memory_space<vmem>>) target(%dma_start3A_76 : memref<10000xf32, #tpu.memory_space<hbm>>) target_semaphore(%run_scoped3A_71 : memref<!tpu.dma_semaphore, #tpu.memory_space<semaphore_mem>>)
      %dma_wait3A = arith.constant 0 : i32
      %dma_wait3A_77 = tpu.memref_slice %arg8[%add3A, %dma_wait3A] : memref<32x10000xf32, #tpu.memory_space<hbm>> -> memref<1x10000xf32, #tpu.memory_space<hbm>>
      %dma_wait3A_78 = tpu.memref_squeeze %dma_wait3A_77 : memref<1x10000xf32, #tpu.memory_space<hbm>> -> memref<10000xf32, #tpu.memory_space<hbm>>
      %dma_wait3A_79 = arith.constant 0 : i32
      %dma_wait3A_80 = tpu.memref_slice %arg8[%add3A, %dma_wait3A_79] : memref<32x10000xf32, #tpu.memory_space<hbm>> -> memref<1x10000xf32, #tpu.memory_space<hbm>>
      %dma_wait3A_81 = tpu.memref_squeeze %dma_wait3A_80 : memref<1x10000xf32, #tpu.memory_space<hbm>> -> memref<10000xf32, #tpu.memory_space<hbm>>
      tpu.wait_dma2 semaphore(%run_scoped3A_71 : memref<!tpu.dma_semaphore, #tpu.memory_space<semaphore_mem>>) src(%arg16 : memref<10000xf32, #tpu.memory_space<vmem>>) dst(%dma_wait3A_81 : memref<10000xf32, #tpu.memory_space<hbm>>)
      tpu.yield
    }) : () -> ()
    return
  }
}

module attributes {stable_mosaic.version = 14 : i64} {
  func.func @body(%arg0: memref<10000x128xf32, #tpu.memory_space<vmem>>, %arg1: memref<128x128xf32, #tpu.memory_space<vmem>>, %arg2: memref<128x2xf32, #tpu.memory_space<vmem>>, %arg3: memref<10000x128xf32, #tpu.memory_space<vmem>>, %arg4: memref<2x10000xf32, #tpu.memory_space<vmem>>, %arg5: memref<1x2xf32, #tpu.memory_space<vmem>>) attributes {dimension_semantics = [], scalar_prefetch = 0 : i64, scratch_operands = 0 : i64, tpu.core_type = #tpu.core_type<tc>} {
    %get3A = arith.constant 0 : index
    %get3A_0 = arith.constant 0 : index
    %get3A_1 = vector.load %arg0[%get3A, %get3A_0] : memref<10000x128xf32, #tpu.memory_space<vmem>>, vector<10000x128xf32>
    %get3A_2 = arith.constant 0 : index
    %get3A_3 = arith.constant 0 : index
    %get3A_4 = vector.load %arg1[%get3A_2, %get3A_3] : memref<128x128xf32, #tpu.memory_space<vmem>>, vector<128x128xf32>
    %dot_general3A = arith.constant dense<0.000000e+00> : vector<10000x128xf32>
    %dot_general3A_5 = tpu.matmul %get3A_1, %get3A_4, %dot_general3A {dimension_numbers = #tpu.dot_dimension_numbers<[1], [0], [0], [1], [0, 0, 1, 1], [], []>, transpose_lhs_hint = false} : vector<10000x128xf32>, vector<128x128xf32>, vector<10000x128xf32> -> vector<10000x128xf32>
    %swap3A = arith.constant 0 : index
    %swap3A_6 = arith.constant 0 : index
    %swap3A_7 = vector.load %arg3[%swap3A, %swap3A_6] : memref<10000x128xf32, #tpu.memory_space<vmem>>, vector<10000x128xf32>
    tpu.vector_store %arg3[%swap3A, %swap3A_6], %dot_general3A_5 {strides = array<i32>} : memref<10000x128xf32, #tpu.memory_space<vmem>>, vector<10000x128xf32>,
    %get3A_8 = arith.constant 0 : index
    %get3A_9 = arith.constant 0 : index
    %get3A_10 = vector.load %arg2[%get3A_8, %get3A_9] : memref<128x2xf32, #tpu.memory_space<vmem>>, vector<128x2xf32>
    %dot_general3A_11 = arith.constant dense<0.000000e+00> : vector<2x10000xf32>
    %dot_general3A_12 = tpu.matmul %get3A_10, %dot_general3A_5, %dot_general3A_11 {dimension_numbers = #tpu.dot_dimension_numbers<[0], [1], [1], [0], [0, 1, 1, 0], [], []>, transpose_lhs_hint = false} : vector<128x2xf32>, vector<10000x128xf32>, vector<2x10000xf32> -> vector<2x10000xf32>
    %swap3A_13 = arith.constant 0 : index
    %swap3A_14 = arith.constant 0 : index
    %swap3A_15 = vector.load %arg4[%swap3A_13, %swap3A_14] : memref<2x10000xf32, #tpu.memory_space<vmem>>, vector<2x10000xf32>
    tpu.vector_store %arg4[%swap3A_13, %swap3A_14], %dot_general3A_12 {strides = array<i32>} : memref<2x10000xf32, #tpu.memory_space<vmem>>, vector<2x10000xf32>,
    %reduce_max3A = arith.constant dense<0xFF800000> : vector<2xf32>
    %reduce_max3A_16 = vector.multi_reduction <maximumf>, %dot_general3A_12, %reduce_max3A [1] : vector<2x10000xf32> to vector<2xf32>
    %swap3A_17 = arith.constant 0 : index
    %swap3A_18 = arith.constant 0 : index
    %swap3A_19 = vector.load %arg5[%swap3A_17, %swap3A_18] : memref<1x2xf32, #tpu.memory_space<vmem>>, vector<1x2xf32>
    %swap3A_20 = vector.shape_cast %swap3A_19 : vector<1x2xf32> to vector<2xf32>
    %swap3A_21 = vector.shape_cast %reduce_max3A_16 : vector<2xf32> to vector<1x2xf32>
    tpu.vector_store %arg5[%swap3A_17, %swap3A_18], %swap3A_21 {strides = array<i32>} : memref<1x2xf32, #tpu.memory_space<vmem>>, vector<1x2xf32>,
    return
  }
}

module attributes {stable_mosaic.version = 14 : i64} {
  func.func @body(%arg0: i32, %arg1: memref<1000x128xf32, #tpu.memory_space<vmem>>, %arg2: memref<128x16xf32, #tpu.memory_space<vmem>>, %arg3: memref<1000x16xf32, #tpu.memory_space<vmem>>, %arg4: memref<1x2xf32, #tpu.memory_space<vmem>>) attributes {dimension_semantics = [#tpu.dimension_semantics<arbitrary>], iteration_bounds = array<i64: 40>, scalar_prefetch = 0 : i64, scratch_operands = 0 : i64, tpu.core_type = #tpu.core_type<tc>, window_params = [{transform_indices = @transform_0, window_bounds = array<i64: 1000, 128>}, {pipeline_mode = #tpu.pipeline_mode<synchronous>, transform_indices = @transform_1, window_bounds = array<i64: 128, 16>}, {transform_indices = @transform_2, window_bounds = array<i64: 1000, 16>}, {pipeline_mode = #tpu.pipeline_mode<synchronous>, transform_indices = @transform_3, window_bounds = array<i64: 1, 2>}]} {
    %get3A = arith.constant 0 : index
    %get3A_0 = arith.constant 0 : index
    %get3A_1 = vector.load %arg1[%get3A, %get3A_0] : memref<1000x128xf32, #tpu.memory_space<vmem>>, vector<1000x128xf32>
    %get3A_2 = arith.constant 0 : index
    %get3A_3 = arith.constant 0 : index
    %get3A_4 = vector.load %arg2[%get3A_2, %get3A_3] : memref<128x16xf32, #tpu.memory_space<vmem>>, vector<128x16xf32>
    %dot_general3A = arith.constant dense<0.000000e+00> : vector<1000x16xf32>
    %dot_general3A_5 = tpu.matmul %get3A_1, %get3A_4, %dot_general3A {dimension_numbers = #tpu.dot_dimension_numbers<[1], [0], [0], [1], [0, 0, 1, 1], [], []>, transpose_lhs_hint = false} : vector<1000x128xf32>, vector<128x16xf32>, vector<1000x16xf32> -> vector<1000x16xf32>
    %swap3A = arith.constant 0 : index
    %swap3A_6 = arith.constant 0 : index
    %swap3A_7 = vector.load %arg3[%swap3A, %swap3A_6] : memref<1000x16xf32, #tpu.memory_space<vmem>>, vector<1000x16xf32>
    tpu.vector_store %arg3[%swap3A, %swap3A_6], %dot_general3A_5 {strides = array<i32>} : memref<1000x16xf32, #tpu.memory_space<vmem>>, vector<1000x16xf32>,
    %slice3A = vector.extract_strided_slice %dot_general3A_5 {offsets = [0, 0], sizes = [1000, 8], strides = [1, 1]} : vector<1000x16xf32> to vector<1000x8xf32>
    %reduce_max3A = vector.shape_cast %slice3A : vector<1000x8xf32> to vector<1x1000x8xf32>
    %reduce_max3A_8 = arith.constant dense<0xFF800000> : vector<1xf32>
    %reduce_max3A_9 = vector.multi_reduction <maximumf>, %reduce_max3A, %reduce_max3A_8 [1, 2] : vector<1x1000x8xf32> to vector<1xf32>
    %reduce_max3A_10 = vector.shape_cast %reduce_max3A_9 : vector<1xf32> to vector<1x1x1xf32>
    %reduce_max3A_11 = vector.extract %reduce_max3A_10[0, 0, 0] : f32 from vector<1x1x1xf32>
    %slice3A_12 = vector.extract_strided_slice %dot_general3A_5 {offsets = [0, 8], sizes = [1000, 8], strides = [1, 1]} : vector<1000x16xf32> to vector<1000x8xf32>
    %reduce_max3A_13 = vector.shape_cast %slice3A_12 : vector<1000x8xf32> to vector<1x1000x8xf32>
    %reduce_max3A_14 = arith.constant dense<0xFF800000> : vector<1xf32>
    %reduce_max3A_15 = vector.multi_reduction <maximumf>, %reduce_max3A_13, %reduce_max3A_14 [1, 2] : vector<1x1000x8xf32> to vector<1xf32>
    %reduce_max3A_16 = vector.shape_cast %reduce_max3A_15 : vector<1xf32> to vector<1x1x1xf32>
    %reduce_max3A_17 = vector.extract %reduce_max3A_16[0, 0, 0] : f32 from vector<1x1x1xf32>
    %stack3A = vector.broadcast %reduce_max3A_11 : f32 to vector<1xf32>
    %stack3A_18 = vector.broadcast %reduce_max3A_17 : f32 to vector<1xf32>
    %stack3A_19 = tpu.concatenate %stack3A, %stack3A_18 in 0 : vector<1xf32>, vector<1xf32> -> vector<2xf32>
    %eq3A = arith.constant 0 : i32
    %eq3A_20 = arith.cmpi eq, %arg0, %eq3A : i32
    %convert_element_type3A = arith.extui %eq3A_20 : i1 to i32
    %cond3A = arith.constant 0 : i32
    %cond3A_21 = arith.cmpi ne, %convert_element_type3A, %cond3A : i32
    scf.if %cond3A_21 {
      %swap3A_26 = arith.constant 0 : index
      %swap3A_27 = arith.constant 0 : index
      %swap3A_28 = vector.load %arg4[%swap3A_26, %swap3A_27] : memref<1x2xf32, #tpu.memory_space<vmem>>, vector<1x2xf32>
      %swap3A_29 = vector.shape_cast %swap3A_28 : vector<1x2xf32> to vector<2xf32>
      %swap3A_30 = vector.shape_cast %stack3A_19 : vector<2xf32> to vector<1x2xf32>
      tpu.vector_store %arg4[%swap3A_26, %swap3A_27], %swap3A_30 {strides = array<i32>} : memref<1x2xf32, #tpu.memory_space<vmem>>, vector<1x2xf32>,
    } else {
    }
    %gt3A = arith.constant 0 : i32
    %gt3A_22 = arith.cmpi sgt, %arg0, %gt3A : i32
    %convert_element_type3A_23 = arith.extui %gt3A_22 : i1 to i32
    %cond3A_24 = arith.constant 0 : i32
    %cond3A_25 = arith.cmpi ne, %convert_element_type3A_23, %cond3A_24 : i32
    scf.if %cond3A_25 {
      %get3A_26 = arith.constant 0 : index
      %get3A_27 = arith.constant 0 : index
      %get3A_28 = vector.load %arg4[%get3A_26, %get3A_27] : memref<1x2xf32, #tpu.memory_space<vmem>>, vector<1x2xf32>
      %get3A_29 = vector.shape_cast %get3A_28 : vector<1x2xf32> to vector<2xf32>
      %max3A = arith.maximumf %get3A_29, %stack3A_19 : vector<2xf32>
      %swap3A_30 = arith.constant 0 : index
      %swap3A_31 = arith.constant 0 : index
      %swap3A_32 = vector.load %arg4[%swap3A_30, %swap3A_31] : memref<1x2xf32, #tpu.memory_space<vmem>>, vector<1x2xf32>
      %swap3A_33 = vector.shape_cast %swap3A_32 : vector<1x2xf32> to vector<2xf32>
      %swap3A_34 = vector.shape_cast %max3A : vector<2xf32> to vector<1x2xf32>
      tpu.vector_store %arg4[%swap3A_30, %swap3A_31], %swap3A_34 {strides = array<i32>} : memref<1x2xf32, #tpu.memory_space<vmem>>, vector<1x2xf32>,
    } else {
    }
    return
  }
  func.func @transform_0(%arg0: i32) -> (i32, i32) {
    %c0_i32 = arith.constant 0 : i32
    %c0_i32_0 = arith.constant 0 : i32
    return %arg0, %c0_i32 : i32, i32
  }
  func.func @transform_1(%arg0: i32) -> (i32, i32) {
    %c0_i32 = arith.constant 0 : i32
    %c0_i32_0 = arith.constant 0 : i32
    %c0_i32_1 = arith.constant 0 : i32
    return %c0_i32, %c0_i32_0 : i32, i32
  }
  func.func @transform_2(%arg0: i32) -> (i32, i32) {
    %c0_i32 = arith.constant 0 : i32
    %c0_i32_0 = arith.constant 0 : i32
    return %arg0, %c0_i32 : i32, i32
  }
  func.func @transform_3(%arg0: i32) -> (i32, i32) {
    %c0_i32 = arith.constant 0 : i32
    %c0_i32_0 = arith.constant 0 : i32
    %c0_i32_1 = arith.constant 0 : i32
    return %c0_i32, %c0_i32_0 : i32, i32
  }
}

module attributes {stable_mosaic.version = 14 : i64} {
  func.func @body(%arg0: memref<2x10000x128xf32, #tpu.memory_space<vmem>>, %arg1: memref<32x10000xf32, #tpu.memory_space<vmem>>, %arg2: memref<32x10000xf32, #tpu.memory_space<vmem>>, %arg3: memref<32x10000xf32, #tpu.memory_space<vmem>>, %arg4: memref<2x10000xf32, #tpu.memory_space<vmem>>, %arg5: memref<10000x128xf32, #tpu.memory_space<vmem>>, %arg6: memref<1x1xf32, #tpu.memory_space<vmem>>, %arg7: memref<1x128xf32, #tpu.memory_space<vmem>>, %arg8: memref<128x128xf32, #tpu.memory_space<vmem>>, %arg9: memref<128x2xf32, #tpu.memory_space<vmem>>, %arg10: memref<10000x128xf32, #tpu.memory_space<vmem>>, %arg11: memref<2x10000xf32, #tpu.memory_space<vmem>>, %arg12: memref<1x2xf32, #tpu.memory_space<vmem>>) attributes {dimension_semantics = [], scalar_prefetch = 0 : i64, scratch_operands = 0 : i64, tpu.core_type = #tpu.core_type<tc>} {
    %get3A = arith.constant 0 : index
    %get3A_0 = arith.constant 0 : index
    %get3A_1 = vector.load %arg1[%get3A, %get3A_0] : memref<32x10000xf32, #tpu.memory_space<vmem>>, vector<32x10000xf32>
    %reduce_sum3A = arith.constant dense<0.000000e+00> : vector<10000xf32>
    %reduce_sum3A_2 = vector.multi_reduction <add>, %get3A_1, %reduce_sum3A [0] : vector<32x10000xf32> to vector<10000xf32>
    %get3A_3 = arith.constant 0 : index
    %get3A_4 = arith.constant 0 : index
    %get3A_5 = vector.load %arg2[%get3A_3, %get3A_4] : memref<32x10000xf32, #tpu.memory_space<vmem>>, vector<32x10000xf32>
    %reduce_sum3A_6 = arith.constant dense<0.000000e+00> : vector<10000xf32>
    %reduce_sum3A_7 = vector.multi_reduction <add>, %get3A_5, %reduce_sum3A_6 [0] : vector<32x10000xf32> to vector<10000xf32>
    %get3A_8 = arith.constant 0 : index
    %get3A_9 = arith.constant 0 : index
    %get3A_10 = vector.load %arg3[%get3A_8, %get3A_9] : memref<32x10000xf32, #tpu.memory_space<vmem>>, vector<32x10000xf32>
    %reduce_sum3A_11 = arith.constant dense<0.000000e+00> : vector<10000xf32>
    %reduce_sum3A_12 = vector.multi_reduction <add>, %get3A_10, %reduce_sum3A_11 [0] : vector<32x10000xf32> to vector<10000xf32>
    %get3A_13 = arith.constant 0 : index
    %get3A_14 = arith.constant 0 : index
    %get3A_15 = vector.load %arg4[%get3A_13, %get3A_14] : memref<2x10000xf32, #tpu.memory_space<vmem>>, vector<1x10000xf32>
    %get3A_16 = vector.shape_cast %get3A_15 : vector<1x10000xf32> to vector<10000xf32>
    %get3A_17 = arith.constant 1 : index
    %get3A_18 = arith.constant 0 : index
    %get3A_19 = vector.load %arg4[%get3A_17, %get3A_18] : memref<2x10000xf32, #tpu.memory_space<vmem>>, vector<1x10000xf32>
    %get3A_20 = vector.shape_cast %get3A_19 : vector<1x10000xf32> to vector<10000xf32>
    %add3A = arith.addf %get3A_16, %get3A_20 : vector<10000xf32>
    %max3A = arith.constant 1.000000e+00 : f32
    %max3A_21 = vector.broadcast %max3A : f32 to vector<10000xf32>
    %max3A_22 = arith.maximumf %reduce_sum3A_2, %max3A_21 : vector<10000xf32>
    %div3A = arith.divf %reduce_sum3A_7, %max3A_22 : vector<10000xf32>
    %add3A_23 = arith.addf %add3A, %div3A : vector<10000xf32>
    %mul3A = arith.constant 2.000000e-01 : f32
    %mul3A_24 = vector.broadcast %mul3A : f32 to vector<10000xf32>
    %mul3A_25 = arith.mulf %mul3A_24, %add3A_23 : vector<10000xf32>
    %max3A_26 = arith.maximumf %add3A_23, %mul3A_25 : vector<10000xf32>
    %get3A_27 = arith.constant 0 : index
    %get3A_28 = arith.constant 0 : index
    %get3A_29 = vector.load %arg6[%get3A_27, %get3A_28] : memref<1x1xf32, #tpu.memory_space<vmem>>, vector<1x1xf32>
    %get3A_30 = vector.extract %get3A_29[0, 0] : f32 from vector<1x1xf32>
    %sub3A = vector.broadcast %get3A_30 : f32 to vector<10000xf32>
    %sub3A_31 = arith.subf %max3A_26, %sub3A : vector<10000xf32>
    %exp3A = math.exp %sub3A_31 : vector<10000xf32>
    %add3A_32 = arith.addf %reduce_sum3A_12, %exp3A : vector<10000xf32>
    %get3A_33 = arith.constant 0 : index
    %get3A_34 = arith.constant 0 : index
    %get3A_35 = arith.constant 0 : index
    %get3A_36 = vector.load %arg0[%get3A_33, %get3A_34, %get3A_35] : memref<2x10000x128xf32, #tpu.memory_space<vmem>>, vector<1x10000x128xf32>
    %get3A_37 = vector.shape_cast %get3A_36 : vector<1x10000x128xf32> to vector<10000x128xf32>
    %get3A_38 = arith.constant 1 : index
    %get3A_39 = arith.constant 0 : index
    %get3A_40 = arith.constant 0 : index
    %get3A_41 = vector.load %arg0[%get3A_38, %get3A_39, %get3A_40] : memref<2x10000x128xf32, #tpu.memory_space<vmem>>, vector<1x10000x128xf32>
    %get3A_42 = vector.shape_cast %get3A_41 : vector<1x10000x128xf32> to vector<10000x128xf32>
    %add3A_43 = arith.addf %get3A_37, %get3A_42 : vector<10000x128xf32>
    %broadcast_in_dim3A = vector.shape_cast %exp3A : vector<10000xf32> to vector<10000x1xf32>
    %get3A_44 = arith.constant 0 : index
    %get3A_45 = arith.constant 0 : index
    %get3A_46 = vector.load %arg5[%get3A_44, %get3A_45] : memref<10000x128xf32, #tpu.memory_space<vmem>>, vector<10000x128xf32>
    %mul3A_47 = vector.broadcast %broadcast_in_dim3A : vector<10000x1xf32> to vector<10000x128xf32>
    %mul3A_48 = arith.mulf %mul3A_47, %get3A_46 : vector<10000x128xf32>
    %add3A_49 = arith.addf %add3A_43, %mul3A_48 : vector<10000x128xf32>
    %broadcast_in_dim3A_50 = vector.shape_cast %add3A_32 : vector<10000xf32> to vector<10000x1xf32>
    %div3A_51 = vector.broadcast %broadcast_in_dim3A_50 : vector<10000x1xf32> to vector<10000x128xf32>
    %div3A_52 = arith.divf %add3A_49, %div3A_51 : vector<10000x128xf32>
    %get3A_53 = arith.constant 0 : index
    %get3A_54 = arith.constant 0 : index
    %get3A_55 = vector.load %arg7[%get3A_53, %get3A_54] : memref<1x128xf32, #tpu.memory_space<vmem>>, vector<1x128xf32>
    %add3A_56 = vector.broadcast %get3A_55 : vector<1x128xf32> to vector<10000x128xf32>
    %add3A_57 = arith.addf %div3A_52, %add3A_56 : vector<10000x128xf32>
    %max3A_58 = arith.constant 0.000000e+00 : f32
    %max3A_59 = vector.broadcast %max3A_58 : f32 to vector<10000x128xf32>
    %max3A_60 = arith.maximumf %add3A_57, %max3A_59 : vector<10000x128xf32>
    %get3A_61 = arith.constant 0 : index
    %get3A_62 = arith.constant 0 : index
    %get3A_63 = vector.load %arg8[%get3A_61, %get3A_62] : memref<128x128xf32, #tpu.memory_space<vmem>>, vector<128x128xf32>
    %dot_general3A = arith.constant dense<0.000000e+00> : vector<10000x128xf32>
    %dot_general3A_64 = tpu.matmul %max3A_60, %get3A_63, %dot_general3A {dimension_numbers = #tpu.dot_dimension_numbers<[1], [0], [0], [1], [0, 0, 1, 1], [], []>, transpose_lhs_hint = false} : vector<10000x128xf32>, vector<128x128xf32>, vector<10000x128xf32> -> vector<10000x128xf32>
    %swap3A = arith.constant 0 : index
    %swap3A_65 = arith.constant 0 : index
    %swap3A_66 = vector.load %arg10[%swap3A, %swap3A_65] : memref<10000x128xf32, #tpu.memory_space<vmem>>, vector<10000x128xf32>
    tpu.vector_store %arg10[%swap3A, %swap3A_65], %dot_general3A_64 {strides = array<i32>} : memref<10000x128xf32, #tpu.memory_space<vmem>>, vector<10000x128xf32>,
    %get3A_67 = arith.constant 0 : index
    %get3A_68 = arith.constant 0 : index
    %get3A_69 = vector.load %arg9[%get3A_67, %get3A_68] : memref<128x2xf32, #tpu.memory_space<vmem>>, vector<128x2xf32>
    %dot_general3A_70 = arith.constant dense<0.000000e+00> : vector<2x10000xf32>
    %dot_general3A_71 = tpu.matmul %get3A_69, %dot_general3A_64, %dot_general3A_70 {dimension_numbers = #tpu.dot_dimension_numbers<[0], [1], [1], [0], [0, 1, 1, 0], [], []>, transpose_lhs_hint = false} : vector<128x2xf32>, vector<10000x128xf32>, vector<2x10000xf32> -> vector<2x10000xf32>
    %swap3A_72 = arith.constant 0 : index
    %swap3A_73 = arith.constant 0 : index
    %swap3A_74 = vector.load %arg11[%swap3A_72, %swap3A_73] : memref<2x10000xf32, #tpu.memory_space<vmem>>, vector<2x10000xf32>
    tpu.vector_store %arg11[%swap3A_72, %swap3A_73], %dot_general3A_71 {strides = array<i32>} : memref<2x10000xf32, #tpu.memory_space<vmem>>, vector<2x10000xf32>,
    %reduce_max3A = arith.constant dense<0xFF800000> : vector<2xf32>
    %reduce_max3A_75 = vector.multi_reduction <maximumf>, %dot_general3A_71, %reduce_max3A [1] : vector<2x10000xf32> to vector<2xf32>
    %swap3A_76 = arith.constant 0 : index
    %swap3A_77 = arith.constant 0 : index
    %swap3A_78 = vector.load %arg12[%swap3A_76, %swap3A_77] : memref<1x2xf32, #tpu.memory_space<vmem>>, vector<1x2xf32>
    %swap3A_79 = vector.shape_cast %swap3A_78 : vector<1x2xf32> to vector<2xf32>
    %swap3A_80 = vector.shape_cast %reduce_max3A_75 : vector<2xf32> to vector<1x2xf32>
    tpu.vector_store %arg12[%swap3A_76, %swap3A_77], %swap3A_80 {strides = array<i32>} : memref<1x2xf32, #tpu.memory_space<vmem>>, vector<1x2xf32>,
    return
  }
}

module attributes {stable_mosaic.version = 14 : i64} {
  func.func @body(%arg0: memref<2x10000x128xf32, #tpu.memory_space<vmem>>, %arg1: memref<32x10000xf32, #tpu.memory_space<vmem>>, %arg2: memref<32x10000xf32, #tpu.memory_space<vmem>>, %arg3: memref<32x10000xf32, #tpu.memory_space<vmem>>, %arg4: memref<2x10000xf32, #tpu.memory_space<vmem>>, %arg5: memref<10000x128xf32, #tpu.memory_space<vmem>>, %arg6: memref<1x1xf32, #tpu.memory_space<vmem>>, %arg7: memref<1x128xf32, #tpu.memory_space<vmem>>, %arg8: memref<10000x128xf32, #tpu.memory_space<vmem>>) attributes {dimension_semantics = [], scalar_prefetch = 0 : i64, scratch_operands = 0 : i64, tpu.core_type = #tpu.core_type<tc>} {
    %get3A = arith.constant 0 : index
    %get3A_0 = arith.constant 0 : index
    %get3A_1 = vector.load %arg1[%get3A, %get3A_0] : memref<32x10000xf32, #tpu.memory_space<vmem>>, vector<32x10000xf32>
    %reduce_sum3A = arith.constant dense<0.000000e+00> : vector<10000xf32>
    %reduce_sum3A_2 = vector.multi_reduction <add>, %get3A_1, %reduce_sum3A [0] : vector<32x10000xf32> to vector<10000xf32>
    %get3A_3 = arith.constant 0 : index
    %get3A_4 = arith.constant 0 : index
    %get3A_5 = vector.load %arg2[%get3A_3, %get3A_4] : memref<32x10000xf32, #tpu.memory_space<vmem>>, vector<32x10000xf32>
    %reduce_sum3A_6 = arith.constant dense<0.000000e+00> : vector<10000xf32>
    %reduce_sum3A_7 = vector.multi_reduction <add>, %get3A_5, %reduce_sum3A_6 [0] : vector<32x10000xf32> to vector<10000xf32>
    %get3A_8 = arith.constant 0 : index
    %get3A_9 = arith.constant 0 : index
    %get3A_10 = vector.load %arg3[%get3A_8, %get3A_9] : memref<32x10000xf32, #tpu.memory_space<vmem>>, vector<32x10000xf32>
    %reduce_sum3A_11 = arith.constant dense<0.000000e+00> : vector<10000xf32>
    %reduce_sum3A_12 = vector.multi_reduction <add>, %get3A_10, %reduce_sum3A_11 [0] : vector<32x10000xf32> to vector<10000xf32>
    %get3A_13 = arith.constant 0 : index
    %get3A_14 = arith.constant 0 : index
    %get3A_15 = vector.load %arg4[%get3A_13, %get3A_14] : memref<2x10000xf32, #tpu.memory_space<vmem>>, vector<1x10000xf32>
    %get3A_16 = vector.shape_cast %get3A_15 : vector<1x10000xf32> to vector<10000xf32>
    %get3A_17 = arith.constant 1 : index
    %get3A_18 = arith.constant 0 : index
    %get3A_19 = vector.load %arg4[%get3A_17, %get3A_18] : memref<2x10000xf32, #tpu.memory_space<vmem>>, vector<1x10000xf32>
    %get3A_20 = vector.shape_cast %get3A_19 : vector<1x10000xf32> to vector<10000xf32>
    %add3A = arith.addf %get3A_16, %get3A_20 : vector<10000xf32>
    %max3A = arith.constant 1.000000e+00 : f32
    %max3A_21 = vector.broadcast %max3A : f32 to vector<10000xf32>
    %max3A_22 = arith.maximumf %reduce_sum3A_2, %max3A_21 : vector<10000xf32>
    %div3A = arith.divf %reduce_sum3A_7, %max3A_22 : vector<10000xf32>
    %add3A_23 = arith.addf %add3A, %div3A : vector<10000xf32>
    %mul3A = arith.constant 2.000000e-01 : f32
    %mul3A_24 = vector.broadcast %mul3A : f32 to vector<10000xf32>
    %mul3A_25 = arith.mulf %mul3A_24, %add3A_23 : vector<10000xf32>
    %max3A_26 = arith.maximumf %add3A_23, %mul3A_25 : vector<10000xf32>
    %get3A_27 = arith.constant 0 : index
    %get3A_28 = arith.constant 0 : index
    %get3A_29 = vector.load %arg6[%get3A_27, %get3A_28] : memref<1x1xf32, #tpu.memory_space<vmem>>, vector<1x1xf32>
    %get3A_30 = vector.extract %get3A_29[0, 0] : f32 from vector<1x1xf32>
    %sub3A = vector.broadcast %get3A_30 : f32 to vector<10000xf32>
    %sub3A_31 = arith.subf %max3A_26, %sub3A : vector<10000xf32>
    %exp3A = math.exp %sub3A_31 : vector<10000xf32>
    %add3A_32 = arith.addf %reduce_sum3A_12, %exp3A : vector<10000xf32>
    %get3A_33 = arith.constant 0 : index
    %get3A_34 = arith.constant 0 : index
    %get3A_35 = arith.constant 0 : index
    %get3A_36 = vector.load %arg0[%get3A_33, %get3A_34, %get3A_35] : memref<2x10000x128xf32, #tpu.memory_space<vmem>>, vector<1x10000x128xf32>
    %get3A_37 = vector.shape_cast %get3A_36 : vector<1x10000x128xf32> to vector<10000x128xf32>
    %get3A_38 = arith.constant 1 : index
    %get3A_39 = arith.constant 0 : index
    %get3A_40 = arith.constant 0 : index
    %get3A_41 = vector.load %arg0[%get3A_38, %get3A_39, %get3A_40] : memref<2x10000x128xf32, #tpu.memory_space<vmem>>, vector<1x10000x128xf32>
    %get3A_42 = vector.shape_cast %get3A_41 : vector<1x10000x128xf32> to vector<10000x128xf32>
    %add3A_43 = arith.addf %get3A_37, %get3A_42 : vector<10000x128xf32>
    %broadcast_in_dim3A = vector.shape_cast %exp3A : vector<10000xf32> to vector<10000x1xf32>
    %get3A_44 = arith.constant 0 : index
    %get3A_45 = arith.constant 0 : index
    %get3A_46 = vector.load %arg5[%get3A_44, %get3A_45] : memref<10000x128xf32, #tpu.memory_space<vmem>>, vector<10000x128xf32>
    %mul3A_47 = vector.broadcast %broadcast_in_dim3A : vector<10000x1xf32> to vector<10000x128xf32>
    %mul3A_48 = arith.mulf %mul3A_47, %get3A_46 : vector<10000x128xf32>
    %add3A_49 = arith.addf %add3A_43, %mul3A_48 : vector<10000x128xf32>
    %broadcast_in_dim3A_50 = vector.shape_cast %add3A_32 : vector<10000xf32> to vector<10000x1xf32>
    %div3A_51 = vector.broadcast %broadcast_in_dim3A_50 : vector<10000x1xf32> to vector<10000x128xf32>
    %div3A_52 = arith.divf %add3A_49, %div3A_51 : vector<10000x128xf32>
    %get3A_53 = arith.constant 0 : index
    %get3A_54 = arith.constant 0 : index
    %get3A_55 = vector.load %arg7[%get3A_53, %get3A_54] : memref<1x128xf32, #tpu.memory_space<vmem>>, vector<1x128xf32>
    %add3A_56 = vector.broadcast %get3A_55 : vector<1x128xf32> to vector<10000x128xf32>
    %add3A_57 = arith.addf %div3A_52, %add3A_56 : vector<10000x128xf32>
    %swap3A = arith.constant 0 : index
    %swap3A_58 = arith.constant 0 : index
    %swap3A_59 = vector.load %arg8[%swap3A, %swap3A_58] : memref<10000x128xf32, #tpu.memory_space<vmem>>, vector<10000x128xf32>
    tpu.vector_store %arg8[%swap3A, %swap3A_58], %add3A_57 {strides = array<i32>} : memref<10000x128xf32, #tpu.memory_space<vmem>>, vector<10000x128xf32>,
    return
  }
}

</mosaic_0001>

<sc_bundles>
// kernel: edge_scalar_l1.3.cloned.1.call-start
scs
__scs_entry_jumppad:
0x0: {  	(pc) =	sbr.rel $0x88, $3  }
0x1: {  	(tag) =	ssettag $0x0;
	lr =	simm.s32 $0x1  }
0x2: {  	[smem:$0x3F92] =	sst lr;
	_ =	strace $0xD0000000  }
0x3: {  	_ = 	snop  }
0x4: {  	_ = 	snop  }
0x5: {  	_ = 	snop  }
0x6: {  	_ = 	snop  }
0x7: {  	_ = 	snop  }
__scs_overlays_trampoline_lowered:
0x8: {  	[smem:$0x3FA1] =	sst s0  }
0x9: {  	[smem:$0x3FA2] =	sst s1  }
0xa: {  	[smem:$0x3FA3] =	sst s2  }
0xb: {  	[smem:$0x3FA4] =	sst s3  }
0xc: {  	[smem:$0x3FA5] =	sst s4  }
0xd: {  	[smem:$0x3FA6] =	sst s5  }
0xe: {  	[smem:$0x3FA7] =	sst s6  }
0xf: {  	[smem:$0x3FA8] =	sst s7  }
0x10: {  	[smem:$0x3FA9] =	sst s8  }
0x11: {  	[smem:$0x3FAA] =	sst s9;
	s0 =	simm.s32 @!p0 $0x0  }
0x12: {  	s1 =	sld [smem:$0x3F90];
	s0 =	simm.s32 @p0 $0x1  }
0x13: {  	[smem:$0x3FAB] =	sst s0;
	s0 =	simm.s32 @!p1 $0x0  }
0x14: {  	s2 =	sld [smem:$0x3F8F];
	s0 =	simm.s32 @p1 $0x1  }
0x15: {  	[smem:$0x3FAC] =	sst s0;
	s0 =	simm.s32 @!p2 $0x0  }
0x16: {  	s3 =	sld [smem:$0x3FDB];
	s0 =	simm.s32 @p2 $0x1  }
0x17: {  	s4 =	simm.s32 $0x1BF5;
	[smem:$0x3FAE] =	sst s0  }
0x18: {  	s0 =	sld [smem:$0x3F91];
	_ =	swait.ge [sflag:s4], $0x0  }
0x19: {  	s7 =	sld [smem:$0x3F92]  }
0x1a: {  	s8 =	sadd.s32 $0xFFFFE003, lr  }
0x1b: {  	s9 =	sadd.s32 $0xFFFFFEF7, lr;
	s5 =	simm.s32 $0xFFFFFFFF;
	p2 =	slt.u32 s8, $0xFFFFF086  }
0x1c: {  	p1 =	slt.u32 s9, $0xF7A;
	s5 =	simm.s32 @!p2 $0x0  }
0x1d: {  	s5 =	simm.s32 @p1 $0x1;
	p0 =	seq.s32 s7, s2  }
0x1e: {  	s7 =	smul.u32 @!p0 $0xF7A, s2;
	p2 =	seq.s32 @!p0 s5, $0x0  }
0x1f: {  	s9 =	smul.u32 $0xF7A, s1;
	s8 =	simm.s32 @!p0 $0x1BF5;
	p2 =	por !p2, p0  }
0x20: {  	[sflag:s8] =	ssyncset.s32 @!p0 $0xFFFFF086;
	s6 =	sadd.s32 @!p0 s3, s7;
	s7 =	simm.s32 @!p0 $0x108  }
0x21: {  	s3 =	sadd.s32 s3, s9;
	s6 =	sadd.s32 @!p0 $0x88, s6;
	s7 =	simm.s32 @p2 $0x1082  }
0x22: {  	[simem:s7], [sflag:s8] =	dma.local @!p0 [hbm:s6], $0xF7A  }
0x23: {  	s9 =	sor.u32 $0xD0000000, s2;
	s6 =	simm.s32 $0x108;
	_ =	swait.ge @!p0 [sflag:s8], $0x0  }
0x24: {  	s3 =	sadd.s32 $0x88, s3;
	s6 =	simm.s32 @!p1 $0x1082;
	[sflag:s4] =	ssyncset.s32 $0xFFFFF086  }
0x25: {  	[simem:s6], [sflag:s4] =	dma.local [hbm:s3], $0xF7A  }
0x26: {  	[smem:$0x3F92] =	sst s1;
	(tag) =	ssettag s2;
	_ =	strace s9  }
0x27: {  	s1 =	sld [smem:$0x3FA2]  }
0x28: {  	s2 =	sld [smem:$0x3FA3]  }
0x29: {  	s4 =	sld [smem:$0x3FA5]  }
0x2a: {  	p0 =	seq.s32 s5, $0x0;
	s5 =	sld [smem:$0x3FA6]  }
0x2b: {  	s6 =	sld [smem:$0x3FA7]  }
0x2c: {  	s7 =	sld [smem:$0x3FA8]  }
0x2d: {  	s3 =	simm.s32 $0x108;
	s8 =	sld [smem:$0x3FA9]  }
0x2e: {  	s3 =	simm.s32 @!p0 $0x1082;
	s9 =	sld [smem:$0x3FAA]  }
0x2f: {  	lr =	sadd.s32 s0, s3;
	s0 =	sld [smem:$0x3FA1]  }
0x30: {  	s3 =	sld [smem:$0x3FA4]  }
0x31: {  	[smem:$0x3FAD] =	sst s10  }
0x32: {  	s10 =	sld [smem:$0x3FAB];
	_ =	sdelay $0x3  }
0x33: {  	p0 =	seq.s32 s10, $0x1;
	s10 =	sld [smem:$0x3FAD];
	_ =	sdelay $0x3  }
0x34: {  	[smem:$0x3FAD] =	sst s10  }
0x35: {  	s10 =	sld [smem:$0x3FAC];
	_ =	sdelay $0x3  }
0x36: {  	p1 =	seq.s32 s10, $0x1;
	s10 =	sld [smem:$0x3FAD];
	_ =	sdelay $0x3  }
0x37: {  	[smem:$0x3FAD] =	sst s10  }
0x38: {  	s10 =	sld [smem:$0x3FAE]  }
0x39: {  	_ = 	snop;
	(pc) =	sbr.ind lr, $3  }
0x3a: {  	_ = 	snop  }
0x3b: {  	_ = 	snop  }
0x3c: {  	p2 =	seq.s32 s10, $0x1;
	s10 =	sld [smem:$0x3FAD]  }
0x3d: {  	_ =	shalt  }
0x3e: {  	_ =	shalt  }
0x3f: {  	_ =	shalt  }
0x40: {  	_ =	shalt  }
0x41: {  	_ =	shalt  }
0x42: {  	_ =	shalt  }
0x43: {  	_ =	shalt  }
0x44: {  	_ =	shalt  }
0x45: {  	_ =	shalt  }
0x46: {  	_ =	shalt  }
0x47: {  	_ =	shalt  }
0x48: {  	_ =	shalt  }
0x49: {  	_ =	shalt  }
0x4a: {  	_ =	shalt  }
0x4b: {  	_ =	shalt  }
0x4c: {  	_ =	shalt  }
0x4d: {  	_ =	shalt  }
0x4e: {  	_ =	shalt  }
0x4f: {  	_ =	shalt  }
0x50: {  	_ =	shalt  }
0x51: {  	_ =	shalt  }
0x52: {  	_ =	shalt  }
0x53: {  	_ =	shalt  }
0x54: {  	_ =	shalt  }
0x55: {  	_ =	shalt  }
0x56: {  	_ =	shalt  }
0x57: {  	_ =	shalt  }
0x58: {  	_ =	shalt  }
0x59: {  	_ =	shalt  }
0x5a: {  	_ =	shalt  }
0x5b: {  	_ =	shalt  }
0x5c: {  	_ =	shalt  }
0x5d: {  	_ =	shalt  }
0x5e: {  	_ =	shalt  }
0x5f: {  	_ =	shalt  }
0x60: {  	_ =	shalt  }
0x61: {  	_ =	shalt  }
0x62: {  	_ =	shalt  }
0x63: {  	_ =	shalt  }
0x64: {  	_ =	shalt  }
0x65: {  	_ =	shalt  }
0x66: {  	_ =	shalt  }
0x67: {  	_ =	shalt  }
0x68: {  	_ =	shalt  }
0x69: {  	_ =	shalt  }
0x6a: {  	_ =	shalt  }
0x6b: {  	_ =	shalt  }
0x6c: {  	_ =	shalt  }
0x6d: {  	_ =	shalt  }
0x6e: {  	_ =	shalt  }
0x6f: {  	_ =	shalt  }
0x70: {  	_ =	shalt  }
0x71: {  	_ =	shalt  }
0x72: {  	_ =	shalt  }
0x73: {  	_ =	shalt  }
0x74: {  	_ =	shalt  }
0x75: {  	_ =	shalt  }
0x76: {  	_ =	shalt  }
0x77: {  	_ =	shalt  }
0x78: {  	_ =	shalt  }
0x79: {  	_ =	shalt  }
0x7a: {  	_ =	shalt  }
0x7b: {  	_ =	shalt  }
0x7c: {  	_ =	shalt  }
0x7d: {  	_ =	shalt  }
0x7e: {  	_ =	shalt  }
0x7f: {  	_ =	shalt  }
0x80: {  	_ =	shalt  }
0x81: {  	_ =	shalt  }
0x82: {  	_ =	shalt  }
0x83: {  	_ =	shalt  }
0x84: {  	_ =	shalt  }
0x85: {  	_ =	shalt  }
0x86: {  	_ =	shalt  }
0x87: {  	_ =	shalt  }
.Lfunc_end0:
.L_simem_size_0:
called_computation_lowered:
.L_overlay_start_0:
0x88: {  	s2 =	sld [smem:$0x3FD9]  }
0x89: {  	s3 =	sld [smem:$0x3FFE];
	_ =	sdelay $0x1  }
0x8a: {  	s1 =	srdreg.scid  }
0x8b: {  	s0 =	sand.u32 $0x1, s1  }
0x8c: {  	s16 =	sshll.u32 s0, $0xA;
	s2 =	sadd.s32 s3, s2  }
0x8d: {  	s2 =	sadd.s32 s2, s16  }
0x8e: {  	[smem:$0x3FB9] =	sst s2  }
0x8f: {  	_ = 	snop  }
0x90: {  	(tm) =	ssettm $0x1  }
0x91: {  	s17 =	sld [smem:$0x3FFB];
	_ =	sdelay $0x3  }
0x92: {  	_ =	strace s17  }
0x93: {  	s2 =	sld [smem:$0x3FFC];
	_ =	sdelay $0x3  }
0x94: {  	_ =	strace s2  }
0x95: {  	s2 =	sld [smem:$0x3FFD];
	_ =	sdelay $0x3  }
0x96: {  	_ =	strace s2  }
0x97: {  	_ =	strace $0x8FFFFFFF  }
0x98: {  	s18 =	sld [smem:$0x3FDB];
	_ =	sdelay $0x1  }
0x99: {  	s19 =	simm.s32 $_scs_section_size  }
0x9a: {  	s4 =	simm.s32 $_size__tile_overlayer_lowered;
	s5 =	simm.s32 $_tile_overlayer_lowered  }
0x9b: {  	s22 =	simm.s32 $0x1BFF;
	s21 =	sshll.u32 s5, $0x1;
	s2 =	sadd.s32 s19, s18  }
0x9c: {  	s6 =	simm.s32 $0x0;
	s20 =	sshll.u32 s4, $0x1;
	s4 =	sadd.s32 s21, s2  }
0x9d: {  	[timem:s6], [sflag:s22] =	dma.local [hbm:s4], s20  }
0x9e: {  	_ =	swait.ge [sflag:s22], s20  }
0x9f: {  	s3 =	ssub.s32 $0x0, s20;
	[sflag:s22] =	ssyncset.done $0x0  }
0xa0: {  	[sflag:s22] =	ssyncadd.s32 s3;
	_ =	sdelay $0x1  }
0xa1: {  	s23 =	simm.s32 $0x1B8B  }
0xa2: {  	_ =	swait.ge [sflag:s23], $0x1  }
0xa3: {  	[sflag:s23] =	ssyncset.done $0x0  }
0xa4: {  	s25 =	simm.s32 $0x1B8E;
	s24 =	sld [smem:$0x3FFE];
	[sflag:s23] =	ssyncadd.s32 $0xFFFFFFFF  }
0xa5: {  	s26 =	simm.s32 $execute0_lowered;
	[smem:$0x3FD2] =	sst s25  }
0xa6: {  	s4 =	sshll.u32 s26, $0x1;
	_ =	strace $0x80000046;
	[dreg:$0x1] =	wrdreg $0xFFFFFFFF  }
0xa7: {  	s28 =	simm.s32 $_size_execute0_lowered;
	s2 =	sadd.s32 s2, s4;
	[dreg:$0x0] =	wrdreg $0x0  }
0xa8: {  	s4 =	sshll.u32 s28, $0x1;
	[dreg:$0x2] =	wrdreg s2  }
0xa9: {  	[dreg:$0x3] =	wrdreg s4  }
0xaa: {  	[dreg:$0x4] =	wrdreg $0xC0  }
0xab: {  	_ =	task [dreg:s6], $0x5FFFF  }
0xac: {  	[dreg:$0x1] =	wrdreg $0xFFFFFFFF  }
0xad: {  	[dreg:$0x0] =	wrdreg $0x60  }
0xae: {  	[dreg:$0x2] =	wrdreg s24  }
0xaf: {  	[dreg:$0x3] =	wrdreg $0x9  }
0xb0: {  	_ =	task.clear_ibuf [dreg:s6], $0x4FFFF;
	_ =	strace $0x90000046  }
0xb1: {  	s29 =	simm.s32 $0x9;
	_ =	strace $0x80000048  }
0xb2: {  	_ =	swait.ge [sflag:s29], $0x1  }
0xb3: {  	[sflag:s29] =	ssyncadd.s32 $0xFFFFFFFF  }
0xb4: {  	_ =	strace $0x90000048  }
0xb5: {  	_ =	sfence  }
0xb6: {  	s30 =	sld [smem:$0x0];
	_ =	sdelay $0x2  }
0xb7: {  	s31 =	sshll.u32 s1, $0xD;
	s1 =	sshrl.u32 s1, $0x2  }
0xb8: {  	s3 =	sand.u32 $0x4000, s31;
	s1 =	sadd.s32 s1, s30  }
0xb9: {  	s0 =	sor.u32 s3, s0;
	s1 =	sshll.u32 s1, $0x11  }
0xba: {  	s0 =	sor.u32 s1, s0  }
0xbb: {  	s0 =	sadd.s32 $0x8F2B, s0  }
0xbc: {  	[sflag:s0] =	ssyncadd.remote.s32 $0x1  }
0xbd: {  	_ =	sfence.sel $0xFFFF  }
0xbe: {  	[dreg:$0x0] =	wrdreg $0xFFFFFFFF;
	(pc) =	sbr.abs _section_cstart, $3  }
0xbf: {  	[dreg:$0x1] =	wrdreg $0xFFFFFFFF  }
0xc0: {  	_ =	task.clear_ibuf [dreg:s6], $0x2FFFF;
	_ =	strace $0x9FFFFFFF  }
0xc1: {  	(tm) =	ssettm $0x7FFFFFFF  }
tec
execute0_lowered:
.L_overlay_start_1:
0x0: {  	(tag) =	ssettag $0x1  }
0x1: {  	s1 =	srdreg.scid  }
0x2: {  	s0 =	stileid.u32;
	s5 =	rddreg [dreg:$0x0];
	s2 =	simm.s32 $0x0  }
0x3: {  	s14 =	simm.s32 $0x1;
	s15 =	simm.s32 $0x2710;
	s16 =	simm.s32 $0x4E20  }
0x4: {  	s17 =	simm.s32 $0x7530;
	s18 =	simm.s32 $0x9C40;
	s19 =	simm.s32 $0x15F90  }
0x5: {  	s20 =	simm.s32 $0x11170;
	s21 =	simm.s32 $0x13880;
	s22 =	simm.s32 $0x15FA0  }
0x6: {  	s23 =	simm.s32 $0xEA60;
	s4 =	sand.u32 $0x1, s1;
	s28 =	sshll.u32 s0, $0x1  }
0x7: {  	s24 =	simm.s32 $0x0;
	s1 =	rddreg [dreg:$0x1];
	s3 =	sor.u32 s4, s28  }
0x8: {  	[smem:$0x7FF] =	sst s2;
	s30 =	ssub.s32 $0x2, s4;
	s6 =	smul.u32 $0x9C4, s3  }
0x9: {  	_ =	strace $0x80000047;
	s7 =	smul.u32 $0x2710, s3;
	s31 =	sshrl.u32 s30, $0x1  }
0xa: {  	s4 =	sadd.s32 $0x6000, s5;
	s3 =	sadd.s32 $0x19C00, s5;
	s13 =	ssub.s32 s30, s31  }
0xb: {  	s8 =	sadd.s32 s6, s5;
	s29 =	sshrl.u32 s7, $0x3;
	s13 =	smax.u32 s13, $0x1  }
0xc: {  	v2 =	vlaneseq.u32;
	s12 =	sadd.s32 s29, s5;
	s5 =	sadd.s32 $0x1A0E2, s5;
	s8 =	sadd.s32 $0x6200, s8  }
0xd: {  	v0 =	vimm.f32 $0.0e+00;
	v1 =	vshrl.u32 v2, $0x3;
	s6 =	sadd.s32 $0x1A600, s12;
	s7 =	sadd.s32 $0x24240, s12;
	s9 =	sadd.s32 $0x4BA00, s12  }
0xe: {  	v3 =	vimm.f32 $1.000000000e+00;
	v2 =	vand.u32 $0x7, v2;
	v1 =	vmul.u32 $0x10, v1;
	s10 =	sadd.s32 $0x37E00, s12;
	s11 =	sadd.s32 $0x41C00, s12;
	s12 =	sadd.s32 $0x2E000, s12  }
.LBB2_1:
0xf: {  	[tilespmem:s2], [sflag:$0x1] =	stream.linear.gather [hbm4b:s3+s2], $0x2710, $0x38;
	[tilespmem:$0x186B0] =	vst v63  }
0x10: {  	_ =	swait.ge [sflag:s14], $0x2710  }
0x11: {  	[sflag:s14] =	ssyncset.done $0x0  }
0x12: {  	[sflag:s14] =	ssyncadd.s32 $0xFFFFD8F0  }
0x13: {  	[tilespmem:s15], [sflag:$0x1] =	stream.linear.gather [hbm4b:s5+s2], $0x2710, $0x38;
	[tilespmem:$0x186B0] =	vst v63  }
0x14: {  	_ =	swait.ge [sflag:s14], $0x2710  }
0x15: {  	[sflag:s14] =	ssyncset.done $0x0  }
0x16: {  	[sflag:s14] =	ssyncadd.s32 $0xFFFFD8F0  }
0x17: {  	[tilespmem:s16], [sflag:$0x1] =	stream.linear.gather [hbm4b:s6+s2], $0x2710, $0x38;
	[tilespmem:$0x186B0] =	vst v63  }
0x18: {  	_ =	swait.ge [sflag:s14], $0x2710  }
0x19: {  	[sflag:s14] =	ssyncset.done $0x0  }
0x1a: {  	[sflag:s14] =	ssyncadd.s32 $0xFFFFD8F0  }
0x1b: {  	[tilespmem:s17], [sflag:$0x1] =	stream.linear.gather [hbm4b:s7+s2], $0x2710, $0x38;
	[tilespmem:$0x186B0] =	vst v63  }
0x1c: {  	_ =	swait.ge [sflag:s14], $0x2710  }
0x1d: {  	[sflag:s14] =	ssyncset.done $0x0  }
0x1e: {  	[sflag:s14] =	ssyncadd.s32 $0xFFFFD8F0  }
0x1f: {  	[tilespmem:s18], [sflag:$0x1] =	stream.linear.gather [hbm4b:s8+s2], $0x4E20, $0x38;
	[tilespmem:$0x186B0] =	vst v63  }
0x20: {  	_ =	swait.ge [sflag:s14], $0x4E20  }
0x21: {  	[sflag:s14] =	ssyncset.done $0x0  }
0x22: {  	[sflag:s14] =	ssyncadd.s32 $0xFFFFB1E0  }
0x23: {  	[tilespmem:s19], [sflag:$0x1] =	stream.linear.gather [hbm4b:s4+s2], $0x10, $0x38;
	[tilespmem:$0x186B0] =	vst v63  }
0x24: {  	_ =	swait.ge [sflag:s14], $0x10  }
0x25: {  	[sflag:s14] =	ssyncset.done $0x0  }
0x26: {  	s25 =	simm.s32 $0x40;
	s26 =	simm.s32 $0x0;
	[sflag:s14] =	ssyncadd.s32 $0xFFFFFFF0  }
.LBB2_2:
0x27: {  	p0 =	sne.s32 s25, $0x9C00;
	[tilespmem:s26+$0x15FA0] =	vst v0;
	s28 =	smov.u32 s25;
	s25 =	sadd.s32 $0x40, s25  }
.Ltmp0:
0x28: {  	[tilespmem:s26+$0x11170] =	vst v0;
	(pc) =	sbr.rel @p0 .LBB2_2-.Ltmp0, $2  }
0x29: {  	[tilespmem:s26+$0x13880] =	vst v0;
	_ =	sdelay $0x2  }
0x2a: {  	s26 =	sshra.s32 s28, $0x2  }
0x2b: {  	[tilespmem:s26+$0x15FA0] =	vst v0  }
0x2c: {  	[tilespmem:s26+$0x11170] =	vst v0  }
0x2d: {  	[tilespmem:s26+$0x13880] =	vst v0;
	s25 =	simm.s32 $0x4E20  }
0x2e: {  	s26 =	simm.s32 $0x7530;
	v5 =	vld [tilespmem:s25+$0x0]  }
0x2f: {  	v4 =	vld [tilespmem:s26+$0x0]  }
0x30: {  	s28 =	simm.s32 $0x0  }
0x31: {  	v6 =	vmov s28  }
0x32: {  	v6 =	vshll.u32 v6, $0x4  }
0x33: {  	v6 =	vor.u32 v1, v6  }
0x34: {  	v6 =	vor.u32 v2, v6;
	_ =	sdelay $0x1  }
0x35: {  	v5 =	vld.idx.msk [tilespmem:v5+s2+$0x0], $0xffff  }
0x36: {  	v7 =	vld.idx.msk [tilespmem:v4+s15+$0x0], $0xffff;
	_ =	sdelay $0x1  }
0x37: {  	v6 =	vld.idx.msk [tilespmem:v6+s18+$0x0], $0xffff;
	_ =	sdelay $0x2  }
0x38: {  	v7 =	vadd.f32 v7, v5;
	_ =	sdelay $0x1  }
0x39: {  	v5 =	vld [tilespmem:$0x15F90];
	v7 =	vadd.f32 v7, v6;
	_ =	sdelay $0x1  }
0x3a: {  	v8 =	vmul.f32 $2.000000030e-01, v7;
	_ =	sdelay $0x1  }
0x3b: {  	v7 =	vmax.f32 v7, v8  }
0x3c: {  	v7 =	vsub.f32 v7, v5;
	_ =	sdelay $0x1  }
0x3d: {  	v7 =	vmul.f32 $1.442695020e+00, v7;
	_ =	sdelay $0x1  }
0x3e: {  	(erf) = vpow2.f32 v7;
	_ =	sdelay $0x8  }
0x3f: {  	s28 =	simm.s32 $0xEA60;
	v7 =	vpop (erf)  }
0x40: {  	[tilespmem:s28+$0x0] =	vst v7  }
0x41: {  	[tilespmem:v4+s20+$0x0] =	vst.idx.add.f32.msk $0xffff, v7  }
0x42: {  	s29 =	simm.s32 $0x2;
	[tilespmem:v4+s21+$0x0] =	vst.idx.add.f32.msk $0xffff, v6  }
.LBB2_4:
0x43: {  	[tilespmem:v4+s22+$0x0] =	vst.idx.add.f32.msk $0xffff, v3;
	s25 =	sadd.s32 $0x10, s25;
	s26 =	sadd.s32 $0x10, s26;
	s28 =	sadd.s32 $0x10, s28  }
0x44: {  	p0 =	sne.s32 s29, $0x4E0;
	s30 =	smov.u32 s29;
	s29 =	sadd.s32 $0x2, s29;
	v6 =	vld [tilespmem:s25+$0x0]  }
0x45: {  	v4 =	vld [tilespmem:s26+$0x0];
	_ =	sdelay $0x1  }
0x46: {  	v7 =	vmov s30  }
0x47: {  	v7 =	vshll.u32 v7, $0x4  }
0x48: {  	v7 =	vor.u32 v1, v7  }
0x49: {  	v7 =	vor.u32 v2, v7;
	_ =	sdelay $0x1  }
0x4a: {  	v6 =	vld.idx.msk [tilespmem:v6+s2+$0x0], $0xffff  }
0x4b: {  	v8 =	vld.idx.msk [tilespmem:v4+s15+$0x0], $0xffff;
	_ =	sdelay $0x1  }
0x4c: {  	v7 =	vld.idx.msk [tilespmem:v7+s18+$0x0], $0xffff;
	_ =	sdelay $0x3  }
0x4d: {  	v6 =	vadd.f32 v8, v6;
	_ =	sdelay $0x1  }
0x4e: {  	v6 =	vadd.f32 v6, v7;
	_ =	sdelay $0x1  }
0x4f: {  	v8 =	vmul.f32 $2.000000030e-01, v6;
	_ =	sdelay $0x1  }
0x50: {  	v6 =	vmax.f32 v6, v8  }
0x51: {  	v6 =	vsub.f32 v6, v5;
	_ =	sdelay $0x1  }
0x52: {  	v6 =	vmul.f32 $1.442695020e+00, v6;
	_ =	sdelay $0x1  }
0x53: {  	(erf) = vpow2.f32 v6;
	_ =	sdelay $0x7  }
.Ltmp1:
0x54: {  	(pc) =	sbr.rel @p0 .LBB2_4-.Ltmp1, $4  }
0x55: {  	v6 =	vpop (erf)  }
0x56: {  	[tilespmem:s28+$0x0] =	vst v6  }
0x57: {  	[tilespmem:v4+s20+$0x0] =	vst.idx.add.f32.msk $0xffff, v6  }
0x58: {  	[tilespmem:v4+s21+$0x0] =	vst.idx.add.f32.msk $0xffff, v7  }
0x59: {  	_ =	sdelay $0x3  }
0x5a: {  	[tilespmem:v4+s22+$0x0] =	vst.idx.add.f32.msk $0xffff, v3  }
0x5b: {  	[hbm4b:s9+s2] =	stream.linear.scatter [tilespmem:s23], [sflag:$0x1], $0x2710, $0x38;
	[tilespmem:$0x186B0] =	vst v63  }
0x5c: {  	_ =	swait.ge [sflag:s14], $0x2710  }
0x5d: {  	[sflag:s14] =	ssyncset.done $0x0  }
0x5e: {  	[sflag:s14] =	ssyncadd.s32 $0xFFFFD8F0  }
0x5f: {  	[hbm4b:s10+s2] =	stream.linear.scatter [tilespmem:s20], [sflag:$0x1], $0x2710, $0x38;
	[tilespmem:$0x186B0] =	vst v63  }
0x60: {  	_ =	swait.ge [sflag:s14], $0x2710  }
0x61: {  	[sflag:s14] =	ssyncset.done $0x0  }
0x62: {  	[sflag:s14] =	ssyncadd.s32 $0xFFFFD8F0  }
0x63: {  	[hbm4b:s11+s2] =	stream.linear.scatter [tilespmem:s21], [sflag:$0x1], $0x2710, $0x38;
	[tilespmem:$0x186B0] =	vst v63  }
0x64: {  	s24 =	sadd.s32 $0x1, s24;
	_ =	swait.ge [sflag:s14], $0x2710  }
0x65: {  	p0 =	sne.s32 s24, s13;
	[sflag:s14] =	ssyncset.done $0x0  }
.Ltmp2:
0x66: {  	[sflag:s14] =	ssyncadd.s32 $0xFFFFD8F0;
	(pc) =	sbr.rel @p0 .LBB2_1-.Ltmp2, $4  }
0x67: {  	[hbm4b:s12+s2] =	stream.linear.scatter [tilespmem:s22], [sflag:$0x1], $0x2710, $0x38;
	[tilespmem:$0x186B0] =	vst v63  }
0x68: {  	_ =	swait.ge [sflag:s14], $0x2710  }
0x69: {  	[sflag:s14] =	ssyncset.done $0x0  }
0x6a: {  	[sflag:s14] =	ssyncadd.s32 $0xFFFFD8F0  }
0x6b: {  	_ =	sfence.sel $0x180000  }
0x6c: {  	[bflag:$0x0] =	sbarrier.arrive $0xFFFF  }
0x6d: {  	p0 =	sne.s32 s0, $0x0;
	_ =	strace $0x90000047  }
0x6e: {  	s0 =	sadd.s32 @!p0 $0x100000, s1;
	[bflag:$0x2] =	sbarrier.arrive $0xFFFF  }
0x6f: {  	[sflag:s0] =	ssyncadd.tile.s32 @!p0 $0x1;
	_ =	shalt  }
.Lfunc_end2:
_tile_overlayer_lowered:
.L_overlay_start_2:
0x70: {  	(tag) =	ssettag $0x2  }
0x71: {  	s0 =	rddreg [dreg:$0x0];
	s2 =	stileid.u32  }
0x72: {  	s1 =	rddreg [dreg:$0x1];
	p0 =	sne.s32 s2, $0x0  }
0x73: {  	s3 =	rddreg [dreg:$0x2];
	[bflag:$0x3] =	sbarrier.arrive $0xFFFF;
	s2 =	simm.s32 @!p0 $0x1C01  }
0x74: {  	[timem:s3], [sflag:s2] =	dma.local @!p0 [hbm:s0], s1  }
0x75: {  	s0 =	simm.s32 @!p0 $0x1  }
0x76: {  	_ =	swait.ge @!p0 [sflag:s0], s1  }
0x77: {  	s1 =	ssub.s32 @!p0 $0x0, s1;
	[sflag:s0] =	ssyncset.done @!p0 $0x0  }
0x78: {  	[sflag:s0] =	ssyncadd.s32 @!p0 s1  }
0x79: {  	[bflag:$0x3] =	sbarrier.arrive $0xFFFF  }
0x7a: {  	_ =	shalt  }

// kernel: edge_scalar_l2.3.cloned.1.call-start
scs
__scs_entry_jumppad:
0x0: {  	(pc) =	sbr.rel $0x88, $3  }
0x1: {  	(tag) =	ssettag $0x0;
	lr =	simm.s32 $0x1  }
0x2: {  	[smem:$0x3F92] =	sst lr;
	_ =	strace $0xD0000000  }
0x3: {  	_ = 	snop  }
0x4: {  	_ = 	snop  }
0x5: {  	_ = 	snop  }
0x6: {  	_ = 	snop  }
0x7: {  	_ = 	snop  }
__scs_overlays_trampoline_lowered:
0x8: {  	[smem:$0x3FA1] =	sst s0  }
0x9: {  	[smem:$0x3FA2] =	sst s1  }
0xa: {  	[smem:$0x3FA3] =	sst s2  }
0xb: {  	[smem:$0x3FA4] =	sst s3  }
0xc: {  	[smem:$0x3FA5] =	sst s4  }
0xd: {  	[smem:$0x3FA6] =	sst s5  }
0xe: {  	[smem:$0x3FA7] =	sst s6  }
0xf: {  	[smem:$0x3FA8] =	sst s7  }
0x10: {  	[smem:$0x3FA9] =	sst s8  }
0x11: {  	[smem:$0x3FAA] =	sst s9;
	s0 =	simm.s32 @!p0 $0x0  }
0x12: {  	s1 =	sld [smem:$0x3F90];
	s0 =	simm.s32 @p0 $0x1  }
0x13: {  	[smem:$0x3FAB] =	sst s0;
	s0 =	simm.s32 @!p1 $0x0  }
0x14: {  	s2 =	sld [smem:$0x3F8F];
	s0 =	simm.s32 @p1 $0x1  }
0x15: {  	[smem:$0x3FAC] =	sst s0;
	s0 =	simm.s32 @!p2 $0x0  }
0x16: {  	s3 =	sld [smem:$0x3FDB];
	s0 =	simm.s32 @p2 $0x1  }
0x17: {  	s4 =	simm.s32 $0x1BF5;
	[smem:$0x3FAE] =	sst s0  }
0x18: {  	s0 =	sld [smem:$0x3F91];
	_ =	swait.ge [sflag:s4], $0x0  }
0x19: {  	s7 =	sld [smem:$0x3F92]  }
0x1a: {  	s8 =	sadd.s32 $0xFFFFE003, lr  }
0x1b: {  	s9 =	sadd.s32 $0xFFFFFEF7, lr;
	s5 =	simm.s32 $0xFFFFFFFF;
	p2 =	slt.u32 s8, $0xFFFFF086  }
0x1c: {  	p1 =	slt.u32 s9, $0xF7A;
	s5 =	simm.s32 @!p2 $0x0  }
0x1d: {  	s5 =	simm.s32 @p1 $0x1;
	p0 =	seq.s32 s7, s2  }
0x1e: {  	s7 =	smul.u32 @!p0 $0xF7A, s2;
	p2 =	seq.s32 @!p0 s5, $0x0  }
0x1f: {  	s9 =	smul.u32 $0xF7A, s1;
	s8 =	simm.s32 @!p0 $0x1BF5;
	p2 =	por !p2, p0  }
0x20: {  	[sflag:s8] =	ssyncset.s32 @!p0 $0xFFFFF086;
	s6 =	sadd.s32 @!p0 s3, s7;
	s7 =	simm.s32 @!p0 $0x108  }
0x21: {  	s3 =	sadd.s32 s3, s9;
	s6 =	sadd.s32 @!p0 $0x88, s6;
	s7 =	simm.s32 @p2 $0x1082  }
0x22: {  	[simem:s7], [sflag:s8] =	dma.local @!p0 [hbm:s6], $0xF7A  }
0x23: {  	s9 =	sor.u32 $0xD0000000, s2;
	s6 =	simm.s32 $0x108;
	_ =	swait.ge @!p0 [sflag:s8], $0x0  }
0x24: {  	s3 =	sadd.s32 $0x88, s3;
	s6 =	simm.s32 @!p1 $0x1082;
	[sflag:s4] =	ssyncset.s32 $0xFFFFF086  }
0x25: {  	[simem:s6], [sflag:s4] =	dma.local [hbm:s3], $0xF7A  }
0x26: {  	[smem:$0x3F92] =	sst s1;
	(tag) =	ssettag s2;
	_ =	strace s9  }
0x27: {  	s1 =	sld [smem:$0x3FA2]  }
0x28: {  	s2 =	sld [smem:$0x3FA3]  }
0x29: {  	s4 =	sld [smem:$0x3FA5]  }
0x2a: {  	p0 =	seq.s32 s5, $0x0;
	s5 =	sld [smem:$0x3FA6]  }
0x2b: {  	s6 =	sld [smem:$0x3FA7]  }
0x2c: {  	s7 =	sld [smem:$0x3FA8]  }
0x2d: {  	s3 =	simm.s32 $0x108;
	s8 =	sld [smem:$0x3FA9]  }
0x2e: {  	s3 =	simm.s32 @!p0 $0x1082;
	s9 =	sld [smem:$0x3FAA]  }
0x2f: {  	lr =	sadd.s32 s0, s3;
	s0 =	sld [smem:$0x3FA1]  }
0x30: {  	s3 =	sld [smem:$0x3FA4]  }
0x31: {  	[smem:$0x3FAD] =	sst s10  }
0x32: {  	s10 =	sld [smem:$0x3FAB];
	_ =	sdelay $0x3  }
0x33: {  	p0 =	seq.s32 s10, $0x1;
	s10 =	sld [smem:$0x3FAD];
	_ =	sdelay $0x3  }
0x34: {  	[smem:$0x3FAD] =	sst s10  }
0x35: {  	s10 =	sld [smem:$0x3FAC];
	_ =	sdelay $0x3  }
0x36: {  	p1 =	seq.s32 s10, $0x1;
	s10 =	sld [smem:$0x3FAD];
	_ =	sdelay $0x3  }
0x37: {  	[smem:$0x3FAD] =	sst s10  }
0x38: {  	s10 =	sld [smem:$0x3FAE]  }
0x39: {  	_ = 	snop;
	(pc) =	sbr.ind lr, $3  }
0x3a: {  	_ = 	snop  }
0x3b: {  	_ = 	snop  }
0x3c: {  	p2 =	seq.s32 s10, $0x1;
	s10 =	sld [smem:$0x3FAD]  }
0x3d: {  	_ =	shalt  }
0x3e: {  	_ =	shalt  }
0x3f: {  	_ =	shalt  }
0x40: {  	_ =	shalt  }
0x41: {  	_ =	shalt  }
0x42: {  	_ =	shalt  }
0x43: {  	_ =	shalt  }
0x44: {  	_ =	shalt  }
0x45: {  	_ =	shalt  }
0x46: {  	_ =	shalt  }
0x47: {  	_ =	shalt  }
0x48: {  	_ =	shalt  }
0x49: {  	_ =	shalt  }
0x4a: {  	_ =	shalt  }
0x4b: {  	_ =	shalt  }
0x4c: {  	_ =	shalt  }
0x4d: {  	_ =	shalt  }
0x4e: {  	_ =	shalt  }
0x4f: {  	_ =	shalt  }
0x50: {  	_ =	shalt  }
0x51: {  	_ =	shalt  }
0x52: {  	_ =	shalt  }
0x53: {  	_ =	shalt  }
0x54: {  	_ =	shalt  }
0x55: {  	_ =	shalt  }
0x56: {  	_ =	shalt  }
0x57: {  	_ =	shalt  }
0x58: {  	_ =	shalt  }
0x59: {  	_ =	shalt  }
0x5a: {  	_ =	shalt  }
0x5b: {  	_ =	shalt  }
0x5c: {  	_ =	shalt  }
0x5d: {  	_ =	shalt  }
0x5e: {  	_ =	shalt  }
0x5f: {  	_ =	shalt  }
0x60: {  	_ =	shalt  }
0x61: {  	_ =	shalt  }
0x62: {  	_ =	shalt  }
0x63: {  	_ =	shalt  }
0x64: {  	_ =	shalt  }
0x65: {  	_ =	shalt  }
0x66: {  	_ =	shalt  }
0x67: {  	_ =	shalt  }
0x68: {  	_ =	shalt  }
0x69: {  	_ =	shalt  }
0x6a: {  	_ =	shalt  }
0x6b: {  	_ =	shalt  }
0x6c: {  	_ =	shalt  }
0x6d: {  	_ =	shalt  }
0x6e: {  	_ =	shalt  }
0x6f: {  	_ =	shalt  }
0x70: {  	_ =	shalt  }
0x71: {  	_ =	shalt  }
0x72: {  	_ =	shalt  }
0x73: {  	_ =	shalt  }
0x74: {  	_ =	shalt  }
0x75: {  	_ =	shalt  }
0x76: {  	_ =	shalt  }
0x77: {  	_ =	shalt  }
0x78: {  	_ =	shalt  }
0x79: {  	_ =	shalt  }
0x7a: {  	_ =	shalt  }
0x7b: {  	_ =	shalt  }
0x7c: {  	_ =	shalt  }
0x7d: {  	_ =	shalt  }
0x7e: {  	_ =	shalt  }
0x7f: {  	_ =	shalt  }
0x80: {  	_ =	shalt  }
0x81: {  	_ =	shalt  }
0x82: {  	_ =	shalt  }
0x83: {  	_ =	shalt  }
0x84: {  	_ =	shalt  }
0x85: {  	_ =	shalt  }
0x86: {  	_ =	shalt  }
0x87: {  	_ =	shalt  }
.Lfunc_end0:
.L_simem_size_0:
called_computation.2_lowered:
.L_overlay_start_0:
0x88: {  	s2 =	sld [smem:$0x3FD9]  }
0x89: {  	s3 =	sld [smem:$0x3FFE];
	_ =	sdelay $0x1  }
0x8a: {  	s1 =	srdreg.scid  }
0x8b: {  	s0 =	sand.u32 $0x1, s1  }
0x8c: {  	s16 =	sshll.u32 s0, $0xA;
	s2 =	sadd.s32 s3, s2  }
0x8d: {  	s2 =	sadd.s32 s2, s16  }
0x8e: {  	[smem:$0x3FB9] =	sst s2  }
0x8f: {  	_ = 	snop  }
0x90: {  	(tm) =	ssettm $0x1  }
0x91: {  	s17 =	sld [smem:$0x3FFB];
	_ =	sdelay $0x3  }
0x92: {  	_ =	strace s17  }
0x93: {  	s2 =	sld [smem:$0x3FFC];
	_ =	sdelay $0x3  }
0x94: {  	_ =	strace s2  }
0x95: {  	s2 =	sld [smem:$0x3FFD];
	_ =	sdelay $0x3  }
0x96: {  	_ =	strace s2  }
0x97: {  	_ =	strace $0x8FFFFFFF  }
0x98: {  	s18 =	sld [smem:$0x3FDB];
	_ =	sdelay $0x1  }
0x99: {  	s19 =	simm.s32 $_scs_section_size  }
0x9a: {  	s4 =	simm.s32 $_size__tile_overlayer_lowered;
	s5 =	simm.s32 $_tile_overlayer_lowered  }
0x9b: {  	s22 =	simm.s32 $0x1BFF;
	s21 =	sshll.u32 s5, $0x1;
	s2 =	sadd.s32 s19, s18  }
0x9c: {  	s6 =	simm.s32 $0x0;
	s20 =	sshll.u32 s4, $0x1;
	s4 =	sadd.s32 s21, s2  }
0x9d: {  	[timem:s6], [sflag:s22] =	dma.local [hbm:s4], s20  }
0x9e: {  	_ =	swait.ge [sflag:s22], s20  }
0x9f: {  	s3 =	ssub.s32 $0x0, s20;
	[sflag:s22] =	ssyncset.done $0x0  }
0xa0: {  	[sflag:s22] =	ssyncadd.s32 s3;
	_ =	sdelay $0x1  }
0xa1: {  	s23 =	simm.s32 $0x1B8B  }
0xa2: {  	_ =	swait.ge [sflag:s23], $0x1  }
0xa3: {  	[sflag:s23] =	ssyncset.done $0x0  }
0xa4: {  	s25 =	simm.s32 $0x1B8E;
	s24 =	sld [smem:$0x3FFE];
	[sflag:s23] =	ssyncadd.s32 $0xFFFFFFFF  }
0xa5: {  	s26 =	simm.s32 $execute0_lowered;
	[smem:$0x3FD2] =	sst s25  }
0xa6: {  	s4 =	sshll.u32 s26, $0x1;
	_ =	strace $0x8000004C;
	[dreg:$0x1] =	wrdreg $0xFFFFFFFF  }
0xa7: {  	s28 =	simm.s32 $_size_execute0_lowered;
	s2 =	sadd.s32 s2, s4;
	[dreg:$0x0] =	wrdreg $0x0  }
0xa8: {  	s4 =	sshll.u32 s28, $0x1;
	[dreg:$0x2] =	wrdreg s2  }
0xa9: {  	[dreg:$0x3] =	wrdreg s4  }
0xaa: {  	[dreg:$0x4] =	wrdreg $0xC0  }
0xab: {  	_ =	task [dreg:s6], $0x5FFFF  }
0xac: {  	[dreg:$0x1] =	wrdreg $0xFFFFFFFF  }
0xad: {  	[dreg:$0x0] =	wrdreg $0x60  }
0xae: {  	[dreg:$0x2] =	wrdreg s24  }
0xaf: {  	[dreg:$0x3] =	wrdreg $0x9  }
0xb0: {  	_ =	task.clear_ibuf [dreg:s6], $0x4FFFF;
	_ =	strace $0x9000004C  }
0xb1: {  	s29 =	simm.s32 $0x9;
	_ =	strace $0x8000004E  }
0xb2: {  	_ =	swait.ge [sflag:s29], $0x1  }
0xb3: {  	[sflag:s29] =	ssyncadd.s32 $0xFFFFFFFF  }
0xb4: {  	_ =	strace $0x9000004E  }
0xb5: {  	_ =	sfence  }
0xb6: {  	s30 =	sld [smem:$0x0];
	_ =	sdelay $0x2  }
0xb7: {  	s31 =	sshll.u32 s1, $0xD;
	s1 =	sshrl.u32 s1, $0x2  }
0xb8: {  	s3 =	sand.u32 $0x4000, s31;
	s1 =	sadd.s32 s1, s30  }
0xb9: {  	s0 =	sor.u32 s3, s0;
	s1 =	sshll.u32 s1, $0x11  }
0xba: {  	s0 =	sor.u32 s1, s0  }
0xbb: {  	s0 =	sadd.s32 $0x8F2B, s0  }
0xbc: {  	[sflag:s0] =	ssyncadd.remote.s32 $0x1  }
0xbd: {  	_ =	sfence.sel $0xFFFF  }
0xbe: {  	[dreg:$0x0] =	wrdreg $0xFFFFFFFF;
	(pc) =	sbr.abs _section_cstart, $3  }
0xbf: {  	[dreg:$0x1] =	wrdreg $0xFFFFFFFF  }
0xc0: {  	_ =	task.clear_ibuf [dreg:s6], $0x2FFFF;
	_ =	strace $0x9FFFFFFF  }
0xc1: {  	(tm) =	ssettm $0x7FFFFFFF  }
tec
execute0_lowered:
.L_overlay_start_1:
0x0: {  	(tag) =	ssettag $0x1  }
0x1: {  	s1 =	srdreg.scid;
	s0 =	stileid.u32  }
0x2: {  	s5 =	rddreg [dreg:$0x0];
	s2 =	simm.s32 $0x0;
	s13 =	simm.s32 $0x1  }
0x3: {  	s14 =	simm.s32 $0x2710;
	s15 =	simm.s32 $0x4E20;
	s16 =	simm.s32 $0x7530  }
0x4: {  	s17 =	simm.s32 $0x9C40;
	s18 =	simm.s32 $0x15F90;
	s19 =	simm.s32 $0x11170  }
0x5: {  	s20 =	simm.s32 $0x13880;
	s4 =	sand.u32 $0x1, s1;
	s29 =	sshll.u32 s0, $0x1  }
0x6: {  	s21 =	simm.s32 $0xEA60;
	s1 =	rddreg [dreg:$0x1];
	s3 =	sor.u32 s4, s29  }
0x7: {  	s22 =	simm.s32 $0x0;
	[smem:$0x7FF] =	sst s2;
	s6 =	smul.u32 $0x9C4, s3  }
0x8: {  	_ =	strace $0x8000004D;
	s8 =	ssub.s32 $0x2, s4;
	s7 =	smul.u32 $0x2710, s3  }
0x9: {  	s4 =	sadd.s32 $0x6000, s5;
	s3 =	sadd.s32 $0x19C00, s5;
	s31 =	sshrl.u32 s8, $0x1  }
0xa: {  	s12 =	ssub.s32 s8, s31;
	s9 =	sadd.s32 s6, s5;
	s30 =	sshrl.u32 s7, $0x3  }
0xb: {  	v2 =	vlaneseq.u32;
	s12 =	smax.u32 s12, $0x1;
	s11 =	sadd.s32 s30, s5;
	s5 =	sadd.s32 $0x1A0E2, s5  }
0xc: {  	v1 =	vshrl.u32 v2, $0x3;
	s8 =	sadd.s32 $0x6200, s9;
	s6 =	sadd.s32 $0x1A600, s11;
	s7 =	sadd.s32 $0x24240, s11  }
0xd: {  	v0 =	vimm.f32 $0.0e+00;
	v2 =	vor.u32 $0x8, v2;
	v1 =	vmul.u32 $0x10, v1;
	s9 =	sadd.s32 $0x41C00, s11;
	s10 =	sadd.s32 $0x2E000, s11;
	s11 =	sadd.s32 $0x37E00, s11  }
.LBB2_1:
0xe: {  	[tilespmem:s2], [sflag:$0x1] =	stream.linear.gather [hbm4b:s3+s2], $0x2710, $0x38;
	[tilespmem:$0x15FA0] =	vst v63  }
0xf: {  	_ =	swait.ge [sflag:s13], $0x2710  }
0x10: {  	[sflag:s13] =	ssyncset.done $0x0  }
0x11: {  	[sflag:s13] =	ssyncadd.s32 $0xFFFFD8F0  }
0x12: {  	[tilespmem:s14], [sflag:$0x1] =	stream.linear.gather [hbm4b:s5+s2], $0x2710, $0x38;
	[tilespmem:$0x15FA0] =	vst v63  }
0x13: {  	_ =	swait.ge [sflag:s13], $0x2710  }
0x14: {  	[sflag:s13] =	ssyncset.done $0x0  }
0x15: {  	[sflag:s13] =	ssyncadd.s32 $0xFFFFD8F0  }
0x16: {  	[tilespmem:s15], [sflag:$0x1] =	stream.linear.gather [hbm4b:s6+s2], $0x2710, $0x38;
	[tilespmem:$0x15FA0] =	vst v63  }
0x17: {  	_ =	swait.ge [sflag:s13], $0x2710  }
0x18: {  	[sflag:s13] =	ssyncset.done $0x0  }
0x19: {  	[sflag:s13] =	ssyncadd.s32 $0xFFFFD8F0  }
0x1a: {  	[tilespmem:s16], [sflag:$0x1] =	stream.linear.gather [hbm4b:s7+s2], $0x2710, $0x38;
	[tilespmem:$0x15FA0] =	vst v63  }
0x1b: {  	_ =	swait.ge [sflag:s13], $0x2710  }
0x1c: {  	[sflag:s13] =	ssyncset.done $0x0  }
0x1d: {  	[sflag:s13] =	ssyncadd.s32 $0xFFFFD8F0  }
0x1e: {  	[tilespmem:s17], [sflag:$0x1] =	stream.linear.gather [hbm4b:s8+s2], $0x4E20, $0x38;
	[tilespmem:$0x15FA0] =	vst v63  }
0x1f: {  	_ =	swait.ge [sflag:s13], $0x4E20  }
0x20: {  	[sflag:s13] =	ssyncset.done $0x0  }
0x21: {  	[sflag:s13] =	ssyncadd.s32 $0xFFFFB1E0  }
0x22: {  	[tilespmem:s18], [sflag:$0x1] =	stream.linear.gather [hbm4b:s4+s2], $0x10, $0x38;
	[tilespmem:$0x15FA0] =	vst v63  }
0x23: {  	_ =	swait.ge [sflag:s13], $0x10  }
0x24: {  	[sflag:s13] =	ssyncset.done $0x0  }
0x25: {  	s23 =	simm.s32 $0x40;
	s24 =	simm.s32 $0x0;
	[sflag:s13] =	ssyncadd.s32 $0xFFFFFFF0  }
.LBB2_2:
0x26: {  	p0 =	sne.s32 s23, $0x9C00;
	[tilespmem:s24+$0x11170] =	vst v0;
	s25 =	smov.u32 s23;
	s23 =	sadd.s32 $0x40, s23  }
.Ltmp0:
0x27: {  	[tilespmem:s24+$0x13880] =	vst v0;
	(pc) =	sbr.rel @p0 .LBB2_2-.Ltmp0, $2  }
0x28: {  	_ =	sdelay $0x2  }
0x29: {  	s24 =	sshra.s32 s25, $0x2  }
0x2a: {  	[tilespmem:s24+$0x11170] =	vst v0  }
0x2b: {  	[tilespmem:s24+$0x13880] =	vst v0;
	s23 =	simm.s32 $0x4E20  }
0x2c: {  	s24 =	simm.s32 $0x7530;
	v4 =	vld [tilespmem:s23+$0x0]  }
0x2d: {  	v3 =	vld [tilespmem:s24+$0x0]  }
0x2e: {  	s25 =	simm.s32 $0x0  }
0x2f: {  	v5 =	vmov s25  }
0x30: {  	v5 =	vshll.u32 v5, $0x4  }
0x31: {  	v5 =	vor.u32 v1, v5  }
0x32: {  	v5 =	vor.u32 v2, v5;
	_ =	sdelay $0x1  }
0x33: {  	v4 =	vld.idx.msk [tilespmem:v4+s2+$0x0], $0xffff  }
0x34: {  	v6 =	vld.idx.msk [tilespmem:v3+s14+$0x0], $0xffff;
	_ =	sdelay $0x1  }
0x35: {  	v5 =	vld.idx.msk [tilespmem:v5+s17+$0x0], $0xffff;
	_ =	sdelay $0x2  }
0x36: {  	v6 =	vadd.f32 v6, v4;
	_ =	sdelay $0x1  }
0x37: {  	v4 =	vld [tilespmem:$0x15F90];
	v6 =	vadd.f32 v6, v5;
	_ =	sdelay $0x1  }
0x38: {  	v7 =	vmul.f32 $2.000000030e-01, v6;
	_ =	sdelay $0x1  }
0x39: {  	v6 =	vmax.f32 v6, v7  }
0x3a: {  	v6 =	vsub.f32 v6, v4;
	_ =	sdelay $0x1  }
0x3b: {  	v6 =	vmul.f32 $1.442695020e+00, v6;
	_ =	sdelay $0x1  }
0x3c: {  	(erf) = vpow2.f32 v6;
	_ =	sdelay $0x8  }
0x3d: {  	s25 =	simm.s32 $0xEA60;
	v6 =	vpop (erf)  }
0x3e: {  	[tilespmem:s25+$0x0] =	vst v6  }
0x3f: {  	s26 =	simm.s32 $0x2;
	[tilespmem:v3+s19+$0x0] =	vst.idx.add.f32.msk $0xffff, v6  }
.LBB2_4:
0x40: {  	[tilespmem:v3+s20+$0x0] =	vst.idx.add.f32.msk $0xffff, v5;
	s23 =	sadd.s32 $0x10, s23;
	s24 =	sadd.s32 $0x10, s24;
	s25 =	sadd.s32 $0x10, s25  }
0x41: {  	p0 =	sne.s32 s26, $0x4E0;
	s28 =	smov.u32 s26;
	s26 =	sadd.s32 $0x2, s26;
	v5 =	vld [tilespmem:s23+$0x0]  }
0x42: {  	v3 =	vld [tilespmem:s24+$0x0];
	_ =	sdelay $0x1  }
0x43: {  	v6 =	vmov s28  }
0x44: {  	v6 =	vshll.u32 v6, $0x4  }
0x45: {  	v6 =	vor.u32 v1, v6  }
0x46: {  	v6 =	vor.u32 v2, v6;
	_ =	sdelay $0x1  }
0x47: {  	v7 =	vld.idx.msk [tilespmem:v5+s2+$0x0], $0xffff  }
0x48: {  	v8 =	vld.idx.msk [tilespmem:v3+s14+$0x0], $0xffff;
	_ =	sdelay $0x1  }
0x49: {  	v5 =	vld.idx.msk [tilespmem:v6+s17+$0x0], $0xffff;
	_ =	sdelay $0x3  }
0x4a: {  	v6 =	vadd.f32 v8, v7;
	_ =	sdelay $0x1  }
0x4b: {  	v6 =	vadd.f32 v6, v5;
	_ =	sdelay $0x1  }
0x4c: {  	v7 =	vmul.f32 $2.000000030e-01, v6;
	_ =	sdelay $0x1  }
0x4d: {  	v6 =	vmax.f32 v6, v7  }
0x4e: {  	v6 =	vsub.f32 v6, v4;
	_ =	sdelay $0x1  }
0x4f: {  	v6 =	vmul.f32 $1.442695020e+00, v6;
	_ =	sdelay $0x1  }
0x50: {  	(erf) = vpow2.f32 v6;
	_ =	sdelay $0x6  }
.Ltmp1:
0x51: {  	(pc) =	sbr.rel @p0 .LBB2_4-.Ltmp1, $4  }
0x52: {  	_ = 	snop  }
0x53: {  	v6 =	vpop (erf)  }
0x54: {  	[tilespmem:s25+$0x0] =	vst v6  }
0x55: {  	[tilespmem:v3+s19+$0x0] =	vst.idx.add.f32.msk $0xffff, v6  }
0x56: {  	_ =	sdelay $0x3  }
0x57: {  	[tilespmem:v3+s20+$0x0] =	vst.idx.add.f32.msk $0xffff, v5  }
0x58: {  	[hbm4b:s9+s2] =	stream.linear.scatter [tilespmem:s21], [sflag:$0x1], $0x2710, $0x38;
	[tilespmem:$0x15FA0] =	vst v63  }
0x59: {  	_ =	swait.ge [sflag:s13], $0x2710  }
0x5a: {  	[sflag:s13] =	ssyncset.done $0x0  }
0x5b: {  	[sflag:s13] =	ssyncadd.s32 $0xFFFFD8F0  }
0x5c: {  	[hbm4b:s10+s2] =	stream.linear.scatter [tilespmem:s19], [sflag:$0x1], $0x2710, $0x38;
	[tilespmem:$0x15FA0] =	vst v63  }
0x5d: {  	s22 =	sadd.s32 $0x1, s22;
	_ =	swait.ge [sflag:s13], $0x2710  }
0x5e: {  	p0 =	sne.s32 s22, s12;
	[sflag:s13] =	ssyncset.done $0x0  }
.Ltmp2:
0x5f: {  	[sflag:s13] =	ssyncadd.s32 $0xFFFFD8F0;
	(pc) =	sbr.rel @p0 .LBB2_1-.Ltmp2, $4  }
0x60: {  	[hbm4b:s11+s2] =	stream.linear.scatter [tilespmem:s20], [sflag:$0x1], $0x2710, $0x38;
	[tilespmem:$0x15FA0] =	vst v63  }
0x61: {  	_ =	swait.ge [sflag:s13], $0x2710  }
0x62: {  	[sflag:s13] =	ssyncset.done $0x0  }
0x63: {  	[sflag:s13] =	ssyncadd.s32 $0xFFFFD8F0  }
0x64: {  	_ =	sfence.sel $0x180000  }
0x65: {  	[bflag:$0x0] =	sbarrier.arrive $0xFFFF  }
0x66: {  	p0 =	sne.s32 s0, $0x0;
	_ =	strace $0x9000004D  }
0x67: {  	s0 =	sadd.s32 @!p0 $0x100000, s1;
	[bflag:$0x2] =	sbarrier.arrive $0xFFFF  }
0x68: {  	[sflag:s0] =	ssyncadd.tile.s32 @!p0 $0x1;
	_ =	shalt  }
.Lfunc_end2:
_tile_overlayer_lowered:
.L_overlay_start_2:
0x69: {  	(tag) =	ssettag $0x2  }
0x6a: {  	s0 =	rddreg [dreg:$0x0];
	s2 =	stileid.u32  }
0x6b: {  	s1 =	rddreg [dreg:$0x1];
	p0 =	sne.s32 s2, $0x0  }
0x6c: {  	s3 =	rddreg [dreg:$0x2];
	[bflag:$0x3] =	sbarrier.arrive $0xFFFF;
	s2 =	simm.s32 @!p0 $0x1C01  }
0x6d: {  	[timem:s3], [sflag:s2] =	dma.local @!p0 [hbm:s0], s1  }
0x6e: {  	s0 =	simm.s32 @!p0 $0x1  }
0x6f: {  	_ =	swait.ge @!p0 [sflag:s0], s1  }
0x70: {  	s1 =	ssub.s32 @!p0 $0x0, s1;
	[sflag:s0] =	ssyncset.done @!p0 $0x0  }
0x71: {  	[sflag:s0] =	ssyncadd.s32 @!p0 s1  }
0x72: {  	[bflag:$0x3] =	sbarrier.arrive $0xFFFF  }
0x73: {  	_ =	shalt  }

// kernel: row_pass.4.cloned.1.call-start
scs
__scs_entry_jumppad:
0x0: {  	(pc) =	sbr.rel $0x88, $3  }
0x1: {  	(tag) =	ssettag $0x0;
	lr =	simm.s32 $0x1  }
0x2: {  	[smem:$0x3F92] =	sst lr;
	_ =	strace $0xD0000000  }
0x3: {  	_ = 	snop  }
0x4: {  	_ = 	snop  }
0x5: {  	_ = 	snop  }
0x6: {  	_ = 	snop  }
0x7: {  	_ = 	snop  }
__scs_overlays_trampoline_lowered:
0x8: {  	[smem:$0x3FA1] =	sst s0  }
0x9: {  	[smem:$0x3FA2] =	sst s1  }
0xa: {  	[smem:$0x3FA3] =	sst s2  }
0xb: {  	[smem:$0x3FA4] =	sst s3  }
0xc: {  	[smem:$0x3FA5] =	sst s4  }
0xd: {  	[smem:$0x3FA6] =	sst s5  }
0xe: {  	[smem:$0x3FA7] =	sst s6  }
0xf: {  	[smem:$0x3FA8] =	sst s7  }
0x10: {  	[smem:$0x3FA9] =	sst s8  }
0x11: {  	[smem:$0x3FAA] =	sst s9;
	s0 =	simm.s32 @!p0 $0x0  }
0x12: {  	s1 =	sld [smem:$0x3F90];
	s0 =	simm.s32 @p0 $0x1  }
0x13: {  	[smem:$0x3FAB] =	sst s0;
	s0 =	simm.s32 @!p1 $0x0  }
0x14: {  	s2 =	sld [smem:$0x3F8F];
	s0 =	simm.s32 @p1 $0x1  }
0x15: {  	[smem:$0x3FAC] =	sst s0;
	s0 =	simm.s32 @!p2 $0x0  }
0x16: {  	s3 =	sld [smem:$0x3FDB];
	s0 =	simm.s32 @p2 $0x1  }
0x17: {  	s4 =	simm.s32 $0x1BF5;
	[smem:$0x3FAE] =	sst s0  }
0x18: {  	s0 =	sld [smem:$0x3F91];
	_ =	swait.ge [sflag:s4], $0x0  }
0x19: {  	s7 =	sld [smem:$0x3F92]  }
0x1a: {  	s8 =	sadd.s32 $0xFFFFE003, lr  }
0x1b: {  	s9 =	sadd.s32 $0xFFFFFEF7, lr;
	s5 =	simm.s32 $0xFFFFFFFF;
	p2 =	slt.u32 s8, $0xFFFFF086  }
0x1c: {  	p1 =	slt.u32 s9, $0xF7A;
	s5 =	simm.s32 @!p2 $0x0  }
0x1d: {  	s5 =	simm.s32 @p1 $0x1;
	p0 =	seq.s32 s7, s2  }
0x1e: {  	s7 =	smul.u32 @!p0 $0xF7A, s2;
	p2 =	seq.s32 @!p0 s5, $0x0  }
0x1f: {  	s9 =	smul.u32 $0xF7A, s1;
	s8 =	simm.s32 @!p0 $0x1BF5;
	p2 =	por !p2, p0  }
0x20: {  	[sflag:s8] =	ssyncset.s32 @!p0 $0xFFFFF086;
	s6 =	sadd.s32 @!p0 s3, s7;
	s7 =	simm.s32 @!p0 $0x108  }
0x21: {  	s3 =	sadd.s32 s3, s9;
	s6 =	sadd.s32 @!p0 $0x88, s6;
	s7 =	simm.s32 @p2 $0x1082  }
0x22: {  	[simem:s7], [sflag:s8] =	dma.local @!p0 [hbm:s6], $0xF7A  }
0x23: {  	s9 =	sor.u32 $0xD0000000, s2;
	s6 =	simm.s32 $0x108;
	_ =	swait.ge @!p0 [sflag:s8], $0x0  }
0x24: {  	s3 =	sadd.s32 $0x88, s3;
	s6 =	simm.s32 @!p1 $0x1082;
	[sflag:s4] =	ssyncset.s32 $0xFFFFF086  }
0x25: {  	[simem:s6], [sflag:s4] =	dma.local [hbm:s3], $0xF7A  }
0x26: {  	[smem:$0x3F92] =	sst s1;
	(tag) =	ssettag s2;
	_ =	strace s9  }
0x27: {  	s1 =	sld [smem:$0x3FA2]  }
0x28: {  	s2 =	sld [smem:$0x3FA3]  }
0x29: {  	s4 =	sld [smem:$0x3FA5]  }
0x2a: {  	p0 =	seq.s32 s5, $0x0;
	s5 =	sld [smem:$0x3FA6]  }
0x2b: {  	s6 =	sld [smem:$0x3FA7]  }
0x2c: {  	s7 =	sld [smem:$0x3FA8]  }
0x2d: {  	s3 =	simm.s32 $0x108;
	s8 =	sld [smem:$0x3FA9]  }
0x2e: {  	s3 =	simm.s32 @!p0 $0x1082;
	s9 =	sld [smem:$0x3FAA]  }
0x2f: {  	lr =	sadd.s32 s0, s3;
	s0 =	sld [smem:$0x3FA1]  }
0x30: {  	s3 =	sld [smem:$0x3FA4]  }
0x31: {  	[smem:$0x3FAD] =	sst s10  }
0x32: {  	s10 =	sld [smem:$0x3FAB];
	_ =	sdelay $0x3  }
0x33: {  	p0 =	seq.s32 s10, $0x1;
	s10 =	sld [smem:$0x3FAD];
	_ =	sdelay $0x3  }
0x34: {  	[smem:$0x3FAD] =	sst s10  }
0x35: {  	s10 =	sld [smem:$0x3FAC];
	_ =	sdelay $0x3  }
0x36: {  	p1 =	seq.s32 s10, $0x1;
	s10 =	sld [smem:$0x3FAD];
	_ =	sdelay $0x3  }
0x37: {  	[smem:$0x3FAD] =	sst s10  }
0x38: {  	s10 =	sld [smem:$0x3FAE]  }
0x39: {  	_ = 	snop;
	(pc) =	sbr.ind lr, $3  }
0x3a: {  	_ = 	snop  }
0x3b: {  	_ = 	snop  }
0x3c: {  	p2 =	seq.s32 s10, $0x1;
	s10 =	sld [smem:$0x3FAD]  }
0x3d: {  	_ =	shalt  }
0x3e: {  	_ =	shalt  }
0x3f: {  	_ =	shalt  }
0x40: {  	_ =	shalt  }
0x41: {  	_ =	shalt  }
0x42: {  	_ =	shalt  }
0x43: {  	_ =	shalt  }
0x44: {  	_ =	shalt  }
0x45: {  	_ =	shalt  }
0x46: {  	_ =	shalt  }
0x47: {  	_ =	shalt  }
0x48: {  	_ =	shalt  }
0x49: {  	_ =	shalt  }
0x4a: {  	_ =	shalt  }
0x4b: {  	_ =	shalt  }
0x4c: {  	_ =	shalt  }
0x4d: {  	_ =	shalt  }
0x4e: {  	_ =	shalt  }
0x4f: {  	_ =	shalt  }
0x50: {  	_ =	shalt  }
0x51: {  	_ =	shalt  }
0x52: {  	_ =	shalt  }
0x53: {  	_ =	shalt  }
0x54: {  	_ =	shalt  }
0x55: {  	_ =	shalt  }
0x56: {  	_ =	shalt  }
0x57: {  	_ =	shalt  }
0x58: {  	_ =	shalt  }
0x59: {  	_ =	shalt  }
0x5a: {  	_ =	shalt  }
0x5b: {  	_ =	shalt  }
0x5c: {  	_ =	shalt  }
0x5d: {  	_ =	shalt  }
0x5e: {  	_ =	shalt  }
0x5f: {  	_ =	shalt  }
0x60: {  	_ =	shalt  }
0x61: {  	_ =	shalt  }
0x62: {  	_ =	shalt  }
0x63: {  	_ =	shalt  }
0x64: {  	_ =	shalt  }
0x65: {  	_ =	shalt  }
0x66: {  	_ =	shalt  }
0x67: {  	_ =	shalt  }
0x68: {  	_ =	shalt  }
0x69: {  	_ =	shalt  }
0x6a: {  	_ =	shalt  }
0x6b: {  	_ =	shalt  }
0x6c: {  	_ =	shalt  }
0x6d: {  	_ =	shalt  }
0x6e: {  	_ =	shalt  }
0x6f: {  	_ =	shalt  }
0x70: {  	_ =	shalt  }
0x71: {  	_ =	shalt  }
0x72: {  	_ =	shalt  }
0x73: {  	_ =	shalt  }
0x74: {  	_ =	shalt  }
0x75: {  	_ =	shalt  }
0x76: {  	_ =	shalt  }
0x77: {  	_ =	shalt  }
0x78: {  	_ =	shalt  }
0x79: {  	_ =	shalt  }
0x7a: {  	_ =	shalt  }
0x7b: {  	_ =	shalt  }
0x7c: {  	_ =	shalt  }
0x7d: {  	_ =	shalt  }
0x7e: {  	_ =	shalt  }
0x7f: {  	_ =	shalt  }
0x80: {  	_ =	shalt  }
0x81: {  	_ =	shalt  }
0x82: {  	_ =	shalt  }
0x83: {  	_ =	shalt  }
0x84: {  	_ =	shalt  }
0x85: {  	_ =	shalt  }
0x86: {  	_ =	shalt  }
0x87: {  	_ =	shalt  }
.Lfunc_end0:
.L_simem_size_0:
called_computation.1_lowered:
.L_overlay_start_0:
0x88: {  	s2 =	sld [smem:$0x3FD9]  }
0x89: {  	s3 =	sld [smem:$0x3FFE];
	_ =	sdelay $0x1  }
0x8a: {  	s1 =	srdreg.scid  }
0x8b: {  	s0 =	sand.u32 $0x1, s1  }
0x8c: {  	s17 =	sshll.u32 s0, $0xA;
	s2 =	sadd.s32 s3, s2  }
0x8d: {  	s2 =	sadd.s32 s2, s17  }
0x8e: {  	[smem:$0x3FB9] =	sst s2  }
0x8f: {  	_ = 	snop  }
0x90: {  	s2 =	sld [smem:$0x3FD0];
	(tm) =	ssettm $0x1  }
0x91: {  	s18 =	sld [smem:$0x3FFB];
	_ =	sdelay $0x3  }
0x92: {  	_ =	strace s18  }
0x93: {  	s3 =	sld [smem:$0x3FFC];
	_ =	sdelay $0x3  }
0x94: {  	_ =	strace s3  }
0x95: {  	s3 =	sld [smem:$0x3FFD];
	_ =	sdelay $0x3  }
0x96: {  	_ =	strace s3  }
0x97: {  	_ =	strace $0x8FFFFFFF  }
0x98: {  	s19 =	sld [smem:$0x3FDB];
	_ =	sdelay $0x1  }
0x99: {  	s4 =	simm.s32 $_scs_section_size  }
0x9a: {  	s5 =	simm.s32 $_size__tile_overlayer_lowered;
	s6 =	simm.s32 $_tile_overlayer_lowered  }
0x9b: {  	s22 =	simm.s32 $0x1BFF;
	s21 =	sshll.u32 s6, $0x1;
	s3 =	sadd.s32 s4, s19  }
0x9c: {  	s7 =	simm.s32 $0x0;
	s20 =	sshll.u32 s5, $0x1;
	s5 =	sadd.s32 s21, s3  }
0x9d: {  	[timem:s7], [sflag:s22] =	dma.local [hbm:s5], s20  }
0x9e: {  	_ =	swait.ge [sflag:s22], s20  }
0x9f: {  	s4 =	ssub.s32 $0x0, s20;
	[sflag:s22] =	ssyncset.done $0x0  }
0xa0: {  	[sflag:s22] =	ssyncadd.s32 s4;
	_ =	sdelay $0x1  }
0xa1: {  	s23 =	simm.s32 $0x1B8B  }
0xa2: {  	_ =	swait.ge [sflag:s23], $0x1  }
0xa3: {  	[sflag:s23] =	ssyncset.done $0x0  }
0xa4: {  	s25 =	simm.s32 $0x1B8E;
	s24 =	sld [smem:$0x3FFE];
	[sflag:s23] =	ssyncadd.s32 $0xFFFFFFFF  }
0xa5: {  	s26 =	simm.s32 $execute0_lowered;
	[smem:$0x3FD2] =	sst s25  }
0xa6: {  	s5 =	sshll.u32 s26, $0x1;
	_ =	strace $0x80000049;
	[dreg:$0x1] =	wrdreg $0xFFFFFFFF  }
0xa7: {  	s28 =	simm.s32 $_size_execute0_lowered;
	s3 =	sadd.s32 s3, s5;
	[dreg:$0x0] =	wrdreg $0x0  }
0xa8: {  	s5 =	sshll.u32 s28, $0x1;
	[dreg:$0x2] =	wrdreg s3  }
0xa9: {  	[dreg:$0x3] =	wrdreg s5  }
0xaa: {  	[dreg:$0x4] =	wrdreg $0xC0  }
0xab: {  	_ =	task [dreg:s7], $0x5FFFF  }
0xac: {  	[dreg:$0x1] =	wrdreg $0xFFFFFFFF  }
0xad: {  	[dreg:$0x0] =	wrdreg $0x60  }
0xae: {  	[dreg:$0x2] =	wrdreg s2  }
0xaf: {  	[dreg:$0x3] =	wrdreg s24  }
0xb0: {  	[dreg:$0x4] =	wrdreg $0x9EC00  }
0xb1: {  	[dreg:$0x5] =	wrdreg $0x9  }
0xb2: {  	_ =	task.clear_ibuf [dreg:s7], $0x6FFFF;
	_ =	strace $0x90000049  }
0xb3: {  	s29 =	simm.s32 $0x9;
	_ =	strace $0x8000004B  }
0xb4: {  	_ =	swait.ge [sflag:s29], $0x1  }
0xb5: {  	[sflag:s29] =	ssyncadd.s32 $0xFFFFFFFF  }
0xb6: {  	_ =	strace $0x9000004B  }
0xb7: {  	_ =	sfence  }
0xb8: {  	s30 =	sld [smem:$0x0];
	_ =	sdelay $0x2  }
0xb9: {  	s31 =	sshll.u32 s1, $0xD;
	s1 =	sshrl.u32 s1, $0x2  }
0xba: {  	s3 =	sand.u32 $0x4000, s31;
	s1 =	sadd.s32 s1, s30  }
0xbb: {  	s0 =	sor.u32 s3, s0;
	s1 =	sshll.u32 s1, $0x11  }
0xbc: {  	s0 =	sor.u32 s1, s0  }
0xbd: {  	s0 =	sadd.s32 $0x8F2B, s0  }
0xbe: {  	[sflag:s0] =	ssyncadd.remote.s32 $0x1  }
0xbf: {  	_ =	sfence.sel $0xFFFF  }
0xc0: {  	[dreg:$0x0] =	wrdreg $0xFFFFFFFF;
	(pc) =	sbr.abs _section_cstart, $3  }
0xc1: {  	[dreg:$0x1] =	wrdreg $0xFFFFFFFF  }
0xc2: {  	_ =	task.clear_ibuf [dreg:s7], $0x2FFFF;
	_ =	strace $0x9FFFFFFF  }
0xc3: {  	(tm) =	ssettm $0x7FFFFFFF  }
tec
execute0_lowered:
.L_overlay_start_1:
0x0: {  	(tag) =	ssettag $0x1  }
0x1: {  	s0 =	srdreg.scid;
	s1 =	rddreg [dreg:$0x0]  }
0x2: {  	s15 =	stileid.u32;
	s8 =	rddreg [dreg:$0x1]  }
0x3: {  	s3 =	rddreg [dreg:$0x2];
	s5 =	simm.s32 $0x0;
	s14 =	simm.s32 $0x5  }
0x4: {  	s18 =	simm.s32 $0x50;
	s19 =	simm.s32 $0x4E20;
	s20 =	simm.s32 $0x9E20  }
0x5: {  	s21 =	simm.s32 $0x7620;
	s22 =	simm.s32 $0x9E70;
	s23 =	simm.s32 $0x1  }
0x6: {  	s24 =	simm.s32 $0x3;
	s25 =	simm.s32 $0x2;
	s26 =	simm.s32 $0x4  }
0x7: {  	s30 =	simm.s32 $0x0;
	s0 =	sand.u32 $0x1, s0;
	s2 =	sshll.u32 s15, $0x1  }
0x8: {  	s28 =	smul.u32 $0x13880, s15;
	[smem:$0x7FF] =	sst s5;
	s29 =	sadd.s32 $0x55800, s8  }
0x9: {  	s31 =	sshll.u32 s15, $0x6;
	s2 =	sor.u32 s0, s2;
	s6 =	smul.u32 $0x138800, s0  }
0xa: {  	_ =	strace $0x8000004A;
	s0 =	ssub.s32 $0x2, s0;
	[dreg:$0x4] =	wrdreg s29  }
0xb: {  	s16 =	sor.u32 $0x1C05, s31;
	s4 =	smul.u32 $0x2710, s2;
	s12 =	sshrl.u32 s0, $0x1  }
0xc: {  	s2 =	sadd.s32 s28, s3;
	s7 =	sadd.s32 s28, s6;
	s6 =	sadd.s32 $0x4BA00, s8  }
0xd: {  	s0 =	ssub.s32 s0, s12;
	s10 =	sshrl.u32 s4, $0x3;
	s11 =	sshrl.u32 s7, $0x3  }
0xe: {  	s17 =	sshrl.u32 s2, $0x3;
	s9 =	sadd.s32 s10, s8;
	s13 =	sadd.s32 s11, s8  }
0xf: {  	s10 =	sadd.s32 s6, s10;
	s8 =	sadd.s32 $0x1A600, s9;
	s9 =	sadd.s32 $0x24240, s9  }
0x10: {  	s11 =	sadd.s32 $0x4D8, s10;
	s12 =	sadd.s32 $0x58000, s13;
	s13 =	smax.u32 s0, $0x1  }
.LBB2_1:
0x11: {  	[tilespmem:s5], [sflag:$0x5] =	stream.linear.gather [hbm4b:s8+s5], $0x2710, $0x38;
	[tilespmem:$0x1D740] =	vst v63  }
0x12: {  	_ =	swait.ge [sflag:s14], $0x2710  }
0x13: {  	[sflag:s14] =	ssyncset.done $0x0  }
0x14: {  	s0 =	simm.s32 $0x2710;
	[sflag:s14] =	ssyncadd.s32 $0xFFFFD8F0  }
0x15: {  	[tilespmem:s0], [sflag:$0x5] =	stream.linear.gather [hbm4b:s9+s5], $0x2710, $0x38;
	[tilespmem:$0x1D740] =	vst v63  }
0x16: {  	_ =	swait.ge [sflag:s14], $0x2710  }
0x17: {  	[sflag:s14] =	ssyncset.done $0x0  }
0x18: {  	s29 =	rddreg [dreg:$0x4];
	[sflag:s14] =	ssyncadd.s32 $0xFFFFD8F0  }
0x19: {  	[spmem:s17], [sflag:s16] =	dma.local [hbm:s29], $0x2710  }
0x1a: {  	_ =	swait.ge [sflag:s14], $0x2710  }
0x1b: {  	[sflag:s14] =	ssyncset.done $0x0  }
0x1c: {  	[sflag:s14] =	ssyncadd.s32 $0xFFFFD8F0  }
0x1d: {  	[bflag:$0x0] =	sbarrier.arrive $0xFFFF  }
0x1e: {  	[tilespmem:s19], [sflag:$0x1] =	stream.indirect.gather [hbm4b:s1+s18], $0x80, s5, s18, $0xb8;
	[tilespmem:$0x1D740] =	vst v63  }
0x1f: {  	s31 =	simm.s32 $0x0  }
0x20: {  	[tilespmem:s20], [sflag:$0x3] =	stream.linear.gather [hbm4b:s10+s5], $0x50, $0x38;
	[tilespmem:$0x1D740] =	vst v63  }
.LBB2_2:
0x21: {  	s0 =	smul.u32 $0xA0, s31;
	_ =	sdelay $0x1  }
0x22: {  	s2 =	sadd.s32 $0x50, s0  }
0x23: {  	[tilespmem:s21], [sflag:$0x2] =	stream.indirect.gather [hbm4b:s1+s18], $0x80, s2, s18, $0xb8;
	[tilespmem:$0x1D740] =	vst v63  }
0x24: {  	s15 =	sadd.s32 s4, s2  }
0x25: {  	s15 =	sshrl.u32 s15, $0x3  }
0x26: {  	s28 =	simm.s32 $0x0;
	s15 =	sadd.s32 s6, s15  }
0x27: {  	[tilespmem:s22], [sflag:$0x4] =	stream.linear.gather [hbm4b:s15+s28], $0x50, $0x38;
	[tilespmem:$0x1D740] =	vst v63  }
0x28: {  	_ =	swait.ge [sflag:s23], $0x2800  }
0x29: {  	[sflag:s23] =	ssyncset.done $0x0  }
0x2a: {  	[sflag:s23] =	ssyncadd.s32 $0xFFFFD800  }
0x2b: {  	_ =	swait.ge [sflag:s24], $0x50  }
0x2c: {  	v0 =	vmov s28;
	[sflag:s24] =	ssyncset.done $0x0  }
0x2d: {  	s15 =	simm.s32 $0x4E60;
	[sflag:s24] =	ssyncadd.s32 $0xFFFFFFB0  }
0x2e: {  	v4 =	vld [tilespmem:s15+$0x30]  }
0x2f: {  	v7 =	vld [tilespmem:s15+$0x10]  }
0x30: {  	v5 =	vld [tilespmem:s15+$0xFFFFFFC0]  }
0x31: {  	v1 =	vld.idx.msk [tilespmem:v0+s20+$0x0], $0xffff  }
0x32: {  	v9 =	vld [tilespmem:s15+$0xFFFFFFE0]  }
0x33: {  	v0 =	vld [tilespmem:s15+$0xFFFFFFF0]  }
0x34: {  	v2 =	vld [tilespmem:s15+$0x20]  }
0x35: {  	v3 =	vld [tilespmem:s15+$0xFFFFFFD0]  }
0x36: {  	v8 =	vmul.f32 v4, v1;
	v4 =	vld [tilespmem:s15+$0x0]  }
0x37: {  	v6 =	vmul.f32 v5, v1  }
0x38: {  	s29 =	simm.s32 $0x4E60;
	s28 =	simm.s32 $0x1;
	v5 =	vmul.f32 v9, v1;
	v7 =	vmul.f32 v7, v1  }
.LBB2_3:
0x39: {  	p0 =	sne.s32 s28, $0x4F  }
0x3a: {  	v3 =	vmul.f32 v3, v1;
	v2 =	vmul.f32 v2, v1;
	[tilespmem:s15+$0x30] =	vst v8;
	s29 =	sadd.s32 $0x80, s29;
	s7 =	smov.u32 s28;
	s28 =	sadd.s32 $0x1, s28  }
0x3b: {  	[tilespmem:s15+$0xFFFFFFC0] =	vst v6;
	v6 =	vmul.f32 v0, v1;
	v1 =	vmul.f32 v4, v1  }
0x3c: {  	[tilespmem:s15+$0x10] =	vst v7  }
0x3d: {  	v4 =	vmov s7;
	[tilespmem:s15+$0xFFFFFFE0] =	vst v5  }
0x3e: {  	v0 =	vld [tilespmem:s29+$0xFFFFFFF0];
	[tilespmem:s15+$0xFFFFFFF0] =	vst v6  }
0x3f: {  	v5 =	vld [tilespmem:s29+$0x30];
	[tilespmem:s15+$0x0] =	vst v1  }
0x40: {  	v7 =	vld [tilespmem:s29+$0x10];
	[tilespmem:s15+$0x20] =	vst v2  }
0x41: {  	v6 =	vld [tilespmem:s29+$0xFFFFFFC0];
	[tilespmem:s15+$0xFFFFFFD0] =	vst v3;
	s15 =	smov.u32 s29  }
0x42: {  	v1 =	vld.idx.msk [tilespmem:v4+s20+$0x0], $0xffff  }
0x43: {  	v9 =	vld [tilespmem:s29+$0xFFFFFFE0]  }
0x44: {  	v2 =	vld [tilespmem:s29+$0x20]  }
.Ltmp0:
0x45: {  	v3 =	vld [tilespmem:s29+$0xFFFFFFD0];
	(pc) =	sbr.rel @p0 .LBB2_3-.Ltmp0, $3  }
0x46: {  	v4 =	vld [tilespmem:s29+$0x0];
	_ =	sdelay $0x1  }
0x47: {  	v6 =	vmul.f32 v6, v1;
	v8 =	vmul.f32 v5, v1  }
0x48: {  	v7 =	vmul.f32 v7, v1;
	v5 =	vmul.f32 v9, v1  }
0x49: {  	[tilespmem:s15+$0x30] =	vst v8  }
0x4a: {  	[tilespmem:s15+$0xFFFFFFC0] =	vst v6  }
0x4b: {  	v0 =	vmul.f32 v0, v1;
	[tilespmem:s15+$0x10] =	vst v7  }
0x4c: {  	v2 =	vmul.f32 v2, v1;
	[tilespmem:s15+$0xFFFFFFE0] =	vst v5  }
0x4d: {  	s7 =	smul.u32 $0x280, s31;
	v4 =	vmul.f32 v4, v1;
	[tilespmem:s15+$0xFFFFFFF0] =	vst v0  }
0x4e: {  	v0 =	vmul.f32 v3, v1;
	[tilespmem:s15+$0x20] =	vst v2  }
0x4f: {  	s7 =	sshra.s32 s7, $0x2;
	[tilespmem:s15+$0x0] =	vst v4  }
0x50: {  	s7 =	sadd.s32 $0x2710, s7;
	[tilespmem:s15+$0xFFFFFFD0] =	vst v0  }
0x51: {  	[spmem:s3] =	stream.indirect.scatter.add.f32 [tilespmem:s19], [sflag:$0x5], $0x80, s7, s18, $0xb8;
	[tilespmem:$0x1D740] =	vst v63  }
0x52: {  	p0 =	seq.s32 s31, $0x3D;
	_ =	swait.ge [sflag:s14], $0x2800  }
0x53: {  	s0 =	sadd.s32 @!p0 $0xA0, s0;
	[sflag:s14] =	ssyncset.done $0x0  }
0x54: {  	s15 =	simm.s32 @!p0 $0x4E20;
	s7 =	simm.s32 @!p0 $0x50;
	[sflag:s14] =	ssyncadd.s32 $0xFFFFD800  }
0x55: {  	[tilespmem:s15], [sflag:$0x1] =	stream.indirect.gather @!p0 [hbm4b:s1+s7], $0x80, s0, s7, $0xb8;
	[tilespmem:$0x1D740] =	vst v63  }
0x56: {  	s0 =	sadd.s32 @!p0 s4, s0  }
0x57: {  	s0 =	sshrl.u32 @!p0 s0, $0x3  }
0x58: {  	s7 =	simm.s32 @!p0 $0x0;
	s15 =	simm.s32 @!p0 $0x9E20;
	s0 =	sadd.s32 @!p0 s6, s0  }
0x59: {  	[tilespmem:s15], [sflag:$0x3] =	stream.linear.gather @!p0 [hbm4b:s0+s7], $0x50, $0x38;
	[tilespmem:$0x1D740] =	vst v63  }
0x5a: {  	_ =	swait.ge [sflag:s25], $0x2800  }
0x5b: {  	[sflag:s25] =	ssyncset.done $0x0  }
0x5c: {  	[sflag:s25] =	ssyncadd.s32 $0xFFFFD800  }
0x5d: {  	s29 =	simm.s32 $0x0;
	_ =	swait.ge [sflag:s26], $0x50  }
0x5e: {  	v0 =	vmov s29;
	[sflag:s26] =	ssyncset.done $0x0  }
0x5f: {  	s0 =	simm.s32 $0x7660;
	[sflag:s26] =	ssyncadd.s32 $0xFFFFFFB0  }
0x60: {  	v4 =	vld [tilespmem:s0+$0x30]  }
0x61: {  	v7 =	vld [tilespmem:s0+$0x10]  }
0x62: {  	v5 =	vld [tilespmem:s0+$0xFFFFFFC0]  }
0x63: {  	v1 =	vld.idx.msk [tilespmem:v0+s22+$0x0], $0xffff  }
0x64: {  	v9 =	vld [tilespmem:s0+$0xFFFFFFE0]  }
0x65: {  	v0 =	vld [tilespmem:s0+$0xFFFFFFF0]  }
0x66: {  	v2 =	vld [tilespmem:s0+$0x20]  }
0x67: {  	v3 =	vld [tilespmem:s0+$0xFFFFFFD0]  }
0x68: {  	v8 =	vmul.f32 v4, v1;
	v4 =	vld [tilespmem:s0+$0x0]  }
0x69: {  	v6 =	vmul.f32 v5, v1  }
0x6a: {  	s28 =	simm.s32 $0x7660;
	s15 =	simm.s32 $0x1;
	v5 =	vmul.f32 v9, v1;
	v7 =	vmul.f32 v7, v1  }
.LBB2_5:
0x6b: {  	p0 =	sne.s32 s15, $0x4F  }
0x6c: {  	v3 =	vmul.f32 v3, v1;
	v2 =	vmul.f32 v2, v1;
	[tilespmem:s0+$0x30] =	vst v8;
	s28 =	sadd.s32 $0x80, s28;
	s7 =	smov.u32 s15;
	s15 =	sadd.s32 $0x1, s15  }
0x6d: {  	[tilespmem:s0+$0xFFFFFFC0] =	vst v6;
	v6 =	vmul.f32 v0, v1;
	v1 =	vmul.f32 v4, v1  }
0x6e: {  	[tilespmem:s0+$0x10] =	vst v7  }
0x6f: {  	v4 =	vmov s7;
	[tilespmem:s0+$0xFFFFFFE0] =	vst v5  }
0x70: {  	v0 =	vld [tilespmem:s28+$0xFFFFFFF0];
	[tilespmem:s0+$0xFFFFFFF0] =	vst v6  }
0x71: {  	v5 =	vld [tilespmem:s28+$0x30];
	[tilespmem:s0+$0x0] =	vst v1  }
0x72: {  	v7 =	vld [tilespmem:s28+$0x10];
	[tilespmem:s0+$0x20] =	vst v2  }
0x73: {  	v6 =	vld [tilespmem:s28+$0xFFFFFFC0];
	[tilespmem:s0+$0xFFFFFFD0] =	vst v3;
	s0 =	smov.u32 s28  }
0x74: {  	v1 =	vld.idx.msk [tilespmem:v4+s22+$0x0], $0xffff  }
0x75: {  	v9 =	vld [tilespmem:s28+$0xFFFFFFE0]  }
0x76: {  	v2 =	vld [tilespmem:s28+$0x20]  }
.Ltmp1:
0x77: {  	v3 =	vld [tilespmem:s28+$0xFFFFFFD0];
	(pc) =	sbr.rel @p0 .LBB2_5-.Ltmp1, $3  }
0x78: {  	v4 =	vld [tilespmem:s28+$0x0];
	_ =	sdelay $0x1  }
0x79: {  	v6 =	vmul.f32 v6, v1;
	v8 =	vmul.f32 v5, v1  }
0x7a: {  	v7 =	vmul.f32 v7, v1;
	v5 =	vmul.f32 v9, v1  }
0x7b: {  	[tilespmem:s0+$0x30] =	vst v8  }
0x7c: {  	[tilespmem:s0+$0xFFFFFFC0] =	vst v6  }
0x7d: {  	v0 =	vmul.f32 v0, v1;
	[tilespmem:s0+$0x10] =	vst v7  }
0x7e: {  	v2 =	vmul.f32 v2, v1;
	[tilespmem:s0+$0xFFFFFFE0] =	vst v5  }
0x7f: {  	v63 =	vmul.f32 v3, v1;
	[tilespmem:s0+$0xFFFFFFF0] =	vst v0  }
0x80: {  	s31 =	sadd.s32 $0x1, s31;
	v4 =	vmul.f32 v4, v1;
	[tilespmem:s0+$0x20] =	vst v2  }
0x81: {  	p0 =	sne.s32 s31, $0x3E;
	[tilespmem:s0+$0xFFFFFFD0] =	vst v63  }
.Ltmp2:
0x82: {  	s29 =	sadd.s32 $0x2710, s2;
	[tilespmem:s0+$0x0] =	vst v4;
	(pc) =	sbr.rel @p0 .LBB2_2-.Ltmp2, $4  }
0x83: {  	[spmem:s3] =	stream.indirect.scatter.add.f32 [tilespmem:s21], [sflag:$0x5], $0x80, s29, s18, $0xb8;
	[tilespmem:$0x1D740] =	vst v63  }
0x84: {  	_ =	swait.ge [sflag:s14], $0x2800  }
0x85: {  	[sflag:s14] =	ssyncset.done $0x0  }
0x86: {  	[sflag:s14] =	ssyncadd.s32 $0xFFFFD800  }
0x87: {  	s0 =	simm.s32 $0x26C0  }
0x88: {  	[tilespmem:s19], [sflag:$0x1] =	stream.indirect.gather [hbm4b:s1+s18], $0x80, s0, s18, $0xb8;
	[tilespmem:$0x1D740] =	vst v63  }
0x89: {  	s31 =	simm.s32 $0x0  }
0x8a: {  	[tilespmem:s20], [sflag:$0x3] =	stream.linear.gather [hbm4b:s11+s31], $0x50, $0x38;
	[tilespmem:$0x1D740] =	vst v63  }
0x8b: {  	_ =	swait.ge [sflag:s23], $0x2800  }
0x8c: {  	[sflag:s23] =	ssyncset.done $0x0  }
0x8d: {  	[sflag:s23] =	ssyncadd.s32 $0xFFFFD800  }
0x8e: {  	_ =	swait.ge [sflag:s24], $0x50  }
0x8f: {  	v0 =	vmov s31;
	[sflag:s24] =	ssyncset.done $0x0  }
0x90: {  	s0 =	simm.s32 $0x4E60;
	[sflag:s24] =	ssyncadd.s32 $0xFFFFFFB0  }
0x91: {  	v4 =	vld [tilespmem:s0+$0x30]  }
0x92: {  	v7 =	vld [tilespmem:s0+$0x10]  }
0x93: {  	v5 =	vld [tilespmem:s0+$0xFFFFFFC0]  }
0x94: {  	v1 =	vld.idx.msk [tilespmem:v0+s20+$0x0], $0xffff  }
0x95: {  	v9 =	vld [tilespmem:s0+$0xFFFFFFE0]  }
0x96: {  	v0 =	vld [tilespmem:s0+$0xFFFFFFF0]  }
0x97: {  	v2 =	vld [tilespmem:s0+$0x20]  }
0x98: {  	v3 =	vld [tilespmem:s0+$0xFFFFFFD0]  }
0x99: {  	v8 =	vmul.f32 v4, v1;
	v4 =	vld [tilespmem:s0+$0x0]  }
0x9a: {  	v6 =	vmul.f32 v5, v1  }
0x9b: {  	s2 =	simm.s32 $0x1;
	s15 =	simm.s32 $0x4E60;
	v5 =	vmul.f32 v9, v1;
	v7 =	vmul.f32 v7, v1  }
.LBB2_8:
0x9c: {  	p0 =	sne.s32 s2, $0x4F  }
0x9d: {  	v3 =	vmul.f32 v3, v1;
	v2 =	vmul.f32 v2, v1;
	[tilespmem:s0+$0x30] =	vst v8;
	s15 =	sadd.s32 $0x80, s15;
	s7 =	smov.u32 s2;
	s2 =	sadd.s32 $0x1, s2  }
0x9e: {  	[tilespmem:s0+$0xFFFFFFC0] =	vst v6;
	v6 =	vmul.f32 v0, v1;
	v1 =	vmul.f32 v4, v1  }
0x9f: {  	[tilespmem:s0+$0x10] =	vst v7  }
0xa0: {  	v4 =	vmov s7;
	[tilespmem:s0+$0xFFFFFFE0] =	vst v5  }
0xa1: {  	v0 =	vld [tilespmem:s15+$0xFFFFFFF0];
	[tilespmem:s0+$0xFFFFFFF0] =	vst v6  }
0xa2: {  	v5 =	vld [tilespmem:s15+$0x30];
	[tilespmem:s0+$0x0] =	vst v1  }
0xa3: {  	v7 =	vld [tilespmem:s15+$0x10];
	[tilespmem:s0+$0x20] =	vst v2  }
0xa4: {  	v6 =	vld [tilespmem:s15+$0xFFFFFFC0];
	[tilespmem:s0+$0xFFFFFFD0] =	vst v3;
	s0 =	smov.u32 s15  }
0xa5: {  	v1 =	vld.idx.msk [tilespmem:v4+s20+$0x0], $0xffff  }
0xa6: {  	v9 =	vld [tilespmem:s15+$0xFFFFFFE0]  }
0xa7: {  	v2 =	vld [tilespmem:s15+$0x20]  }
.Ltmp3:
0xa8: {  	v3 =	vld [tilespmem:s15+$0xFFFFFFD0];
	(pc) =	sbr.rel @p0 .LBB2_8-.Ltmp3, $3  }
0xa9: {  	v4 =	vld [tilespmem:s15+$0x0];
	_ =	sdelay $0x1  }
0xaa: {  	v6 =	vmul.f32 v6, v1;
	v8 =	vmul.f32 v5, v1  }
0xab: {  	v7 =	vmul.f32 v7, v1;
	v5 =	vmul.f32 v9, v1  }
0xac: {  	[tilespmem:s0+$0x30] =	vst v8  }
0xad: {  	[tilespmem:s0+$0xFFFFFFC0] =	vst v6  }
0xae: {  	v0 =	vmul.f32 v0, v1;
	[tilespmem:s0+$0x10] =	vst v7  }
0xaf: {  	v2 =	vmul.f32 v2, v1;
	[tilespmem:s0+$0xFFFFFFE0] =	vst v5  }
0xb0: {  	v63 =	vmul.f32 v3, v1;
	[tilespmem:s0+$0xFFFFFFF0] =	vst v0  }
0xb1: {  	v4 =	vmul.f32 v4, v1;
	[tilespmem:s0+$0x20] =	vst v2  }
0xb2: {  	[tilespmem:s0+$0xFFFFFFD0] =	vst v63  }
0xb3: {  	s31 =	simm.s32 $0x4DD0;
	[tilespmem:s0+$0x0] =	vst v4  }
0xb4: {  	[spmem:s3] =	stream.indirect.scatter.add.f32 [tilespmem:s19], [sflag:$0x5], $0x80, s31, s18, $0xb8;
	[tilespmem:$0x1D740] =	vst v63  }
0xb5: {  	_ =	swait.ge [sflag:s14], $0x2800  }
0xb6: {  	s30 =	sadd.s32 $0x1, s30;
	[sflag:s14] =	ssyncset.done $0x0  }
0xb7: {  	p0 =	sne.s32 s30, s13;
	[sflag:s14] =	ssyncadd.s32 $0xFFFFD800  }
.Ltmp4:
0xb8: {  	[bflag:$0x0] =	sbarrier.arrive $0xFFFF;
	(pc) =	sbr.rel @p0 .LBB2_1-.Ltmp4, $4  }
0xb9: {  	[hbm:s12], [sflag:s16] =	dma.local [spmem:s17], $0x2710  }
0xba: {  	_ =	swait.ge [sflag:s14], $0x2710  }
0xbb: {  	[sflag:s14] =	ssyncset.done $0x0  }
0xbc: {  	[sflag:s14] =	ssyncadd.s32 $0xFFFFD8F0  }
0xbd: {  	_ =	sfence.sel $0x180000  }
0xbe: {  	[bflag:$0x0] =	sbarrier.arrive $0xFFFF  }
0xbf: {  	_ =	strace $0x9000004A  }
0xc0: {  	s0 =	stileid.u32;
	[bflag:$0x2] =	sbarrier.arrive $0xFFFF  }
0xc1: {  	p0 =	sne.s32 s0, $0x0;
	s0 =	rddreg [dreg:$0x3]  }
0xc2: {  	s0 =	sadd.s32 @!p0 $0x100000, s0  }
0xc3: {  	[sflag:s0] =	ssyncadd.tile.s32 @!p0 $0x1;
	_ =	shalt  }
.Lfunc_end2:
_tile_overlayer_lowered:
.L_overlay_start_2:
0xc4: {  	(tag) =	ssettag $0x2  }
0xc5: {  	s0 =	rddreg [dreg:$0x0];
	s2 =	stileid.u32  }
0xc6: {  	s1 =	rddreg [dreg:$0x1];
	p0 =	sne.s32 s2, $0x0  }
0xc7: {  	s3 =	rddreg [dreg:$0x2];
	[bflag:$0x3] =	sbarrier.arrive $0xFFFF;
	s2 =	simm.s32 @!p0 $0x1C05  }
0xc8: {  	[timem:s3], [sflag:s2] =	dma.local @!p0 [hbm:s0], s1  }
0xc9: {  	s0 =	simm.s32 @!p0 $0x5  }
0xca: {  	_ =	swait.ge @!p0 [sflag:s0], s1  }
0xcb: {  	s1 =	ssub.s32 @!p0 $0x0, s1;
	[sflag:s0] =	ssyncset.done @!p0 $0x0  }
0xcc: {  	[sflag:s0] =	ssyncadd.s32 @!p0 s1  }
0xcd: {  	[bflag:$0x3] =	sbarrier.arrive $0xFFFF  }
0xce: {  	_ =	shalt  }

// kernel: row_pass.7.cloned.1.call-start
scs
__scs_entry_jumppad:
0x0: {  	(pc) =	sbr.rel $0x88, $3  }
0x1: {  	(tag) =	ssettag $0x0;
	lr =	simm.s32 $0x1  }
0x2: {  	[smem:$0x3F92] =	sst lr;
	_ =	strace $0xD0000000  }
0x3: {  	_ = 	snop  }
0x4: {  	_ = 	snop  }
0x5: {  	_ = 	snop  }
0x6: {  	_ = 	snop  }
0x7: {  	_ = 	snop  }
__scs_overlays_trampoline_lowered:
0x8: {  	[smem:$0x3FA1] =	sst s0  }
0x9: {  	[smem:$0x3FA2] =	sst s1  }
0xa: {  	[smem:$0x3FA3] =	sst s2  }
0xb: {  	[smem:$0x3FA4] =	sst s3  }
0xc: {  	[smem:$0x3FA5] =	sst s4  }
0xd: {  	[smem:$0x3FA6] =	sst s5  }
0xe: {  	[smem:$0x3FA7] =	sst s6  }
0xf: {  	[smem:$0x3FA8] =	sst s7  }
0x10: {  	[smem:$0x3FA9] =	sst s8  }
0x11: {  	[smem:$0x3FAA] =	sst s9;
	s0 =	simm.s32 @!p0 $0x0  }
0x12: {  	s1 =	sld [smem:$0x3F90];
	s0 =	simm.s32 @p0 $0x1  }
0x13: {  	[smem:$0x3FAB] =	sst s0;
	s0 =	simm.s32 @!p1 $0x0  }
0x14: {  	s2 =	sld [smem:$0x3F8F];
	s0 =	simm.s32 @p1 $0x1  }
0x15: {  	[smem:$0x3FAC] =	sst s0;
	s0 =	simm.s32 @!p2 $0x0  }
0x16: {  	s3 =	sld [smem:$0x3FDB];
	s0 =	simm.s32 @p2 $0x1  }
0x17: {  	s4 =	simm.s32 $0x1BF5;
	[smem:$0x3FAE] =	sst s0  }
0x18: {  	s0 =	sld [smem:$0x3F91];
	_ =	swait.ge [sflag:s4], $0x0  }
0x19: {  	s7 =	sld [smem:$0x3F92]  }
0x1a: {  	s8 =	sadd.s32 $0xFFFFE003, lr  }
0x1b: {  	s9 =	sadd.s32 $0xFFFFFEF7, lr;
	s5 =	simm.s32 $0xFFFFFFFF;
	p2 =	slt.u32 s8, $0xFFFFF086  }
0x1c: {  	p1 =	slt.u32 s9, $0xF7A;
	s5 =	simm.s32 @!p2 $0x0  }
0x1d: {  	s5 =	simm.s32 @p1 $0x1;
	p0 =	seq.s32 s7, s2  }
0x1e: {  	s7 =	smul.u32 @!p0 $0xF7A, s2;
	p2 =	seq.s32 @!p0 s5, $0x0  }
0x1f: {  	s9 =	smul.u32 $0xF7A, s1;
	s8 =	simm.s32 @!p0 $0x1BF5;
	p2 =	por !p2, p0  }
0x20: {  	[sflag:s8] =	ssyncset.s32 @!p0 $0xFFFFF086;
	s6 =	sadd.s32 @!p0 s3, s7;
	s7 =	simm.s32 @!p0 $0x108  }
0x21: {  	s3 =	sadd.s32 s3, s9;
	s6 =	sadd.s32 @!p0 $0x88, s6;
	s7 =	simm.s32 @p2 $0x1082  }
0x22: {  	[simem:s7], [sflag:s8] =	dma.local @!p0 [hbm:s6], $0xF7A  }
0x23: {  	s9 =	sor.u32 $0xD0000000, s2;
	s6 =	simm.s32 $0x108;
	_ =	swait.ge @!p0 [sflag:s8], $0x0  }
0x24: {  	s3 =	sadd.s32 $0x88, s3;
	s6 =	simm.s32 @!p1 $0x1082;
	[sflag:s4] =	ssyncset.s32 $0xFFFFF086  }
0x25: {  	[simem:s6], [sflag:s4] =	dma.local [hbm:s3], $0xF7A  }
0x26: {  	[smem:$0x3F92] =	sst s1;
	(tag) =	ssettag s2;
	_ =	strace s9  }
0x27: {  	s1 =	sld [smem:$0x3FA2]  }
0x28: {  	s2 =	sld [smem:$0x3FA3]  }
0x29: {  	s4 =	sld [smem:$0x3FA5]  }
0x2a: {  	p0 =	seq.s32 s5, $0x0;
	s5 =	sld [smem:$0x3FA6]  }
0x2b: {  	s6 =	sld [smem:$0x3FA7]  }
0x2c: {  	s7 =	sld [smem:$0x3FA8]  }
0x2d: {  	s3 =	simm.s32 $0x108;
	s8 =	sld [smem:$0x3FA9]  }
0x2e: {  	s3 =	simm.s32 @!p0 $0x1082;
	s9 =	sld [smem:$0x3FAA]  }
0x2f: {  	lr =	sadd.s32 s0, s3;
	s0 =	sld [smem:$0x3FA1]  }
0x30: {  	s3 =	sld [smem:$0x3FA4]  }
0x31: {  	[smem:$0x3FAD] =	sst s10  }
0x32: {  	s10 =	sld [smem:$0x3FAB];
	_ =	sdelay $0x3  }
0x33: {  	p0 =	seq.s32 s10, $0x1;
	s10 =	sld [smem:$0x3FAD];
	_ =	sdelay $0x3  }
0x34: {  	[smem:$0x3FAD] =	sst s10  }
0x35: {  	s10 =	sld [smem:$0x3FAC];
	_ =	sdelay $0x3  }
0x36: {  	p1 =	seq.s32 s10, $0x1;
	s10 =	sld [smem:$0x3FAD];
	_ =	sdelay $0x3  }
0x37: {  	[smem:$0x3FAD] =	sst s10  }
0x38: {  	s10 =	sld [smem:$0x3FAE]  }
0x39: {  	_ = 	snop;
	(pc) =	sbr.ind lr, $3  }
0x3a: {  	_ = 	snop  }
0x3b: {  	_ = 	snop  }
0x3c: {  	p2 =	seq.s32 s10, $0x1;
	s10 =	sld [smem:$0x3FAD]  }
0x3d: {  	_ =	shalt  }
0x3e: {  	_ =	shalt  }
0x3f: {  	_ =	shalt  }
0x40: {  	_ =	shalt  }
0x41: {  	_ =	shalt  }
0x42: {  	_ =	shalt  }
0x43: {  	_ =	shalt  }
0x44: {  	_ =	shalt  }
0x45: {  	_ =	shalt  }
0x46: {  	_ =	shalt  }
0x47: {  	_ =	shalt  }
0x48: {  	_ =	shalt  }
0x49: {  	_ =	shalt  }
0x4a: {  	_ =	shalt  }
0x4b: {  	_ =	shalt  }
0x4c: {  	_ =	shalt  }
0x4d: {  	_ =	shalt  }
0x4e: {  	_ =	shalt  }
0x4f: {  	_ =	shalt  }
0x50: {  	_ =	shalt  }
0x51: {  	_ =	shalt  }
0x52: {  	_ =	shalt  }
0x53: {  	_ =	shalt  }
0x54: {  	_ =	shalt  }
0x55: {  	_ =	shalt  }
0x56: {  	_ =	shalt  }
0x57: {  	_ =	shalt  }
0x58: {  	_ =	shalt  }
0x59: {  	_ =	shalt  }
0x5a: {  	_ =	shalt  }
0x5b: {  	_ =	shalt  }
0x5c: {  	_ =	shalt  }
0x5d: {  	_ =	shalt  }
0x5e: {  	_ =	shalt  }
0x5f: {  	_ =	shalt  }
0x60: {  	_ =	shalt  }
0x61: {  	_ =	shalt  }
0x62: {  	_ =	shalt  }
0x63: {  	_ =	shalt  }
0x64: {  	_ =	shalt  }
0x65: {  	_ =	shalt  }
0x66: {  	_ =	shalt  }
0x67: {  	_ =	shalt  }
0x68: {  	_ =	shalt  }
0x69: {  	_ =	shalt  }
0x6a: {  	_ =	shalt  }
0x6b: {  	_ =	shalt  }
0x6c: {  	_ =	shalt  }
0x6d: {  	_ =	shalt  }
0x6e: {  	_ =	shalt  }
0x6f: {  	_ =	shalt  }
0x70: {  	_ =	shalt  }
0x71: {  	_ =	shalt  }
0x72: {  	_ =	shalt  }
0x73: {  	_ =	shalt  }
0x74: {  	_ =	shalt  }
0x75: {  	_ =	shalt  }
0x76: {  	_ =	shalt  }
0x77: {  	_ =	shalt  }
0x78: {  	_ =	shalt  }
0x79: {  	_ =	shalt  }
0x7a: {  	_ =	shalt  }
0x7b: {  	_ =	shalt  }
0x7c: {  	_ =	shalt  }
0x7d: {  	_ =	shalt  }
0x7e: {  	_ =	shalt  }
0x7f: {  	_ =	shalt  }
0x80: {  	_ =	shalt  }
0x81: {  	_ =	shalt  }
0x82: {  	_ =	shalt  }
0x83: {  	_ =	shalt  }
0x84: {  	_ =	shalt  }
0x85: {  	_ =	shalt  }
0x86: {  	_ =	shalt  }
0x87: {  	_ =	shalt  }
.Lfunc_end0:
.L_simem_size_0:
called_computation.3_lowered:
.L_overlay_start_0:
0x88: {  	s2 =	sld [smem:$0x3FD9]  }
0x89: {  	s3 =	sld [smem:$0x3FFE];
	_ =	sdelay $0x1  }
0x8a: {  	s1 =	srdreg.scid  }
0x8b: {  	s0 =	sand.u32 $0x1, s1  }
0x8c: {  	s17 =	sshll.u32 s0, $0xA;
	s2 =	sadd.s32 s3, s2  }
0x8d: {  	s2 =	sadd.s32 s2, s17  }
0x8e: {  	[smem:$0x3FB9] =	sst s2  }
0x8f: {  	_ = 	snop  }
0x90: {  	s2 =	sld [smem:$0x3FD0];
	(tm) =	ssettm $0x1  }
0x91: {  	s18 =	sld [smem:$0x3FFB];
	_ =	sdelay $0x3  }
0x92: {  	_ =	strace s18  }
0x93: {  	s3 =	sld [smem:$0x3FFC];
	_ =	sdelay $0x3  }
0x94: {  	_ =	strace s3  }
0x95: {  	s3 =	sld [smem:$0x3FFD];
	_ =	sdelay $0x3  }
0x96: {  	_ =	strace s3  }
0x97: {  	_ =	strace $0x8FFFFFFF  }
0x98: {  	s19 =	sld [smem:$0x3FDB];
	_ =	sdelay $0x1  }
0x99: {  	s4 =	simm.s32 $_scs_section_size  }
0x9a: {  	s5 =	simm.s32 $_size__tile_overlayer_lowered;
	s6 =	simm.s32 $_tile_overlayer_lowered  }
0x9b: {  	s22 =	simm.s32 $0x1BFF;
	s21 =	sshll.u32 s6, $0x1;
	s3 =	sadd.s32 s4, s19  }
0x9c: {  	s7 =	simm.s32 $0x0;
	s20 =	sshll.u32 s5, $0x1;
	s5 =	sadd.s32 s21, s3  }
0x9d: {  	[timem:s7], [sflag:s22] =	dma.local [hbm:s5], s20  }
0x9e: {  	_ =	swait.ge [sflag:s22], s20  }
0x9f: {  	s4 =	ssub.s32 $0x0, s20;
	[sflag:s22] =	ssyncset.done $0x0  }
0xa0: {  	[sflag:s22] =	ssyncadd.s32 s4;
	_ =	sdelay $0x1  }
0xa1: {  	s23 =	simm.s32 $0x1B8B  }
0xa2: {  	_ =	swait.ge [sflag:s23], $0x1  }
0xa3: {  	[sflag:s23] =	ssyncset.done $0x0  }
0xa4: {  	s25 =	simm.s32 $0x1B8E;
	s24 =	sld [smem:$0x3FFE];
	[sflag:s23] =	ssyncadd.s32 $0xFFFFFFFF  }
0xa5: {  	s26 =	simm.s32 $execute0_lowered;
	[smem:$0x3FD2] =	sst s25  }
0xa6: {  	s5 =	sshll.u32 s26, $0x1;
	_ =	strace $0x8000004F;
	[dreg:$0x1] =	wrdreg $0xFFFFFFFF  }
0xa7: {  	s28 =	simm.s32 $_size_execute0_lowered;
	s3 =	sadd.s32 s3, s5;
	[dreg:$0x0] =	wrdreg $0x0  }
0xa8: {  	s5 =	sshll.u32 s28, $0x1;
	[dreg:$0x2] =	wrdreg s3  }
0xa9: {  	[dreg:$0x3] =	wrdreg s5  }
0xaa: {  	[dreg:$0x4] =	wrdreg $0xC0  }
0xab: {  	_ =	task [dreg:s7], $0x5FFFF  }
0xac: {  	[dreg:$0x1] =	wrdreg $0xFFFFFFFF  }
0xad: {  	[dreg:$0x0] =	wrdreg $0x60  }
0xae: {  	[dreg:$0x2] =	wrdreg s2  }
0xaf: {  	[dreg:$0x3] =	wrdreg s24  }
0xb0: {  	[dreg:$0x4] =	wrdreg $0x9EC00  }
0xb1: {  	[dreg:$0x5] =	wrdreg $0x9  }
0xb2: {  	_ =	task.clear_ibuf [dreg:s7], $0x6FFFF;
	_ =	strace $0x9000004F  }
0xb3: {  	s29 =	simm.s32 $0x9;
	_ =	strace $0x80000051  }
0xb4: {  	_ =	swait.ge [sflag:s29], $0x1  }
0xb5: {  	[sflag:s29] =	ssyncadd.s32 $0xFFFFFFFF  }
0xb6: {  	_ =	strace $0x90000051  }
0xb7: {  	_ =	sfence  }
0xb8: {  	s30 =	sld [smem:$0x0];
	_ =	sdelay $0x2  }
0xb9: {  	s31 =	sshll.u32 s1, $0xD;
	s1 =	sshrl.u32 s1, $0x2  }
0xba: {  	s3 =	sand.u32 $0x4000, s31;
	s1 =	sadd.s32 s1, s30  }
0xbb: {  	s0 =	sor.u32 s3, s0;
	s1 =	sshll.u32 s1, $0x11  }
0xbc: {  	s0 =	sor.u32 s1, s0  }
0xbd: {  	s0 =	sadd.s32 $0x8F2B, s0  }
0xbe: {  	[sflag:s0] =	ssyncadd.remote.s32 $0x1  }
0xbf: {  	_ =	sfence.sel $0xFFFF  }
0xc0: {  	[dreg:$0x0] =	wrdreg $0xFFFFFFFF;
	(pc) =	sbr.abs _section_cstart, $3  }
0xc1: {  	[dreg:$0x1] =	wrdreg $0xFFFFFFFF  }
0xc2: {  	_ =	task.clear_ibuf [dreg:s7], $0x2FFFF;
	_ =	strace $0x9FFFFFFF  }
0xc3: {  	(tm) =	ssettm $0x7FFFFFFF  }
tec
execute0_lowered:
.L_overlay_start_1:
0x0: {  	(tag) =	ssettag $0x1  }
0x1: {  	s0 =	srdreg.scid;
	s1 =	rddreg [dreg:$0x0]  }
0x2: {  	s15 =	stileid.u32;
	s8 =	rddreg [dreg:$0x1]  }
0x3: {  	s3 =	rddreg [dreg:$0x2];
	s5 =	simm.s32 $0x0;
	s14 =	simm.s32 $0x5  }
0x4: {  	s18 =	simm.s32 $0x50;
	s19 =	simm.s32 $0x4E20;
	s20 =	simm.s32 $0x9E20  }
0x5: {  	s21 =	simm.s32 $0x7620;
	s22 =	simm.s32 $0x9E70;
	s23 =	simm.s32 $0x1  }
0x6: {  	s24 =	simm.s32 $0x3;
	s25 =	simm.s32 $0x2;
	s26 =	simm.s32 $0x4  }
0x7: {  	s30 =	simm.s32 $0x0;
	s0 =	sand.u32 $0x1, s0;
	s2 =	sshll.u32 s15, $0x1  }
0x8: {  	s28 =	smul.u32 $0x13880, s15;
	[smem:$0x7FF] =	sst s5;
	s29 =	sadd.s32 $0x55800, s8  }
0x9: {  	s31 =	sshll.u32 s15, $0x6;
	s2 =	sor.u32 s0, s2;
	s6 =	smul.u32 $0x138800, s0  }
0xa: {  	_ =	strace $0x80000050;
	s0 =	ssub.s32 $0x2, s0;
	[dreg:$0x4] =	wrdreg s29  }
0xb: {  	s16 =	sor.u32 $0x1C05, s31;
	s4 =	smul.u32 $0x2710, s2;
	s12 =	sshrl.u32 s0, $0x1  }
0xc: {  	s2 =	sadd.s32 s28, s3;
	s7 =	sadd.s32 s28, s6;
	s6 =	sadd.s32 $0x41C00, s8  }
0xd: {  	s0 =	ssub.s32 s0, s12;
	s10 =	sshrl.u32 s4, $0x3;
	s11 =	sshrl.u32 s7, $0x3  }
0xe: {  	s17 =	sshrl.u32 s2, $0x3;
	s9 =	sadd.s32 s10, s8;
	s13 =	sadd.s32 s11, s8  }
0xf: {  	s10 =	sadd.s32 s6, s10;
	s8 =	sadd.s32 $0x1A600, s9;
	s9 =	sadd.s32 $0x24240, s9  }
0x10: {  	s11 =	sadd.s32 $0x4D8, s10;
	s12 =	sadd.s32 $0x58000, s13;
	s13 =	smax.u32 s0, $0x1  }
.LBB2_1:
0x11: {  	[tilespmem:s5], [sflag:$0x5] =	stream.linear.gather [hbm4b:s8+s5], $0x2710, $0x38;
	[tilespmem:$0x1D740] =	vst v63  }
0x12: {  	_ =	swait.ge [sflag:s14], $0x2710  }
0x13: {  	[sflag:s14] =	ssyncset.done $0x0  }
0x14: {  	s0 =	simm.s32 $0x2710;
	[sflag:s14] =	ssyncadd.s32 $0xFFFFD8F0  }
0x15: {  	[tilespmem:s0], [sflag:$0x5] =	stream.linear.gather [hbm4b:s9+s5], $0x2710, $0x38;
	[tilespmem:$0x1D740] =	vst v63  }
0x16: {  	_ =	swait.ge [sflag:s14], $0x2710  }
0x17: {  	[sflag:s14] =	ssyncset.done $0x0  }
0x18: {  	s29 =	rddreg [dreg:$0x4];
	[sflag:s14] =	ssyncadd.s32 $0xFFFFD8F0  }
0x19: {  	[spmem:s17], [sflag:s16] =	dma.local [hbm:s29], $0x2710  }
0x1a: {  	_ =	swait.ge [sflag:s14], $0x2710  }
0x1b: {  	[sflag:s14] =	ssyncset.done $0x0  }
0x1c: {  	[sflag:s14] =	ssyncadd.s32 $0xFFFFD8F0  }
0x1d: {  	[bflag:$0x0] =	sbarrier.arrive $0xFFFF  }
0x1e: {  	[tilespmem:s19], [sflag:$0x1] =	stream.indirect.gather [hbm4b:s1+s18], $0x80, s5, s18, $0xb8;
	[tilespmem:$0x1D740] =	vst v63  }
0x1f: {  	s31 =	simm.s32 $0x0  }
0x20: {  	[tilespmem:s20], [sflag:$0x3] =	stream.linear.gather [hbm4b:s10+s5], $0x50, $0x38;
	[tilespmem:$0x1D740] =	vst v63  }
.LBB2_2:
0x21: {  	s0 =	smul.u32 $0xA0, s31;
	_ =	sdelay $0x1  }
0x22: {  	s2 =	sadd.s32 $0x50, s0  }
0x23: {  	[tilespmem:s21], [sflag:$0x2] =	stream.indirect.gather [hbm4b:s1+s18], $0x80, s2, s18, $0xb8;
	[tilespmem:$0x1D740] =	vst v63  }
0x24: {  	s15 =	sadd.s32 s4, s2  }
0x25: {  	s15 =	sshrl.u32 s15, $0x3  }
0x26: {  	s28 =	simm.s32 $0x0;
	s15 =	sadd.s32 s6, s15  }
0x27: {  	[tilespmem:s22], [sflag:$0x4] =	stream.linear.gather [hbm4b:s15+s28], $0x50, $0x38;
	[tilespmem:$0x1D740] =	vst v63  }
0x28: {  	_ =	swait.ge [sflag:s23], $0x2800  }
0x29: {  	[sflag:s23] =	ssyncset.done $0x0  }
0x2a: {  	[sflag:s23] =	ssyncadd.s32 $0xFFFFD800  }
0x2b: {  	_ =	swait.ge [sflag:s24], $0x50  }
0x2c: {  	v0 =	vmov s28;
	[sflag:s24] =	ssyncset.done $0x0  }
0x2d: {  	s15 =	simm.s32 $0x4E60;
	[sflag:s24] =	ssyncadd.s32 $0xFFFFFFB0  }
0x2e: {  	v4 =	vld [tilespmem:s15+$0x30]  }
0x2f: {  	v7 =	vld [tilespmem:s15+$0x10]  }
0x30: {  	v5 =	vld [tilespmem:s15+$0xFFFFFFC0]  }
0x31: {  	v1 =	vld.idx.msk [tilespmem:v0+s20+$0x0], $0xffff  }
0x32: {  	v9 =	vld [tilespmem:s15+$0xFFFFFFE0]  }
0x33: {  	v0 =	vld [tilespmem:s15+$0xFFFFFFF0]  }
0x34: {  	v2 =	vld [tilespmem:s15+$0x20]  }
0x35: {  	v3 =	vld [tilespmem:s15+$0xFFFFFFD0]  }
0x36: {  	v8 =	vmul.f32 v4, v1;
	v4 =	vld [tilespmem:s15+$0x0]  }
0x37: {  	v6 =	vmul.f32 v5, v1  }
0x38: {  	s29 =	simm.s32 $0x4E60;
	s28 =	simm.s32 $0x1;
	v5 =	vmul.f32 v9, v1;
	v7 =	vmul.f32 v7, v1  }
.LBB2_3:
0x39: {  	p0 =	sne.s32 s28, $0x4F  }
0x3a: {  	v3 =	vmul.f32 v3, v1;
	v2 =	vmul.f32 v2, v1;
	[tilespmem:s15+$0x30] =	vst v8;
	s29 =	sadd.s32 $0x80, s29;
	s7 =	smov.u32 s28;
	s28 =	sadd.s32 $0x1, s28  }
0x3b: {  	[tilespmem:s15+$0xFFFFFFC0] =	vst v6;
	v6 =	vmul.f32 v0, v1;
	v1 =	vmul.f32 v4, v1  }
0x3c: {  	[tilespmem:s15+$0x10] =	vst v7  }
0x3d: {  	v4 =	vmov s7;
	[tilespmem:s15+$0xFFFFFFE0] =	vst v5  }
0x3e: {  	v0 =	vld [tilespmem:s29+$0xFFFFFFF0];
	[tilespmem:s15+$0xFFFFFFF0] =	vst v6  }
0x3f: {  	v5 =	vld [tilespmem:s29+$0x30];
	[tilespmem:s15+$0x0] =	vst v1  }
0x40: {  	v7 =	vld [tilespmem:s29+$0x10];
	[tilespmem:s15+$0x20] =	vst v2  }
0x41: {  	v6 =	vld [tilespmem:s29+$0xFFFFFFC0];
	[tilespmem:s15+$0xFFFFFFD0] =	vst v3;
	s15 =	smov.u32 s29  }
0x42: {  	v1 =	vld.idx.msk [tilespmem:v4+s20+$0x0], $0xffff  }
0x43: {  	v9 =	vld [tilespmem:s29+$0xFFFFFFE0]  }
0x44: {  	v2 =	vld [tilespmem:s29+$0x20]  }
.Ltmp0:
0x45: {  	v3 =	vld [tilespmem:s29+$0xFFFFFFD0];
	(pc) =	sbr.rel @p0 .LBB2_3-.Ltmp0, $3  }
0x46: {  	v4 =	vld [tilespmem:s29+$0x0];
	_ =	sdelay $0x1  }
0x47: {  	v6 =	vmul.f32 v6, v1;
	v8 =	vmul.f32 v5, v1  }
0x48: {  	v7 =	vmul.f32 v7, v1;
	v5 =	vmul.f32 v9, v1  }
0x49: {  	[tilespmem:s15+$0x30] =	vst v8  }
0x4a: {  	[tilespmem:s15+$0xFFFFFFC0] =	vst v6  }
0x4b: {  	v0 =	vmul.f32 v0, v1;
	[tilespmem:s15+$0x10] =	vst v7  }
0x4c: {  	v2 =	vmul.f32 v2, v1;
	[tilespmem:s15+$0xFFFFFFE0] =	vst v5  }
0x4d: {  	s7 =	smul.u32 $0x280, s31;
	v4 =	vmul.f32 v4, v1;
	[tilespmem:s15+$0xFFFFFFF0] =	vst v0  }
0x4e: {  	v0 =	vmul.f32 v3, v1;
	[tilespmem:s15+$0x20] =	vst v2  }
0x4f: {  	s7 =	sshra.s32 s7, $0x2;
	[tilespmem:s15+$0x0] =	vst v4  }
0x50: {  	s7 =	sadd.s32 $0x2710, s7;
	[tilespmem:s15+$0xFFFFFFD0] =	vst v0  }
0x51: {  	[spmem:s3] =	stream.indirect.scatter.add.f32 [tilespmem:s19], [sflag:$0x5], $0x80, s7, s18, $0xb8;
	[tilespmem:$0x1D740] =	vst v63  }
0x52: {  	p0 =	seq.s32 s31, $0x3D;
	_ =	swait.ge [sflag:s14], $0x2800  }
0x53: {  	s0 =	sadd.s32 @!p0 $0xA0, s0;
	[sflag:s14] =	ssyncset.done $0x0  }
0x54: {  	s15 =	simm.s32 @!p0 $0x4E20;
	s7 =	simm.s32 @!p0 $0x50;
	[sflag:s14] =	ssyncadd.s32 $0xFFFFD800  }
0x55: {  	[tilespmem:s15], [sflag:$0x1] =	stream.indirect.gather @!p0 [hbm4b:s1+s7], $0x80, s0, s7, $0xb8;
	[tilespmem:$0x1D740] =	vst v63  }
0x56: {  	s0 =	sadd.s32 @!p0 s4, s0  }
0x57: {  	s0 =	sshrl.u32 @!p0 s0, $0x3  }
0x58: {  	s7 =	simm.s32 @!p0 $0x0;
	s15 =	simm.s32 @!p0 $0x9E20;
	s0 =	sadd.s32 @!p0 s6, s0  }
0x59: {  	[tilespmem:s15], [sflag:$0x3] =	stream.linear.gather @!p0 [hbm4b:s0+s7], $0x50, $0x38;
	[tilespmem:$0x1D740] =	vst v63  }
0x5a: {  	_ =	swait.ge [sflag:s25], $0x2800  }
0x5b: {  	[sflag:s25] =	ssyncset.done $0x0  }
0x5c: {  	[sflag:s25] =	ssyncadd.s32 $0xFFFFD800  }
0x5d: {  	s29 =	simm.s32 $0x0;
	_ =	swait.ge [sflag:s26], $0x50  }
0x5e: {  	v0 =	vmov s29;
	[sflag:s26] =	ssyncset.done $0x0  }
0x5f: {  	s0 =	simm.s32 $0x7660;
	[sflag:s26] =	ssyncadd.s32 $0xFFFFFFB0  }
0x60: {  	v4 =	vld [tilespmem:s0+$0x30]  }
0x61: {  	v7 =	vld [tilespmem:s0+$0x10]  }
0x62: {  	v5 =	vld [tilespmem:s0+$0xFFFFFFC0]  }
0x63: {  	v1 =	vld.idx.msk [tilespmem:v0+s22+$0x0], $0xffff  }
0x64: {  	v9 =	vld [tilespmem:s0+$0xFFFFFFE0]  }
0x65: {  	v0 =	vld [tilespmem:s0+$0xFFFFFFF0]  }
0x66: {  	v2 =	vld [tilespmem:s0+$0x20]  }
0x67: {  	v3 =	vld [tilespmem:s0+$0xFFFFFFD0]  }
0x68: {  	v8 =	vmul.f32 v4, v1;
	v4 =	vld [tilespmem:s0+$0x0]  }
0x69: {  	v6 =	vmul.f32 v5, v1  }
0x6a: {  	s28 =	simm.s32 $0x7660;
	s15 =	simm.s32 $0x1;
	v5 =	vmul.f32 v9, v1;
	v7 =	vmul.f32 v7, v1  }
.LBB2_5:
0x6b: {  	p0 =	sne.s32 s15, $0x4F  }
0x6c: {  	v3 =	vmul.f32 v3, v1;
	v2 =	vmul.f32 v2, v1;
	[tilespmem:s0+$0x30] =	vst v8;
	s28 =	sadd.s32 $0x80, s28;
	s7 =	smov.u32 s15;
	s15 =	sadd.s32 $0x1, s15  }
0x6d: {  	[tilespmem:s0+$0xFFFFFFC0] =	vst v6;
	v6 =	vmul.f32 v0, v1;
	v1 =	vmul.f32 v4, v1  }
0x6e: {  	[tilespmem:s0+$0x10] =	vst v7  }
0x6f: {  	v4 =	vmov s7;
	[tilespmem:s0+$0xFFFFFFE0] =	vst v5  }
0x70: {  	v0 =	vld [tilespmem:s28+$0xFFFFFFF0];
	[tilespmem:s0+$0xFFFFFFF0] =	vst v6  }
0x71: {  	v5 =	vld [tilespmem:s28+$0x30];
	[tilespmem:s0+$0x0] =	vst v1  }
0x72: {  	v7 =	vld [tilespmem:s28+$0x10];
	[tilespmem:s0+$0x20] =	vst v2  }
0x73: {  	v6 =	vld [tilespmem:s28+$0xFFFFFFC0];
	[tilespmem:s0+$0xFFFFFFD0] =	vst v3;
	s0 =	smov.u32 s28  }
0x74: {  	v1 =	vld.idx.msk [tilespmem:v4+s22+$0x0], $0xffff  }
0x75: {  	v9 =	vld [tilespmem:s28+$0xFFFFFFE0]  }
0x76: {  	v2 =	vld [tilespmem:s28+$0x20]  }
.Ltmp1:
0x77: {  	v3 =	vld [tilespmem:s28+$0xFFFFFFD0];
	(pc) =	sbr.rel @p0 .LBB2_5-.Ltmp1, $3  }
0x78: {  	v4 =	vld [tilespmem:s28+$0x0];
	_ =	sdelay $0x1  }
0x79: {  	v6 =	vmul.f32 v6, v1;
	v8 =	vmul.f32 v5, v1  }
0x7a: {  	v7 =	vmul.f32 v7, v1;
	v5 =	vmul.f32 v9, v1  }
0x7b: {  	[tilespmem:s0+$0x30] =	vst v8  }
0x7c: {  	[tilespmem:s0+$0xFFFFFFC0] =	vst v6  }
0x7d: {  	v0 =	vmul.f32 v0, v1;
	[tilespmem:s0+$0x10] =	vst v7  }
0x7e: {  	v2 =	vmul.f32 v2, v1;
	[tilespmem:s0+$0xFFFFFFE0] =	vst v5  }
0x7f: {  	v63 =	vmul.f32 v3, v1;
	[tilespmem:s0+$0xFFFFFFF0] =	vst v0  }
0x80: {  	s31 =	sadd.s32 $0x1, s31;
	v4 =	vmul.f32 v4, v1;
	[tilespmem:s0+$0x20] =	vst v2  }
0x81: {  	p0 =	sne.s32 s31, $0x3E;
	[tilespmem:s0+$0xFFFFFFD0] =	vst v63  }
.Ltmp2:
0x82: {  	s29 =	sadd.s32 $0x2710, s2;
	[tilespmem:s0+$0x0] =	vst v4;
	(pc) =	sbr.rel @p0 .LBB2_2-.Ltmp2, $4  }
0x83: {  	[spmem:s3] =	stream.indirect.scatter.add.f32 [tilespmem:s21], [sflag:$0x5], $0x80, s29, s18, $0xb8;
	[tilespmem:$0x1D740] =	vst v63  }
0x84: {  	_ =	swait.ge [sflag:s14], $0x2800  }
0x85: {  	[sflag:s14] =	ssyncset.done $0x0  }
0x86: {  	[sflag:s14] =	ssyncadd.s32 $0xFFFFD800  }
0x87: {  	s0 =	simm.s32 $0x26C0  }
0x88: {  	[tilespmem:s19], [sflag:$0x1] =	stream.indirect.gather [hbm4b:s1+s18], $0x80, s0, s18, $0xb8;
	[tilespmem:$0x1D740] =	vst v63  }
0x89: {  	s31 =	simm.s32 $0x0  }
0x8a: {  	[tilespmem:s20], [sflag:$0x3] =	stream.linear.gather [hbm4b:s11+s31], $0x50, $0x38;
	[tilespmem:$0x1D740] =	vst v63  }
0x8b: {  	_ =	swait.ge [sflag:s23], $0x2800  }
0x8c: {  	[sflag:s23] =	ssyncset.done $0x0  }
0x8d: {  	[sflag:s23] =	ssyncadd.s32 $0xFFFFD800  }
0x8e: {  	_ =	swait.ge [sflag:s24], $0x50  }
0x8f: {  	v0 =	vmov s31;
	[sflag:s24] =	ssyncset.done $0x0  }
0x90: {  	s0 =	simm.s32 $0x4E60;
	[sflag:s24] =	ssyncadd.s32 $0xFFFFFFB0  }
0x91: {  	v4 =	vld [tilespmem:s0+$0x30]  }
0x92: {  	v7 =	vld [tilespmem:s0+$0x10]  }
0x93: {  	v5 =	vld [tilespmem:s0+$0xFFFFFFC0]  }
0x94: {  	v1 =	vld.idx.msk [tilespmem:v0+s20+$0x0], $0xffff  }
0x95: {  	v9 =	vld [tilespmem:s0+$0xFFFFFFE0]  }
0x96: {  	v0 =	vld [tilespmem:s0+$0xFFFFFFF0]  }
0x97: {  	v2 =	vld [tilespmem:s0+$0x20]  }
0x98: {  	v3 =	vld [tilespmem:s0+$0xFFFFFFD0]  }
0x99: {  	v8 =	vmul.f32 v4, v1;
	v4 =	vld [tilespmem:s0+$0x0]  }
0x9a: {  	v6 =	vmul.f32 v5, v1  }
0x9b: {  	s2 =	simm.s32 $0x1;
	s15 =	simm.s32 $0x4E60;
	v5 =	vmul.f32 v9, v1;
	v7 =	vmul.f32 v7, v1  }
.LBB2_8:
0x9c: {  	p0 =	sne.s32 s2, $0x4F  }
0x9d: {  	v3 =	vmul.f32 v3, v1;
	v2 =	vmul.f32 v2, v1;
	[tilespmem:s0+$0x30] =	vst v8;
	s15 =	sadd.s32 $0x80, s15;
	s7 =	smov.u32 s2;
	s2 =	sadd.s32 $0x1, s2  }
0x9e: {  	[tilespmem:s0+$0xFFFFFFC0] =	vst v6;
	v6 =	vmul.f32 v0, v1;
	v1 =	vmul.f32 v4, v1  }
0x9f: {  	[tilespmem:s0+$0x10] =	vst v7  }
0xa0: {  	v4 =	vmov s7;
	[tilespmem:s0+$0xFFFFFFE0] =	vst v5  }
0xa1: {  	v0 =	vld [tilespmem:s15+$0xFFFFFFF0];
	[tilespmem:s0+$0xFFFFFFF0] =	vst v6  }
0xa2: {  	v5 =	vld [tilespmem:s15+$0x30];
	[tilespmem:s0+$0x0] =	vst v1  }
0xa3: {  	v7 =	vld [tilespmem:s15+$0x10];
	[tilespmem:s0+$0x20] =	vst v2  }
0xa4: {  	v6 =	vld [tilespmem:s15+$0xFFFFFFC0];
	[tilespmem:s0+$0xFFFFFFD0] =	vst v3;
	s0 =	smov.u32 s15  }
0xa5: {  	v1 =	vld.idx.msk [tilespmem:v4+s20+$0x0], $0xffff  }
0xa6: {  	v9 =	vld [tilespmem:s15+$0xFFFFFFE0]  }
0xa7: {  	v2 =	vld [tilespmem:s15+$0x20]  }
.Ltmp3:
0xa8: {  	v3 =	vld [tilespmem:s15+$0xFFFFFFD0];
	(pc) =	sbr.rel @p0 .LBB2_8-.Ltmp3, $3  }
0xa9: {  	v4 =	vld [tilespmem:s15+$0x0];
	_ =	sdelay $0x1  }
0xaa: {  	v6 =	vmul.f32 v6, v1;
	v8 =	vmul.f32 v5, v1  }
0xab: {  	v7 =	vmul.f32 v7, v1;
	v5 =	vmul.f32 v9, v1  }
0xac: {  	[tilespmem:s0+$0x30] =	vst v8  }
0xad: {  	[tilespmem:s0+$0xFFFFFFC0] =	vst v6  }
0xae: {  	v0 =	vmul.f32 v0, v1;
	[tilespmem:s0+$0x10] =	vst v7  }
0xaf: {  	v2 =	vmul.f32 v2, v1;
	[tilespmem:s0+$0xFFFFFFE0] =	vst v5  }
0xb0: {  	v63 =	vmul.f32 v3, v1;
	[tilespmem:s0+$0xFFFFFFF0] =	vst v0  }
0xb1: {  	v4 =	vmul.f32 v4, v1;
	[tilespmem:s0+$0x20] =	vst v2  }
0xb2: {  	[tilespmem:s0+$0xFFFFFFD0] =	vst v63  }
0xb3: {  	s31 =	simm.s32 $0x4DD0;
	[tilespmem:s0+$0x0] =	vst v4  }
0xb4: {  	[spmem:s3] =	stream.indirect.scatter.add.f32 [tilespmem:s19], [sflag:$0x5], $0x80, s31, s18, $0xb8;
	[tilespmem:$0x1D740] =	vst v63  }
0xb5: {  	_ =	swait.ge [sflag:s14], $0x2800  }
0xb6: {  	s30 =	sadd.s32 $0x1, s30;
	[sflag:s14] =	ssyncset.done $0x0  }
0xb7: {  	p0 =	sne.s32 s30, s13;
	[sflag:s14] =	ssyncadd.s32 $0xFFFFD800  }
.Ltmp4:
0xb8: {  	[bflag:$0x0] =	sbarrier.arrive $0xFFFF;
	(pc) =	sbr.rel @p0 .LBB2_1-.Ltmp4, $4  }
0xb9: {  	[hbm:s12], [sflag:s16] =	dma.local [spmem:s17], $0x2710  }
0xba: {  	_ =	swait.ge [sflag:s14], $0x2710  }
0xbb: {  	[sflag:s14] =	ssyncset.done $0x0  }
0xbc: {  	[sflag:s14] =	ssyncadd.s32 $0xFFFFD8F0  }
0xbd: {  	_ =	sfence.sel $0x180000  }
0xbe: {  	[bflag:$0x0] =	sbarrier.arrive $0xFFFF  }
0xbf: {  	_ =	strace $0x90000050  }
0xc0: {  	s0 =	stileid.u32;
	[bflag:$0x2] =	sbarrier.arrive $0xFFFF  }
0xc1: {  	p0 =	sne.s32 s0, $0x0;
	s0 =	rddreg [dreg:$0x3]  }
0xc2: {  	s0 =	sadd.s32 @!p0 $0x100000, s0  }
0xc3: {  	[sflag:s0] =	ssyncadd.tile.s32 @!p0 $0x1;
	_ =	shalt  }
.Lfunc_end2:
_tile_overlayer_lowered:
.L_overlay_start_2:
0xc4: {  	(tag) =	ssettag $0x2  }
0xc5: {  	s0 =	rddreg [dreg:$0x0];
	s2 =	stileid.u32  }
0xc6: {  	s1 =	rddreg [dreg:$0x1];
	p0 =	sne.s32 s2, $0x0  }
0xc7: {  	s3 =	rddreg [dreg:$0x2];
	[bflag:$0x3] =	sbarrier.arrive $0xFFFF;
	s2 =	simm.s32 @!p0 $0x1C05  }
0xc8: {  	[timem:s3], [sflag:s2] =	dma.local @!p0 [hbm:s0], s1  }
0xc9: {  	s0 =	simm.s32 @!p0 $0x5  }
0xca: {  	_ =	swait.ge @!p0 [sflag:s0], s1  }
0xcb: {  	s1 =	ssub.s32 @!p0 $0x0, s1;
	[sflag:s0] =	ssyncset.done @!p0 $0x0  }
0xcc: {  	[sflag:s0] =	ssyncadd.s32 @!p0 s1  }
0xcd: {  	[bflag:$0x3] =	sbarrier.arrive $0xFFFF  }
0xce: {  	_ =	shalt  }

</sc_bundles>
